<compile_context>
chip_gen: v7x
topology: tpu7x:2x2x1
jax: 0.10.2.dev20260603
libtpu: 0.0.44.dev20260713+nightly
codegen_flags: <defaults>
</compile_context>

<pallas_src>
import functools

import jax
import jax.numpy as jnp
from jax import lax
from jax.experimental import pallas as pl
from jax.experimental.pallas import tpu as pltpu
from jax.experimental.pallas import tpu_sc as plsc

_GRID = 256
_HW = _GRID * _GRID
_HALF = _HW // 2
_PIECE = 4096


@functools.lru_cache(maxsize=None)
def _build(B, N):
    ROWS_PER_B = N // 64
    CHROWS = 64
    NCHUNK = (ROWS_PER_B // 2) // CHROWS
    assert NCHUNK % 2 == 0
    UNROLL = 8

    mesh = plsc.VectorSubcoreMesh(core_axis_name="c", subcore_axis_name="s")

    @functools.partial(
        pl.kernel,
        mesh=mesh,
        out_type=[
            jax.ShapeDtypeStruct((B * ROWS_PER_B, 128), jnp.int32),
            jax.ShapeDtypeStruct((B * _HW // 128, 128), jnp.int32),
            jax.ShapeDtypeStruct((32, _HALF), jnp.int32),
        ],
        scratch_types=[
            pltpu.VMEM((2, CHROWS, 128), jnp.float32),
            pltpu.VMEM((2, CHROWS, 128), jnp.int32),
            pltpu.VMEM((_HW,), jnp.int32),
            pltpu.VMEM((2, _PIECE), jnp.int32),
            pltpu.VMEM((2, 32, 128), jnp.int32),
            pltpu.SemaphoreType.DMA,
            pltpu.SemaphoreType.DMA,
            pltpu.SemaphoreType.DMA,
            pltpu.SemaphoreType.DMA,
        ],
        compiler_params=pltpu.CompilerParams(needs_layout_passes=False),
    )
    def _k(xy_hbm, q_hbm, vox_hbm, scr_hbm, xybuf, qbuf, hist, mbuf, stag,
           sem_in0, sem_in1, sem_out0, sem_out1):
        c = lax.axis_index("c")
        s = lax.axis_index("s")
        h = s % 2
        b = c * (B // 2) + s // 2
        w = c * 16 + s

        sem_in = (sem_in0, sem_in1)
        sem_out = (sem_out0, sem_out1)
        row0 = b * ROWS_PER_B + h * (ROWS_PER_B // 2)

        def in_copy(ci, k):
            return pltpu.make_async_copy(
                xy_hbm.at[pl.ds(row0 + ci * CHROWS, CHROWS), :],
                xybuf.at[k], sem_in[k])

        def out_copy(ci, k):
            return pltpu.make_async_copy(
                qbuf.at[k],
                q_hbm.at[pl.ds(row0 + ci * CHROWS, CHROWS), :],
                sem_out[k])

        ones = jnp.full((16,), 1, jnp.int32)
        zeros = jnp.zeros((16,), jnp.int32)

        in_copy(0, 0).start()

        @plsc.parallel_loop(0, _HW // (16 * 2 * UNROLL), unroll=2)
        def _zero(i):
            for u in range(2 * UNROLL):
                hist[pl.ds((i * 2 * UNROLL + u) * 16, 16)] = zeros

        def pair(gi, _):
            for k in range(2):
                ci = gi * 2 + k
                in_copy(ci, k).wait()

                @pl.when(ci + 1 < NCHUNK)
                def _():
                    in_copy(ci + 1, k ^ 1).start()

                @pl.when(gi >= 1)
                def _():
                    out_copy(ci - 2, k).wait()

                @plsc.parallel_loop(0, CHROWS // 2, unroll=2)
                def _points(t):
                    xr = 2 * t
                    yr = 2 * t + 1
                    for g in range(8):
                        sl = pl.ds(g * 16, 16)
                        qx = (xybuf[k, xr, sl] * float(_GRID - 1)).astype(
                            jnp.int32)
                        qy = (xybuf[k, yr, sl] * float(_GRID - 1)).astype(
                            jnp.int32)
                        qbuf[k, xr, sl] = qx
                        qbuf[k, yr, sl] = qy
                        plsc.addupdate_scatter(hist, [qx + (qy << 8)], ones)

                out_copy(ci, k).start()
            return 0

        lax.fori_loop(0, NCHUNK // 2, pair, 0)

        oh = (1 - h) * _HALF
        mh = h * _HALF
        vrow0 = b * (_HW // 128) + h * (_HALF // 128)
        pltpu.sync_copy(hist.at[pl.ds(oh, _HALF)], scr_hbm.at[w])
        out_copy(NCHUNK - 2, 0).wait()
        out_copy(NCHUNK - 1, 1).wait()
        plsc.subcore_barrier()

        NPIECE = _HALF // _PIECE

        def piece_in(p, k):
            return pltpu.make_async_copy(
                scr_hbm.at[c * 16 + (s ^ 1), pl.ds(p * _PIECE, _PIECE)],
                mbuf.at[k], sem_in[k])

        def vout_copy(P, kp):
            return pltpu.make_async_copy(
                stag.at[kp],
                vox_hbm.at[pl.ds(vrow0 + P * 32, 32), :], sem_out[kp])

        piece_in(0, 0).start()

        def mpair(gp, _):
            for kp in range(2):
                p = gp * 2 + kp
                piece_in(p, kp).wait()

                @pl.when(p + 1 < NPIECE)
                def _():
                    piece_in(p + 1, kp ^ 1).start()

                @pl.when(gp >= 1)
                def _():
                    vout_copy(p - 2, kp).wait()

                @plsc.parallel_loop(0, 32, unroll=2)
                def _madd(i):
                    row = (i >> 4) * 16 + (i & 1) * 8 + ((i >> 1) & 7)
                    for u in range(UNROLL):
                        sl = pl.ds(u * 16, 16)
                        src = mh + p * _PIECE + i * 128 + u * 16
                        stag[kp, row, sl] = (
                            hist[pl.ds(src, 16)]
                            + mbuf[kp, pl.ds(i * 128 + u * 16, 16)])

                vout_copy(p, kp).start()
            return 0

        lax.fori_loop(0, NPIECE // 2, mpair, 0)
        vout_copy(NPIECE - 2, 0).wait()
        vout_copy(NPIECE - 1, 1).wait()

    return _k


def kernel(xy):
    B, N, _ = xy.shape
    xt = (xy.reshape(B, N // 128, 128, 2)
          .transpose(0, 1, 3, 2)
          .reshape(B * N // 64, 128))
    q_flat, vox_flat, _scr = _build(B, N)(xt)
    q = (q_flat.reshape(B, N // 128, 2, 128)
         .transpose(0, 1, 3, 2)
         .reshape(B, N, 2))
    vox = (vox_flat.reshape(B, _GRID // 8, 2, 8, 128)
           .transpose(0, 1, 3, 2, 4)
           .reshape(B, _GRID, _GRID))
    return q, vox

# --- scband reference (transcript-rebuilt; emitter-appended) ---
"""Pipeline reference for scband-quantization-layer-446676598908 (READ-ONLY COPY).

The authoritative reference and input builder live on the scoring server;
editing this copy changes nothing except your own understanding.
"""

import jax, jax.numpy as jnp
import numpy as np

DIM = (256, 256)

def setup_inputs(seed: int = 0) -> dict:
    key = jax.random.key(seed)
    xy = jax.random.uniform(key, (16, 131072, 2), dtype=jnp.float32)
    return {"xy": xy}

def reference(xy):
    W, H = DIM
    B, N, C = xy.shape
    # quantize coordinates to integer grid (truncation, matching torch .int())
    q = (xy * (min(W, H) - 1)).astype(jnp.int32)
    x = q[:, :, 0].reshape(-1)
    y = q[:, :, 1].reshape(-1)
    # batch index per point (matches the torch loop filling b)
    b = jnp.repeat(jnp.arange(B, dtype=jnp.int32), N)
    idx = x + W * y + W * H * b
    values = jnp.ones(B * N, dtype=jnp.int32)
    vox = jnp.zeros(H * W * B, dtype=jnp.int32).at[idx].add(values)
    vox = vox.reshape(-1, H, W)
    return (q, vox)

if __name__ == "__main__":
    import jax
    _d = setup_inputs()
    print(jax.jit(kernel)(*tuple(_d.values())))

</pallas_src>

<mosaic_0001>
#map = affine_map<(d0, d1) -> (0, 0)>
module attributes {stable_mosaic.version = 14 : i64} {
  func.func @_k(%arg0: i32, %arg1: i32, %arg2: memref<32768x128xf32, #tpu.memory_space<hbm>>, %arg3: memref<32768x128xi32, #tpu.memory_space<hbm>>, %arg4: memref<8192x128xi32, #tpu.memory_space<hbm>>, %arg5: memref<32x32768xi32, #tpu.memory_space<hbm>>, %arg6: memref<2x64x128xf32, #tpu.memory_space<vmem>>, %arg7: memref<2x64x128xi32, #tpu.memory_space<vmem>>, %arg8: memref<65536xi32, #tpu.memory_space<vmem>>, %arg9: memref<2x4096xi32, #tpu.memory_space<vmem>>, %arg10: memref<2x32x128xi32, #tpu.memory_space<vmem>>, %arg11: memref<!tpu.dma_semaphore, #tpu.memory_space<semaphore_mem>>, %arg12: memref<!tpu.dma_semaphore, #tpu.memory_space<semaphore_mem>>, %arg13: memref<!tpu.dma_semaphore, #tpu.memory_space<semaphore_mem>>, %arg14: memref<!tpu.dma_semaphore, #tpu.memory_space<semaphore_mem>>) attributes {dimension_semantics = [#tpu.dimension_semantics<core_parallel>, #tpu.dimension_semantics<subcore_parallel>], iteration_bounds = array<i64: 2, 16>, scalar_prefetch = 0 : i64, scratch_operands = 9 : i64, tpu.core_type = #tpu.core_type<sc_vector_subcore>, window_params = [{transform_indices = #map}, {transform_indices = #map}, {transform_indices = #map}, {transform_indices = #map}]} {
    %jit3A = arith.constant 2 : i32
    %eq3A = arith.constant 0 : i32
    %eq3A_0 = arith.cmpi eq, %jit3A, %eq3A : i32
    %jit3A_1 = arith.constant 1 : i32
    %select_n3A = arith.select %eq3A_0, %jit3A_1, %jit3A : i32
    %rem3A = arith.remsi %arg1, %select_n3A : i32
    %ne3A = arith.constant 0 : i32
    %ne3A_2 = arith.cmpi ne, %rem3A, %ne3A : i32
    %lt3A = arith.constant 0 : i32
    %lt3A_3 = arith.cmpi slt, %rem3A, %lt3A : i32
    %lt3A_4 = arith.constant 0 : i32
    %lt3A_5 = arith.cmpi slt, %select_n3A, %lt3A_4 : i32
    %ne3A_6 = arith.xori %lt3A_3, %lt3A_5 : i1
    %and3A = arith.andi %ne3A_6, %ne3A_2 : i1
    %add3A = arith.addi %rem3A, %select_n3A : i32
    %select_n3A_7 = arith.select %and3A, %add3A, %rem3A : i32
    %mul3A = arith.constant 8 : i32
    %mul3A_8 = arith.muli %arg0, %mul3A : i32
    %jit3A_9 = arith.constant 2 : i32
    %div3A = arith.divsi %arg1, %jit3A_9 : i32
    %sign3A = arith.constant 0 : i32
    %sign3A_10 = arith.cmpi sgt, %arg1, %sign3A : i32
    %sign3A_11 = arith.extui %sign3A_10 : i1 to i32
    %sign3A_12 = arith.constant 0 : i32
    %sign3A_13 = arith.cmpi slt, %arg1, %sign3A_12 : i32
    %sign3A_14 = arith.extui %sign3A_13 : i1 to i32
    %sign3A_15 = arith.subi %sign3A_11, %sign3A_14 : i32
    %sign3A_16 = arith.constant 0 : i32
    %sign3A_17 = arith.cmpi sgt, %jit3A_9, %sign3A_16 : i32
    %sign3A_18 = arith.extui %sign3A_17 : i1 to i32
    %sign3A_19 = arith.constant 0 : i32
    %sign3A_20 = arith.cmpi slt, %jit3A_9, %sign3A_19 : i32
    %sign3A_21 = arith.extui %sign3A_20 : i1 to i32
    %sign3A_22 = arith.subi %sign3A_18, %sign3A_21 : i32
    %ne3A_23 = arith.cmpi ne, %sign3A_15, %sign3A_22 : i32
    %rem3A_24 = arith.remsi %arg1, %jit3A_9 : i32
    %ne3A_25 = arith.constant 0 : i32
    %ne3A_26 = arith.cmpi ne, %rem3A_24, %ne3A_25 : i32
    %and3A_27 = arith.andi %ne3A_23, %ne3A_26 : i1
    %sub3A = arith.constant 1 : i32
    %sub3A_28 = arith.subi %div3A, %sub3A : i32
    %select_n3A_29 = arith.select %and3A_27, %sub3A_28, %div3A : i32
    %add3A_30 = arith.addi %mul3A_8, %select_n3A_29 : i32
    %mul3A_31 = arith.constant 16 : i32
    %mul3A_32 = arith.muli %arg0, %mul3A_31 : i32
    %add3A_33 = arith.addi %mul3A_32, %arg1 : i32
    %mul3A_34 = arith.constant 2048 : i32
    %mul3A_35 = arith.muli %add3A_30, %mul3A_34 : i32
    %mul3A_36 = arith.constant 1024 : i32
    %mul3A_37 = arith.muli %select_n3A_7, %mul3A_36 : i32
    %add3A_38 = arith.addi %mul3A_35, %mul3A_37 : i32
    %broadcast_in_dim3A = arith.constant 1 : i32
    %broadcast_in_dim3A_39 = vector.broadcast %broadcast_in_dim3A : i32 to vector<16xi32>
    %broadcast_in_dim3A_40 = arith.constant 0 : i32
    %broadcast_in_dim3A_41 = vector.broadcast %broadcast_in_dim3A_40 : i32 to vector<16xi32>
    %add3A_42 = arith.constant 0 : i32
    %add3A_43 = arith.addi %add3A_38, %add3A_42 : i32
    %dma_start3A = arith.constant 0 : i32
    %dma_start3A_44 = arith.constant 0 : i32
    %dma_start3A_45 = arith.constant 0 : i32
    %dma_start3A_46 = tpu.memref_slice %arg6[%dma_start3A, %dma_start3A_44, %dma_start3A_45] : memref<2x64x128xf32, #tpu.memory_space<vmem>> -> memref<1x64x128xf32, #tpu.memory_space<vmem>>
    %dma_start3A_47 = tpu.memref_squeeze %dma_start3A_46 : memref<1x64x128xf32, #tpu.memory_space<vmem>> -> memref<64x128xf32, #tpu.memory_space<vmem>>
    %dma_start3A_48 = arith.constant 0 : i32
    %dma_start3A_49 = tpu.memref_slice %arg2[%add3A_43, %dma_start3A_48] : memref<32768x128xf32, #tpu.memory_space<hbm>> -> memref<64x128xf32, #tpu.memory_space<hbm>>
    %dma_start3A_50 = arith.constant 0 : i32
    %dma_start3A_51 = arith.constant 0 : i32
    %dma_start3A_52 = tpu.memref_slice %arg6[%dma_start3A, %dma_start3A_50, %dma_start3A_51] : memref<2x64x128xf32, #tpu.memory_space<vmem>> -> memref<1x64x128xf32, #tpu.memory_space<vmem>>
    %dma_start3A_53 = tpu.memref_squeeze %dma_start3A_52 : memref<1x64x128xf32, #tpu.memory_space<vmem>> -> memref<64x128xf32, #tpu.memory_space<vmem>>
    %dma_start3A_54 = arith.constant 0 : i32
    %dma_start3A_55 = tpu.memref_slice %arg2[%add3A_43, %dma_start3A_54] : memref<32768x128xf32, #tpu.memory_space<hbm>> -> memref<64x128xf32, #tpu.memory_space<hbm>>
    tpu.enqueue_dma source(%dma_start3A_55 : memref<64x128xf32, #tpu.memory_space<hbm>>) target(%dma_start3A_53 : memref<64x128xf32, #tpu.memory_space<vmem>>) target_semaphore(%arg11 : memref<!tpu.dma_semaphore, #tpu.memory_space<semaphore_mem>>)
    %parallel_loop3A = arith.constant 0 : i32
    %parallel_loop3A_56 = arith.constant 256 : i32
    %parallel_loop3A_57 = arith.constant 1 : i32
    scf.for %parallel_loop3A_158 = %parallel_loop3A to %parallel_loop3A_56 step %parallel_loop3A_57  : i32 {
      %parallel_loop3A_159 = arith.constant 2 : i32
      %parallel_loop3A_160 = arith.muli %parallel_loop3A_158, %parallel_loop3A_159 : i32
      %parallel_loop3A_161 = arith.constant 8 : i32
      %parallel_loop3A_162 = arith.muli %parallel_loop3A_160, %parallel_loop3A_161 : i32
      %parallel_loop3A_163 = arith.constant 0 : i32
      %parallel_loop3A_164 = arith.addi %parallel_loop3A_162, %parallel_loop3A_163 : i32
      %parallel_loop3A_165 = arith.constant 16 : i32
      %parallel_loop3A_166 = arith.muli %parallel_loop3A_164, %parallel_loop3A_165 : i32
      %parallel_loop3A_167 = arith.index_cast %parallel_loop3A_166 : i32 to index
      %parallel_loop3A_168 = tpu.vector_load %arg8[%parallel_loop3A_167] {strides = array<i32>} : memref<65536xi32, #tpu.memory_space<vmem>>, vector<16xi32>,
      tpu.vector_store %arg8[%parallel_loop3A_167], %broadcast_in_dim3A_41 {strides = array<i32>} : memref<65536xi32, #tpu.memory_space<vmem>>, vector<16xi32>,
      %parallel_loop3A_169 = arith.constant 2 : i32
      %parallel_loop3A_170 = arith.muli %parallel_loop3A_158, %parallel_loop3A_169 : i32
      %parallel_loop3A_171 = arith.constant 8 : i32
      %parallel_loop3A_172 = arith.muli %parallel_loop3A_170, %parallel_loop3A_171 : i32
      %parallel_loop3A_173 = arith.constant 1 : i32
      %parallel_loop3A_174 = arith.addi %parallel_loop3A_172, %parallel_loop3A_173 : i32
      %parallel_loop3A_175 = arith.constant 16 : i32
      %parallel_loop3A_176 = arith.muli %parallel_loop3A_174, %parallel_loop3A_175 : i32
      %parallel_loop3A_177 = arith.index_cast %parallel_loop3A_176 : i32 to index
      %parallel_loop3A_178 = tpu.vector_load %arg8[%parallel_loop3A_177] {strides = array<i32>} : memref<65536xi32, #tpu.memory_space<vmem>>, vector<16xi32>,
      tpu.vector_store %arg8[%parallel_loop3A_177], %broadcast_in_dim3A_41 {strides = array<i32>} : memref<65536xi32, #tpu.memory_space<vmem>>, vector<16xi32>,
      %parallel_loop3A_179 = arith.constant 2 : i32
      %parallel_loop3A_180 = arith.muli %parallel_loop3A_158, %parallel_loop3A_179 : i32
      %parallel_loop3A_181 = arith.constant 8 : i32
      %parallel_loop3A_182 = arith.muli %parallel_loop3A_180, %parallel_loop3A_181 : i32
      %parallel_loop3A_183 = arith.constant 2 : i32
      %parallel_loop3A_184 = arith.addi %parallel_loop3A_182, %parallel_loop3A_183 : i32
      %parallel_loop3A_185 = arith.constant 16 : i32
      %parallel_loop3A_186 = arith.muli %parallel_loop3A_184, %parallel_loop3A_185 : i32
      %parallel_loop3A_187 = arith.index_cast %parallel_loop3A_186 : i32 to index
      %parallel_loop3A_188 = tpu.vector_load %arg8[%parallel_loop3A_187] {strides = array<i32>} : memref<65536xi32, #tpu.memory_space<vmem>>, vector<16xi32>,
      tpu.vector_store %arg8[%parallel_loop3A_187], %broadcast_in_dim3A_41 {strides = array<i32>} : memref<65536xi32, #tpu.memory_space<vmem>>, vector<16xi32>,
      %parallel_loop3A_189 = arith.constant 2 : i32
      %parallel_loop3A_190 = arith.muli %parallel_loop3A_158, %parallel_loop3A_189 : i32
      %parallel_loop3A_191 = arith.constant 8 : i32
      %parallel_loop3A_192 = arith.muli %parallel_loop3A_190, %parallel_loop3A_191 : i32
      %parallel_loop3A_193 = arith.constant 3 : i32
      %parallel_loop3A_194 = arith.addi %parallel_loop3A_192, %parallel_loop3A_193 : i32
      %parallel_loop3A_195 = arith.constant 16 : i32
      %parallel_loop3A_196 = arith.muli %parallel_loop3A_194, %parallel_loop3A_195 : i32
      %parallel_loop3A_197 = arith.index_cast %parallel_loop3A_196 : i32 to index
      %parallel_loop3A_198 = tpu.vector_load %arg8[%parallel_loop3A_197] {strides = array<i32>} : memref<65536xi32, #tpu.memory_space<vmem>>, vector<16xi32>,
      tpu.vector_store %arg8[%parallel_loop3A_197], %broadcast_in_dim3A_41 {strides = array<i32>} : memref<65536xi32, #tpu.memory_space<vmem>>, vector<16xi32>,
      %parallel_loop3A_199 = arith.constant 2 : i32
      %parallel_loop3A_200 = arith.muli %parallel_loop3A_158, %parallel_loop3A_199 : i32
      %parallel_loop3A_201 = arith.constant 8 : i32
      %parallel_loop3A_202 = arith.muli %parallel_loop3A_200, %parallel_loop3A_201 : i32
      %parallel_loop3A_203 = arith.constant 4 : i32
      %parallel_loop3A_204 = arith.addi %parallel_loop3A_202, %parallel_loop3A_203 : i32
      %parallel_loop3A_205 = arith.constant 16 : i32
      %parallel_loop3A_206 = arith.muli %parallel_loop3A_204, %parallel_loop3A_205 : i32
      %parallel_loop3A_207 = arith.index_cast %parallel_loop3A_206 : i32 to index
      %parallel_loop3A_208 = tpu.vector_load %arg8[%parallel_loop3A_207] {strides = array<i32>} : memref<65536xi32, #tpu.memory_space<vmem>>, vector<16xi32>,
      tpu.vector_store %arg8[%parallel_loop3A_207], %broadcast_in_dim3A_41 {strides = array<i32>} : memref<65536xi32, #tpu.memory_space<vmem>>, vector<16xi32>,
      %parallel_loop3A_209 = arith.constant 2 : i32
      %parallel_loop3A_210 = arith.muli %parallel_loop3A_158, %parallel_loop3A_209 : i32
      %parallel_loop3A_211 = arith.constant 8 : i32
      %parallel_loop3A_212 = arith.muli %parallel_loop3A_210, %parallel_loop3A_211 : i32
      %parallel_loop3A_213 = arith.constant 5 : i32
      %parallel_loop3A_214 = arith.addi %parallel_loop3A_212, %parallel_loop3A_213 : i32
      %parallel_loop3A_215 = arith.constant 16 : i32
      %parallel_loop3A_216 = arith.muli %parallel_loop3A_214, %parallel_loop3A_215 : i32
      %parallel_loop3A_217 = arith.index_cast %parallel_loop3A_216 : i32 to index
      %parallel_loop3A_218 = tpu.vector_load %arg8[%parallel_loop3A_217] {strides = array<i32>} : memref<65536xi32, #tpu.memory_space<vmem>>, vector<16xi32>,
      tpu.vector_store %arg8[%parallel_loop3A_217], %broadcast_in_dim3A_41 {strides = array<i32>} : memref<65536xi32, #tpu.memory_space<vmem>>, vector<16xi32>,
      %parallel_loop3A_219 = arith.constant 2 : i32
      %parallel_loop3A_220 = arith.muli %parallel_loop3A_158, %parallel_loop3A_219 : i32
      %parallel_loop3A_221 = arith.constant 8 : i32
      %parallel_loop3A_222 = arith.muli %parallel_loop3A_220, %parallel_loop3A_221 : i32
      %parallel_loop3A_223 = arith.constant 6 : i32
      %parallel_loop3A_224 = arith.addi %parallel_loop3A_222, %parallel_loop3A_223 : i32
      %parallel_loop3A_225 = arith.constant 16 : i32
      %parallel_loop3A_226 = arith.muli %parallel_loop3A_224, %parallel_loop3A_225 : i32
      %parallel_loop3A_227 = arith.index_cast %parallel_loop3A_226 : i32 to index
      %parallel_loop3A_228 = tpu.vector_load %arg8[%parallel_loop3A_227] {strides = array<i32>} : memref<65536xi32, #tpu.memory_space<vmem>>, vector<16xi32>,
      tpu.vector_store %arg8[%parallel_loop3A_227], %broadcast_in_dim3A_41 {strides = array<i32>} : memref<65536xi32, #tpu.memory_space<vmem>>, vector<16xi32>,
      %parallel_loop3A_229 = arith.constant 2 : i32
      %parallel_loop3A_230 = arith.muli %parallel_loop3A_158, %parallel_loop3A_229 : i32
      %parallel_loop3A_231 = arith.constant 8 : i32
      %parallel_loop3A_232 = arith.muli %parallel_loop3A_230, %parallel_loop3A_231 : i32
      %parallel_loop3A_233 = arith.constant 7 : i32
      %parallel_loop3A_234 = arith.addi %parallel_loop3A_232, %parallel_loop3A_233 : i32
      %parallel_loop3A_235 = arith.constant 16 : i32
      %parallel_loop3A_236 = arith.muli %parallel_loop3A_234, %parallel_loop3A_235 : i32
      %parallel_loop3A_237 = arith.index_cast %parallel_loop3A_236 : i32 to index
      %parallel_loop3A_238 = tpu.vector_load %arg8[%parallel_loop3A_237] {strides = array<i32>} : memref<65536xi32, #tpu.memory_space<vmem>>, vector<16xi32>,
      tpu.vector_store %arg8[%parallel_loop3A_237], %broadcast_in_dim3A_41 {strides = array<i32>} : memref<65536xi32, #tpu.memory_space<vmem>>, vector<16xi32>,
      %parallel_loop3A_239 = arith.constant 2 : i32
      %parallel_loop3A_240 = arith.muli %parallel_loop3A_158, %parallel_loop3A_239 : i32
      %parallel_loop3A_241 = arith.constant 8 : i32
      %parallel_loop3A_242 = arith.muli %parallel_loop3A_240, %parallel_loop3A_241 : i32
      %parallel_loop3A_243 = arith.constant 8 : i32
      %parallel_loop3A_244 = arith.addi %parallel_loop3A_242, %parallel_loop3A_243 : i32
      %parallel_loop3A_245 = arith.constant 16 : i32
      %parallel_loop3A_246 = arith.muli %parallel_loop3A_244, %parallel_loop3A_245 : i32
      %parallel_loop3A_247 = arith.index_cast %parallel_loop3A_246 : i32 to index
      %parallel_loop3A_248 = tpu.vector_load %arg8[%parallel_loop3A_247] {strides = array<i32>} : memref<65536xi32, #tpu.memory_space<vmem>>, vector<16xi32>,
      tpu.vector_store %arg8[%parallel_loop3A_247], %broadcast_in_dim3A_41 {strides = array<i32>} : memref<65536xi32, #tpu.memory_space<vmem>>, vector<16xi32>,
      %parallel_loop3A_249 = arith.constant 2 : i32
      %parallel_loop3A_250 = arith.muli %parallel_loop3A_158, %parallel_loop3A_249 : i32
      %parallel_loop3A_251 = arith.constant 8 : i32
      %parallel_loop3A_252 = arith.muli %parallel_loop3A_250, %parallel_loop3A_251 : i32
      %parallel_loop3A_253 = arith.constant 9 : i32
      %parallel_loop3A_254 = arith.addi %parallel_loop3A_252, %parallel_loop3A_253 : i32
      %parallel_loop3A_255 = arith.constant 16 : i32
      %parallel_loop3A_256 = arith.muli %parallel_loop3A_254, %parallel_loop3A_255 : i32
      %parallel_loop3A_257 = arith.index_cast %parallel_loop3A_256 : i32 to index
      %parallel_loop3A_258 = tpu.vector_load %arg8[%parallel_loop3A_257] {strides = array<i32>} : memref<65536xi32, #tpu.memory_space<vmem>>, vector<16xi32>,
      tpu.vector_store %arg8[%parallel_loop3A_257], %broadcast_in_dim3A_41 {strides = array<i32>} : memref<65536xi32, #tpu.memory_space<vmem>>, vector<16xi32>,
      %parallel_loop3A_259 = arith.constant 2 : i32
      %parallel_loop3A_260 = arith.muli %parallel_loop3A_158, %parallel_loop3A_259 : i32
      %parallel_loop3A_261 = arith.constant 8 : i32
      %parallel_loop3A_262 = arith.muli %parallel_loop3A_260, %parallel_loop3A_261 : i32
      %parallel_loop3A_263 = arith.constant 10 : i32
      %parallel_loop3A_264 = arith.addi %parallel_loop3A_262, %parallel_loop3A_263 : i32
      %parallel_loop3A_265 = arith.constant 16 : i32
      %parallel_loop3A_266 = arith.muli %parallel_loop3A_264, %parallel_loop3A_265 : i32
      %parallel_loop3A_267 = arith.index_cast %parallel_loop3A_266 : i32 to index
      %parallel_loop3A_268 = tpu.vector_load %arg8[%parallel_loop3A_267] {strides = array<i32>} : memref<65536xi32, #tpu.memory_space<vmem>>, vector<16xi32>,
      tpu.vector_store %arg8[%parallel_loop3A_267], %broadcast_in_dim3A_41 {strides = array<i32>} : memref<65536xi32, #tpu.memory_space<vmem>>, vector<16xi32>,
      %parallel_loop3A_269 = arith.constant 2 : i32
      %parallel_loop3A_270 = arith.muli %parallel_loop3A_158, %parallel_loop3A_269 : i32
      %parallel_loop3A_271 = arith.constant 8 : i32
      %parallel_loop3A_272 = arith.muli %parallel_loop3A_270, %parallel_loop3A_271 : i32
      %parallel_loop3A_273 = arith.constant 11 : i32
      %parallel_loop3A_274 = arith.addi %parallel_loop3A_272, %parallel_loop3A_273 : i32
      %parallel_loop3A_275 = arith.constant 16 : i32
      %parallel_loop3A_276 = arith.muli %parallel_loop3A_274, %parallel_loop3A_275 : i32
      %parallel_loop3A_277 = arith.index_cast %parallel_loop3A_276 : i32 to index
      %parallel_loop3A_278 = tpu.vector_load %arg8[%parallel_loop3A_277] {strides = array<i32>} : memref<65536xi32, #tpu.memory_space<vmem>>, vector<16xi32>,
      tpu.vector_store %arg8[%parallel_loop3A_277], %broadcast_in_dim3A_41 {strides = array<i32>} : memref<65536xi32, #tpu.memory_space<vmem>>, vector<16xi32>,
      %parallel_loop3A_279 = arith.constant 2 : i32
      %parallel_loop3A_280 = arith.muli %parallel_loop3A_158, %parallel_loop3A_279 : i32
      %parallel_loop3A_281 = arith.constant 8 : i32
      %parallel_loop3A_282 = arith.muli %parallel_loop3A_280, %parallel_loop3A_281 : i32
      %parallel_loop3A_283 = arith.constant 12 : i32
      %parallel_loop3A_284 = arith.addi %parallel_loop3A_282, %parallel_loop3A_283 : i32
      %parallel_loop3A_285 = arith.constant 16 : i32
      %parallel_loop3A_286 = arith.muli %parallel_loop3A_284, %parallel_loop3A_285 : i32
      %parallel_loop3A_287 = arith.index_cast %parallel_loop3A_286 : i32 to index
      %parallel_loop3A_288 = tpu.vector_load %arg8[%parallel_loop3A_287] {strides = array<i32>} : memref<65536xi32, #tpu.memory_space<vmem>>, vector<16xi32>,
      tpu.vector_store %arg8[%parallel_loop3A_287], %broadcast_in_dim3A_41 {strides = array<i32>} : memref<65536xi32, #tpu.memory_space<vmem>>, vector<16xi32>,
      %parallel_loop3A_289 = arith.constant 2 : i32
      %parallel_loop3A_290 = arith.muli %parallel_loop3A_158, %parallel_loop3A_289 : i32
      %parallel_loop3A_291 = arith.constant 8 : i32
      %parallel_loop3A_292 = arith.muli %parallel_loop3A_290, %parallel_loop3A_291 : i32
      %parallel_loop3A_293 = arith.constant 13 : i32
      %parallel_loop3A_294 = arith.addi %parallel_loop3A_292, %parallel_loop3A_293 : i32
      %parallel_loop3A_295 = arith.constant 16 : i32
      %parallel_loop3A_296 = arith.muli %parallel_loop3A_294, %parallel_loop3A_295 : i32
      %parallel_loop3A_297 = arith.index_cast %parallel_loop3A_296 : i32 to index
      %parallel_loop3A_298 = tpu.vector_load %arg8[%parallel_loop3A_297] {strides = array<i32>} : memref<65536xi32, #tpu.memory_space<vmem>>, vector<16xi32>,
      tpu.vector_store %arg8[%parallel_loop3A_297], %broadcast_in_dim3A_41 {strides = array<i32>} : memref<65536xi32, #tpu.memory_space<vmem>>, vector<16xi32>,
      %parallel_loop3A_299 = arith.constant 2 : i32
      %parallel_loop3A_300 = arith.muli %parallel_loop3A_158, %parallel_loop3A_299 : i32
      %parallel_loop3A_301 = arith.constant 8 : i32
      %parallel_loop3A_302 = arith.muli %parallel_loop3A_300, %parallel_loop3A_301 : i32
      %parallel_loop3A_303 = arith.constant 14 : i32
      %parallel_loop3A_304 = arith.addi %parallel_loop3A_302, %parallel_loop3A_303 : i32
      %parallel_loop3A_305 = arith.constant 16 : i32
      %parallel_loop3A_306 = arith.muli %parallel_loop3A_304, %parallel_loop3A_305 : i32
      %parallel_loop3A_307 = arith.index_cast %parallel_loop3A_306 : i32 to index
      %parallel_loop3A_308 = tpu.vector_load %arg8[%parallel_loop3A_307] {strides = array<i32>} : memref<65536xi32, #tpu.memory_space<vmem>>, vector<16xi32>,
      tpu.vector_store %arg8[%parallel_loop3A_307], %broadcast_in_dim3A_41 {strides = array<i32>} : memref<65536xi32, #tpu.memory_space<vmem>>, vector<16xi32>,
      %parallel_loop3A_309 = arith.constant 2 : i32
      %parallel_loop3A_310 = arith.muli %parallel_loop3A_158, %parallel_loop3A_309 : i32
      %parallel_loop3A_311 = arith.constant 8 : i32
      %parallel_loop3A_312 = arith.muli %parallel_loop3A_310, %parallel_loop3A_311 : i32
      %parallel_loop3A_313 = arith.constant 15 : i32
      %parallel_loop3A_314 = arith.addi %parallel_loop3A_312, %parallel_loop3A_313 : i32
      %parallel_loop3A_315 = arith.constant 16 : i32
      %parallel_loop3A_316 = arith.muli %parallel_loop3A_314, %parallel_loop3A_315 : i32
      %parallel_loop3A_317 = arith.index_cast %parallel_loop3A_316 : i32 to index
      %parallel_loop3A_318 = tpu.vector_load %arg8[%parallel_loop3A_317] {strides = array<i32>} : memref<65536xi32, #tpu.memory_space<vmem>>, vector<16xi32>,
      tpu.vector_store %arg8[%parallel_loop3A_317], %broadcast_in_dim3A_41 {strides = array<i32>} : memref<65536xi32, #tpu.memory_space<vmem>>, vector<16xi32>,
    } {sc.loop_unroll_factor = 2 : i64, sc.parallel_access}
    %scan3A = arith.constant 0 : i32
    %scan3A_58 = arith.constant 0 : i32
    %scan3A_59 = arith.constant 8 : i32
    %scan3A_60 = arith.addi %scan3A_58, %scan3A_59 : i32
    %scan3A_61 = arith.constant 1 : i32
    %scan3A_62 = scf.for %scan3A_158 = %scan3A_58 to %scan3A_60 step %scan3A_61 iter_args(%scan3A_159 = %scan3A) -> (i32)  : i32 {
      %mul3A_160 = arith.constant 2 : i32
      %mul3A_161 = arith.muli %scan3A_158, %mul3A_160 : i32
      %add3A_162 = arith.constant 0 : i32
      %add3A_163 = arith.addi %mul3A_161, %add3A_162 : i32
      %mul3A_164 = arith.constant 64 : i32
      %mul3A_165 = arith.muli %add3A_163, %mul3A_164 : i32
      %add3A_166 = arith.addi %add3A_38, %mul3A_165 : i32
      %dma_wait3A_167 = arith.constant 0 : i32
      %dma_wait3A_168 = arith.constant 0 : i32
      %dma_wait3A_169 = arith.constant 0 : i32
      %dma_wait3A_170 = tpu.memref_slice %arg6[%dma_wait3A_167, %dma_wait3A_168, %dma_wait3A_169] : memref<2x64x128xf32, #tpu.memory_space<vmem>> -> memref<1x64x128xf32, #tpu.memory_space<vmem>>
      %dma_wait3A_171 = tpu.memref_squeeze %dma_wait3A_170 : memref<1x64x128xf32, #tpu.memory_space<vmem>> -> memref<64x128xf32, #tpu.memory_space<vmem>>
      %dma_wait3A_172 = arith.constant 0 : i32
      %dma_wait3A_173 = tpu.memref_slice %arg2[%add3A_166, %dma_wait3A_172] : memref<32768x128xf32, #tpu.memory_space<hbm>> -> memref<64x128xf32, #tpu.memory_space<hbm>>
      %dma_wait3A_174 = arith.constant 0 : i32
      %dma_wait3A_175 = arith.constant 0 : i32
      %dma_wait3A_176 = tpu.memref_slice %arg6[%dma_wait3A_167, %dma_wait3A_174, %dma_wait3A_175] : memref<2x64x128xf32, #tpu.memory_space<vmem>> -> memref<1x64x128xf32, #tpu.memory_space<vmem>>
      %dma_wait3A_177 = tpu.memref_squeeze %dma_wait3A_176 : memref<1x64x128xf32, #tpu.memory_space<vmem>> -> memref<64x128xf32, #tpu.memory_space<vmem>>
      %dma_wait3A_178 = arith.constant 0 : i32
      %dma_wait3A_179 = tpu.memref_slice %arg2[%add3A_166, %dma_wait3A_178] : memref<32768x128xf32, #tpu.memory_space<hbm>> -> memref<64x128xf32, #tpu.memory_space<hbm>>
      tpu.wait_dma2 semaphore(%arg11 : memref<!tpu.dma_semaphore, #tpu.memory_space<semaphore_mem>>) src(%dma_wait3A_179 : memref<64x128xf32, #tpu.memory_space<hbm>>) dst(%dma_wait3A_177 : memref<64x128xf32, #tpu.memory_space<vmem>>)
      %add3A_180 = arith.constant 1 : i32
      %add3A_181 = arith.addi %add3A_163, %add3A_180 : i32
      %lt3A_182 = arith.constant 16 : i32
      %lt3A_183 = arith.cmpi slt, %add3A_181, %lt3A_182 : i32
      %convert_element_type3A = arith.extui %lt3A_183 : i1 to i32
      %cond3A = arith.constant 0 : i32
      %cond3A_184 = arith.cmpi ne, %convert_element_type3A, %cond3A : i32
      scf.if %cond3A_184 {
        %add3A_260 = arith.constant 1 : i32
        %add3A_261 = arith.addi %add3A_163, %add3A_260 : i32
        %mul3A_262 = arith.constant 64 : i32
        %mul3A_263 = arith.muli %add3A_261, %mul3A_262 : i32
        %add3A_264 = arith.addi %add3A_38, %mul3A_263 : i32
        %dma_start3A_265 = arith.constant 1 : i32
        %dma_start3A_266 = arith.constant 0 : i32
        %dma_start3A_267 = arith.constant 0 : i32
        %dma_start3A_268 = tpu.memref_slice %arg6[%dma_start3A_265, %dma_start3A_266, %dma_start3A_267] : memref<2x64x128xf32, #tpu.memory_space<vmem>> -> memref<1x64x128xf32, #tpu.memory_space<vmem>>
        %dma_start3A_269 = tpu.memref_squeeze %dma_start3A_268 : memref<1x64x128xf32, #tpu.memory_space<vmem>> -> memref<64x128xf32, #tpu.memory_space<vmem>>
        %dma_start3A_270 = arith.constant 0 : i32
        %dma_start3A_271 = tpu.memref_slice %arg2[%add3A_264, %dma_start3A_270] : memref<32768x128xf32, #tpu.memory_space<hbm>> -> memref<64x128xf32, #tpu.memory_space<hbm>>
        %dma_start3A_272 = arith.constant 0 : i32
        %dma_start3A_273 = arith.constant 0 : i32
        %dma_start3A_274 = tpu.memref_slice %arg6[%dma_start3A_265, %dma_start3A_272, %dma_start3A_273] : memref<2x64x128xf32, #tpu.memory_space<vmem>> -> memref<1x64x128xf32, #tpu.memory_space<vmem>>
        %dma_start3A_275 = tpu.memref_squeeze %dma_start3A_274 : memref<1x64x128xf32, #tpu.memory_space<vmem>> -> memref<64x128xf32, #tpu.memory_space<vmem>>
        %dma_start3A_276 = arith.constant 0 : i32
        %dma_start3A_277 = tpu.memref_slice %arg2[%add3A_264, %dma_start3A_276] : memref<32768x128xf32, #tpu.memory_space<hbm>> -> memref<64x128xf32, #tpu.memory_space<hbm>>
        tpu.enqueue_dma source(%dma_start3A_277 : memref<64x128xf32, #tpu.memory_space<hbm>>) target(%dma_start3A_275 : memref<64x128xf32, #tpu.memory_space<vmem>>) target_semaphore(%arg12 : memref<!tpu.dma_semaphore, #tpu.memory_space<semaphore_mem>>)
      } else {
      }
      %ge3A = arith.constant 1 : i32
      %ge3A_185 = arith.cmpi sge, %scan3A_158, %ge3A : i32
      %convert_element_type3A_186 = arith.extui %ge3A_185 : i1 to i32
      %cond3A_187 = arith.constant 0 : i32
      %cond3A_188 = arith.cmpi ne, %convert_element_type3A_186, %cond3A_187 : i32
      scf.if %cond3A_188 {
        %sub3A_260 = arith.constant 2 : i32
        %sub3A_261 = arith.subi %add3A_163, %sub3A_260 : i32
        %mul3A_262 = arith.constant 64 : i32
        %mul3A_263 = arith.muli %sub3A_261, %mul3A_262 : i32
        %add3A_264 = arith.addi %add3A_38, %mul3A_263 : i32
        %dma_wait3A_265 = arith.constant 0 : i32
        %dma_wait3A_266 = arith.constant 0 : i32
        %dma_wait3A_267 = arith.constant 0 : i32
        %dma_wait3A_268 = tpu.memref_slice %arg7[%dma_wait3A_265, %dma_wait3A_266, %dma_wait3A_267] : memref<2x64x128xi32, #tpu.memory_space<vmem>> -> memref<1x64x128xi32, #tpu.memory_space<vmem>>
        %dma_wait3A_269 = tpu.memref_squeeze %dma_wait3A_268 : memref<1x64x128xi32, #tpu.memory_space<vmem>> -> memref<64x128xi32, #tpu.memory_space<vmem>>
        %dma_wait3A_270 = arith.constant 0 : i32
        %dma_wait3A_271 = tpu.memref_slice %arg3[%add3A_264, %dma_wait3A_270] : memref<32768x128xi32, #tpu.memory_space<hbm>> -> memref<64x128xi32, #tpu.memory_space<hbm>>
        %dma_wait3A_272 = arith.constant 0 : i32
        %dma_wait3A_273 = tpu.memref_slice %arg3[%add3A_264, %dma_wait3A_272] : memref<32768x128xi32, #tpu.memory_space<hbm>> -> memref<64x128xi32, #tpu.memory_space<hbm>>
        %dma_wait3A_274 = arith.constant 0 : i32
        %dma_wait3A_275 = arith.constant 0 : i32
        %dma_wait3A_276 = tpu.memref_slice %arg7[%dma_wait3A_265, %dma_wait3A_274, %dma_wait3A_275] : memref<2x64x128xi32, #tpu.memory_space<vmem>> -> memref<1x64x128xi32, #tpu.memory_space<vmem>>
        %dma_wait3A_277 = tpu.memref_squeeze %dma_wait3A_276 : memref<1x64x128xi32, #tpu.memory_space<vmem>> -> memref<64x128xi32, #tpu.memory_space<vmem>>
        tpu.wait_dma2 semaphore(%arg13 : memref<!tpu.dma_semaphore, #tpu.memory_space<semaphore_mem>>) src(%dma_wait3A_277 : memref<64x128xi32, #tpu.memory_space<vmem>>) dst(%dma_wait3A_273 : memref<64x128xi32, #tpu.memory_space<hbm>>)
      } else {
      }
      %parallel_loop3A_189 = arith.constant 0 : i32
      %parallel_loop3A_190 = arith.constant 32 : i32
      %parallel_loop3A_191 = arith.constant 1 : i32
      scf.for %parallel_loop3A_260 = %parallel_loop3A_189 to %parallel_loop3A_190 step %parallel_loop3A_191  : i32 {
        %parallel_loop3A_261 = arith.constant 2 : i32
        %parallel_loop3A_262 = arith.muli %parallel_loop3A_261, %parallel_loop3A_260 : i32
        %parallel_loop3A_263 = arith.constant 2 : i32
        %parallel_loop3A_264 = arith.muli %parallel_loop3A_263, %parallel_loop3A_260 : i32
        %parallel_loop3A_265 = arith.constant 1 : i32
        %parallel_loop3A_266 = arith.addi %parallel_loop3A_264, %parallel_loop3A_265 : i32
        %parallel_loop3A_267 = arith.constant 0 : i32
        %parallel_loop3A_268 = arith.index_cast %parallel_loop3A_267 : i32 to index
        %parallel_loop3A_269 = arith.index_cast %parallel_loop3A_262 : i32 to index
        %parallel_loop3A_270 = arith.constant 0 : index
        %parallel_loop3A_271 = tpu.vector_load %arg6[%parallel_loop3A_268, %parallel_loop3A_269, %parallel_loop3A_270] {strides = array<i32>} : memref<2x64x128xf32, #tpu.memory_space<vmem>>, vector<16xf32>,
        %parallel_loop3A_272 = arith.constant 2.550000e+02 : f32
        %parallel_loop3A_273 = vector.broadcast %parallel_loop3A_272 : f32 to vector<16xf32>
        %parallel_loop3A_274 = arith.mulf %parallel_loop3A_271, %parallel_loop3A_273 : vector<16xf32>
        %parallel_loop3A_275 = arith.fptosi %parallel_loop3A_274 : vector<16xf32> to vector<16xi32>
        %parallel_loop3A_276 = arith.constant 0 : i32
        %parallel_loop3A_277 = arith.index_cast %parallel_loop3A_276 : i32 to index
        %parallel_loop3A_278 = arith.index_cast %parallel_loop3A_266 : i32 to index
        %parallel_loop3A_279 = arith.constant 0 : index
        %parallel_loop3A_280 = tpu.vector_load %arg6[%parallel_loop3A_277, %parallel_loop3A_278, %parallel_loop3A_279] {strides = array<i32>} : memref<2x64x128xf32, #tpu.memory_space<vmem>>, vector<16xf32>,
        %parallel_loop3A_281 = arith.constant 2.550000e+02 : f32
        %parallel_loop3A_282 = vector.broadcast %parallel_loop3A_281 : f32 to vector<16xf32>
        %parallel_loop3A_283 = arith.mulf %parallel_loop3A_280, %parallel_loop3A_282 : vector<16xf32>
        %parallel_loop3A_284 = arith.fptosi %parallel_loop3A_283 : vector<16xf32> to vector<16xi32>
        %parallel_loop3A_285 = arith.constant 0 : i32
        %parallel_loop3A_286 = arith.index_cast %parallel_loop3A_285 : i32 to index
        %parallel_loop3A_287 = arith.index_cast %parallel_loop3A_262 : i32 to index
        %parallel_loop3A_288 = arith.constant 0 : index
        %parallel_loop3A_289 = tpu.vector_load %arg7[%parallel_loop3A_286, %parallel_loop3A_287, %parallel_loop3A_288] {strides = array<i32>} : memref<2x64x128xi32, #tpu.memory_space<vmem>>, vector<16xi32>,
        tpu.vector_store %arg7[%parallel_loop3A_286, %parallel_loop3A_287, %parallel_loop3A_288], %parallel_loop3A_275 {strides = array<i32>} : memref<2x64x128xi32, #tpu.memory_space<vmem>>, vector<16xi32>,
        %parallel_loop3A_290 = arith.constant 0 : i32
        %parallel_loop3A_291 = arith.index_cast %parallel_loop3A_290 : i32 to index
        %parallel_loop3A_292 = arith.index_cast %parallel_loop3A_266 : i32 to index
        %parallel_loop3A_293 = arith.constant 0 : index
        %parallel_loop3A_294 = tpu.vector_load %arg7[%parallel_loop3A_291, %parallel_loop3A_292, %parallel_loop3A_293] {strides = array<i32>} : memref<2x64x128xi32, #tpu.memory_space<vmem>>, vector<16xi32>,
        tpu.vector_store %arg7[%parallel_loop3A_291, %parallel_loop3A_292, %parallel_loop3A_293], %parallel_loop3A_284 {strides = array<i32>} : memref<2x64x128xi32, #tpu.memory_space<vmem>>, vector<16xi32>,
        %parallel_loop3A_295 = arith.constant 8 : i32
        %parallel_loop3A_296 = vector.broadcast %parallel_loop3A_295 : i32 to vector<16xi32>
        %parallel_loop3A_297 = arith.shli %parallel_loop3A_284, %parallel_loop3A_296 : vector<16xi32>
        %parallel_loop3A_298 = arith.addi %parallel_loop3A_275, %parallel_loop3A_297 : vector<16xi32>
        tpu.vector_store_idx %arg8[%parallel_loop3A_298], %broadcast_in_dim3A_39 {add = true} : memref<65536xi32, #tpu.memory_space<vmem>>[vector<16xi32>], vector<16xi32>,
        %parallel_loop3A_299 = arith.constant 0 : i32
        %parallel_loop3A_300 = arith.index_cast %parallel_loop3A_299 : i32 to index
        %parallel_loop3A_301 = arith.index_cast %parallel_loop3A_262 : i32 to index
        %parallel_loop3A_302 = arith.constant 16 : index
        %parallel_loop3A_303 = tpu.vector_load %arg6[%parallel_loop3A_300, %parallel_loop3A_301, %parallel_loop3A_302] {strides = array<i32>} : memref<2x64x128xf32, #tpu.memory_space<vmem>>, vector<16xf32>,
        %parallel_loop3A_304 = arith.constant 2.550000e+02 : f32
        %parallel_loop3A_305 = vector.broadcast %parallel_loop3A_304 : f32 to vector<16xf32>
        %parallel_loop3A_306 = arith.mulf %parallel_loop3A_303, %parallel_loop3A_305 : vector<16xf32>
        %parallel_loop3A_307 = arith.fptosi %parallel_loop3A_306 : vector<16xf32> to vector<16xi32>
        %parallel_loop3A_308 = arith.constant 0 : i32
        %parallel_loop3A_309 = arith.index_cast %parallel_loop3A_308 : i32 to index
        %parallel_loop3A_310 = arith.index_cast %parallel_loop3A_266 : i32 to index
        %parallel_loop3A_311 = arith.constant 16 : index
        %parallel_loop3A_312 = tpu.vector_load %arg6[%parallel_loop3A_309, %parallel_loop3A_310, %parallel_loop3A_311] {strides = array<i32>} : memref<2x64x128xf32, #tpu.memory_space<vmem>>, vector<16xf32>,
        %parallel_loop3A_313 = arith.constant 2.550000e+02 : f32
        %parallel_loop3A_314 = vector.broadcast %parallel_loop3A_313 : f32 to vector<16xf32>
        %parallel_loop3A_315 = arith.mulf %parallel_loop3A_312, %parallel_loop3A_314 : vector<16xf32>
        %parallel_loop3A_316 = arith.fptosi %parallel_loop3A_315 : vector<16xf32> to vector<16xi32>
        %parallel_loop3A_317 = arith.constant 0 : i32
        %parallel_loop3A_318 = arith.index_cast %parallel_loop3A_317 : i32 to index
        %parallel_loop3A_319 = arith.index_cast %parallel_loop3A_262 : i32 to index
        %parallel_loop3A_320 = arith.constant 16 : index
        %parallel_loop3A_321 = tpu.vector_load %arg7[%parallel_loop3A_318, %parallel_loop3A_319, %parallel_loop3A_320] {strides = array<i32>} : memref<2x64x128xi32, #tpu.memory_space<vmem>>, vector<16xi32>,
        tpu.vector_store %arg7[%parallel_loop3A_318, %parallel_loop3A_319, %parallel_loop3A_320], %parallel_loop3A_307 {strides = array<i32>} : memref<2x64x128xi32, #tpu.memory_space<vmem>>, vector<16xi32>,
        %parallel_loop3A_322 = arith.constant 0 : i32
        %parallel_loop3A_323 = arith.index_cast %parallel_loop3A_322 : i32 to index
        %parallel_loop3A_324 = arith.index_cast %parallel_loop3A_266 : i32 to index
        %parallel_loop3A_325 = arith.constant 16 : index
        %parallel_loop3A_326 = tpu.vector_load %arg7[%parallel_loop3A_323, %parallel_loop3A_324, %parallel_loop3A_325] {strides = array<i32>} : memref<2x64x128xi32, #tpu.memory_space<vmem>>, vector<16xi32>,
        tpu.vector_store %arg7[%parallel_loop3A_323, %parallel_loop3A_324, %parallel_loop3A_325], %parallel_loop3A_316 {strides = array<i32>} : memref<2x64x128xi32, #tpu.memory_space<vmem>>, vector<16xi32>,
        %parallel_loop3A_327 = arith.constant 8 : i32
        %parallel_loop3A_328 = vector.broadcast %parallel_loop3A_327 : i32 to vector<16xi32>
        %parallel_loop3A_329 = arith.shli %parallel_loop3A_316, %parallel_loop3A_328 : vector<16xi32>
        %parallel_loop3A_330 = arith.addi %parallel_loop3A_307, %parallel_loop3A_329 : vector<16xi32>
        tpu.vector_store_idx %arg8[%parallel_loop3A_330], %broadcast_in_dim3A_39 {add = true} : memref<65536xi32, #tpu.memory_space<vmem>>[vector<16xi32>], vector<16xi32>,
        %parallel_loop3A_331 = arith.constant 0 : i32
        %parallel_loop3A_332 = arith.index_cast %parallel_loop3A_331 : i32 to index
        %parallel_loop3A_333 = arith.index_cast %parallel_loop3A_262 : i32 to index
        %parallel_loop3A_334 = arith.constant 32 : index
        %parallel_loop3A_335 = tpu.vector_load %arg6[%parallel_loop3A_332, %parallel_loop3A_333, %parallel_loop3A_334] {strides = array<i32>} : memref<2x64x128xf32, #tpu.memory_space<vmem>>, vector<16xf32>,
        %parallel_loop3A_336 = arith.constant 2.550000e+02 : f32
        %parallel_loop3A_337 = vector.broadcast %parallel_loop3A_336 : f32 to vector<16xf32>
        %parallel_loop3A_338 = arith.mulf %parallel_loop3A_335, %parallel_loop3A_337 : vector<16xf32>
        %parallel_loop3A_339 = arith.fptosi %parallel_loop3A_338 : vector<16xf32> to vector<16xi32>
        %parallel_loop3A_340 = arith.constant 0 : i32
        %parallel_loop3A_341 = arith.index_cast %parallel_loop3A_340 : i32 to index
        %parallel_loop3A_342 = arith.index_cast %parallel_loop3A_266 : i32 to index
        %parallel_loop3A_343 = arith.constant 32 : index
        %parallel_loop3A_344 = tpu.vector_load %arg6[%parallel_loop3A_341, %parallel_loop3A_342, %parallel_loop3A_343] {strides = array<i32>} : memref<2x64x128xf32, #tpu.memory_space<vmem>>, vector<16xf32>,
        %parallel_loop3A_345 = arith.constant 2.550000e+02 : f32
        %parallel_loop3A_346 = vector.broadcast %parallel_loop3A_345 : f32 to vector<16xf32>
        %parallel_loop3A_347 = arith.mulf %parallel_loop3A_344, %parallel_loop3A_346 : vector<16xf32>
        %parallel_loop3A_348 = arith.fptosi %parallel_loop3A_347 : vector<16xf32> to vector<16xi32>
        %parallel_loop3A_349 = arith.constant 0 : i32
        %parallel_loop3A_350 = arith.index_cast %parallel_loop3A_349 : i32 to index
        %parallel_loop3A_351 = arith.index_cast %parallel_loop3A_262 : i32 to index
        %parallel_loop3A_352 = arith.constant 32 : index
        %parallel_loop3A_353 = tpu.vector_load %arg7[%parallel_loop3A_350, %parallel_loop3A_351, %parallel_loop3A_352] {strides = array<i32>} : memref<2x64x128xi32, #tpu.memory_space<vmem>>, vector<16xi32>,
        tpu.vector_store %arg7[%parallel_loop3A_350, %parallel_loop3A_351, %parallel_loop3A_352], %parallel_loop3A_339 {strides = array<i32>} : memref<2x64x128xi32, #tpu.memory_space<vmem>>, vector<16xi32>,
        %parallel_loop3A_354 = arith.constant 0 : i32
        %parallel_loop3A_355 = arith.index_cast %parallel_loop3A_354 : i32 to index
        %parallel_loop3A_356 = arith.index_cast %parallel_loop3A_266 : i32 to index
        %parallel_loop3A_357 = arith.constant 32 : index
        %parallel_loop3A_358 = tpu.vector_load %arg7[%parallel_loop3A_355, %parallel_loop3A_356, %parallel_loop3A_357] {strides = array<i32>} : memref<2x64x128xi32, #tpu.memory_space<vmem>>, vector<16xi32>,
        tpu.vector_store %arg7[%parallel_loop3A_355, %parallel_loop3A_356, %parallel_loop3A_357], %parallel_loop3A_348 {strides = array<i32>} : memref<2x64x128xi32, #tpu.memory_space<vmem>>, vector<16xi32>,
        %parallel_loop3A_359 = arith.constant 8 : i32
        %parallel_loop3A_360 = vector.broadcast %parallel_loop3A_359 : i32 to vector<16xi32>
        %parallel_loop3A_361 = arith.shli %parallel_loop3A_348, %parallel_loop3A_360 : vector<16xi32>
        %parallel_loop3A_362 = arith.addi %parallel_loop3A_339, %parallel_loop3A_361 : vector<16xi32>
        tpu.vector_store_idx %arg8[%parallel_loop3A_362], %broadcast_in_dim3A_39 {add = true} : memref<65536xi32, #tpu.memory_space<vmem>>[vector<16xi32>], vector<16xi32>,
        %parallel_loop3A_363 = arith.constant 0 : i32
        %parallel_loop3A_364 = arith.index_cast %parallel_loop3A_363 : i32 to index
        %parallel_loop3A_365 = arith.index_cast %parallel_loop3A_262 : i32 to index
        %parallel_loop3A_366 = arith.constant 48 : index
        %parallel_loop3A_367 = tpu.vector_load %arg6[%parallel_loop3A_364, %parallel_loop3A_365, %parallel_loop3A_366] {strides = array<i32>} : memref<2x64x128xf32, #tpu.memory_space<vmem>>, vector<16xf32>,
        %parallel_loop3A_368 = arith.constant 2.550000e+02 : f32
        %parallel_loop3A_369 = vector.broadcast %parallel_loop3A_368 : f32 to vector<16xf32>
        %parallel_loop3A_370 = arith.mulf %parallel_loop3A_367, %parallel_loop3A_369 : vector<16xf32>
        %parallel_loop3A_371 = arith.fptosi %parallel_loop3A_370 : vector<16xf32> to vector<16xi32>
        %parallel_loop3A_372 = arith.constant 0 : i32
        %parallel_loop3A_373 = arith.index_cast %parallel_loop3A_372 : i32 to index
        %parallel_loop3A_374 = arith.index_cast %parallel_loop3A_266 : i32 to index
        %parallel_loop3A_375 = arith.constant 48 : index
        %parallel_loop3A_376 = tpu.vector_load %arg6[%parallel_loop3A_373, %parallel_loop3A_374, %parallel_loop3A_375] {strides = array<i32>} : memref<2x64x128xf32, #tpu.memory_space<vmem>>, vector<16xf32>,
        %parallel_loop3A_377 = arith.constant 2.550000e+02 : f32
        %parallel_loop3A_378 = vector.broadcast %parallel_loop3A_377 : f32 to vector<16xf32>
        %parallel_loop3A_379 = arith.mulf %parallel_loop3A_376, %parallel_loop3A_378 : vector<16xf32>
        %parallel_loop3A_380 = arith.fptosi %parallel_loop3A_379 : vector<16xf32> to vector<16xi32>
        %parallel_loop3A_381 = arith.constant 0 : i32
        %parallel_loop3A_382 = arith.index_cast %parallel_loop3A_381 : i32 to index
        %parallel_loop3A_383 = arith.index_cast %parallel_loop3A_262 : i32 to index
        %parallel_loop3A_384 = arith.constant 48 : index
        %parallel_loop3A_385 = tpu.vector_load %arg7[%parallel_loop3A_382, %parallel_loop3A_383, %parallel_loop3A_384] {strides = array<i32>} : memref<2x64x128xi32, #tpu.memory_space<vmem>>, vector<16xi32>,
        tpu.vector_store %arg7[%parallel_loop3A_382, %parallel_loop3A_383, %parallel_loop3A_384], %parallel_loop3A_371 {strides = array<i32>} : memref<2x64x128xi32, #tpu.memory_space<vmem>>, vector<16xi32>,
        %parallel_loop3A_386 = arith.constant 0 : i32
        %parallel_loop3A_387 = arith.index_cast %parallel_loop3A_386 : i32 to index
        %parallel_loop3A_388 = arith.index_cast %parallel_loop3A_266 : i32 to index
        %parallel_loop3A_389 = arith.constant 48 : index
        %parallel_loop3A_390 = tpu.vector_load %arg7[%parallel_loop3A_387, %parallel_loop3A_388, %parallel_loop3A_389] {strides = array<i32>} : memref<2x64x128xi32, #tpu.memory_space<vmem>>, vector<16xi32>,
        tpu.vector_store %arg7[%parallel_loop3A_387, %parallel_loop3A_388, %parallel_loop3A_389], %parallel_loop3A_380 {strides = array<i32>} : memref<2x64x128xi32, #tpu.memory_space<vmem>>, vector<16xi32>,
        %parallel_loop3A_391 = arith.constant 8 : i32
        %parallel_loop3A_392 = vector.broadcast %parallel_loop3A_391 : i32 to vector<16xi32>
        %parallel_loop3A_393 = arith.shli %parallel_loop3A_380, %parallel_loop3A_392 : vector<16xi32>
        %parallel_loop3A_394 = arith.addi %parallel_loop3A_371, %parallel_loop3A_393 : vector<16xi32>
        tpu.vector_store_idx %arg8[%parallel_loop3A_394], %broadcast_in_dim3A_39 {add = true} : memref<65536xi32, #tpu.memory_space<vmem>>[vector<16xi32>], vector<16xi32>,
        %parallel_loop3A_395 = arith.constant 0 : i32
        %parallel_loop3A_396 = arith.index_cast %parallel_loop3A_395 : i32 to index
        %parallel_loop3A_397 = arith.index_cast %parallel_loop3A_262 : i32 to index
        %parallel_loop3A_398 = arith.constant 64 : index
        %parallel_loop3A_399 = tpu.vector_load %arg6[%parallel_loop3A_396, %parallel_loop3A_397, %parallel_loop3A_398] {strides = array<i32>} : memref<2x64x128xf32, #tpu.memory_space<vmem>>, vector<16xf32>,
        %parallel_loop3A_400 = arith.constant 2.550000e+02 : f32
        %parallel_loop3A_401 = vector.broadcast %parallel_loop3A_400 : f32 to vector<16xf32>
        %parallel_loop3A_402 = arith.mulf %parallel_loop3A_399, %parallel_loop3A_401 : vector<16xf32>
        %parallel_loop3A_403 = arith.fptosi %parallel_loop3A_402 : vector<16xf32> to vector<16xi32>
        %parallel_loop3A_404 = arith.constant 0 : i32
        %parallel_loop3A_405 = arith.index_cast %parallel_loop3A_404 : i32 to index
        %parallel_loop3A_406 = arith.index_cast %parallel_loop3A_266 : i32 to index
        %parallel_loop3A_407 = arith.constant 64 : index
        %parallel_loop3A_408 = tpu.vector_load %arg6[%parallel_loop3A_405, %parallel_loop3A_406, %parallel_loop3A_407] {strides = array<i32>} : memref<2x64x128xf32, #tpu.memory_space<vmem>>, vector<16xf32>,
        %parallel_loop3A_409 = arith.constant 2.550000e+02 : f32
        %parallel_loop3A_410 = vector.broadcast %parallel_loop3A_409 : f32 to vector<16xf32>
        %parallel_loop3A_411 = arith.mulf %parallel_loop3A_408, %parallel_loop3A_410 : vector<16xf32>
        %parallel_loop3A_412 = arith.fptosi %parallel_loop3A_411 : vector<16xf32> to vector<16xi32>
        %parallel_loop3A_413 = arith.constant 0 : i32
        %parallel_loop3A_414 = arith.index_cast %parallel_loop3A_413 : i32 to index
        %parallel_loop3A_415 = arith.index_cast %parallel_loop3A_262 : i32 to index
        %parallel_loop3A_416 = arith.constant 64 : index
        %parallel_loop3A_417 = tpu.vector_load %arg7[%parallel_loop3A_414, %parallel_loop3A_415, %parallel_loop3A_416] {strides = array<i32>} : memref<2x64x128xi32, #tpu.memory_space<vmem>>, vector<16xi32>,
        tpu.vector_store %arg7[%parallel_loop3A_414, %parallel_loop3A_415, %parallel_loop3A_416], %parallel_loop3A_403 {strides = array<i32>} : memref<2x64x128xi32, #tpu.memory_space<vmem>>, vector<16xi32>,
        %parallel_loop3A_418 = arith.constant 0 : i32
        %parallel_loop3A_419 = arith.index_cast %parallel_loop3A_418 : i32 to index
        %parallel_loop3A_420 = arith.index_cast %parallel_loop3A_266 : i32 to index
        %parallel_loop3A_421 = arith.constant 64 : index
        %parallel_loop3A_422 = tpu.vector_load %arg7[%parallel_loop3A_419, %parallel_loop3A_420, %parallel_loop3A_421] {strides = array<i32>} : memref<2x64x128xi32, #tpu.memory_space<vmem>>, vector<16xi32>,
        tpu.vector_store %arg7[%parallel_loop3A_419, %parallel_loop3A_420, %parallel_loop3A_421], %parallel_loop3A_412 {strides = array<i32>} : memref<2x64x128xi32, #tpu.memory_space<vmem>>, vector<16xi32>,
        %parallel_loop3A_423 = arith.constant 8 : i32
        %parallel_loop3A_424 = vector.broadcast %parallel_loop3A_423 : i32 to vector<16xi32>
        %parallel_loop3A_425 = arith.shli %parallel_loop3A_412, %parallel_loop3A_424 : vector<16xi32>
        %parallel_loop3A_426 = arith.addi %parallel_loop3A_403, %parallel_loop3A_425 : vector<16xi32>
        tpu.vector_store_idx %arg8[%parallel_loop3A_426], %broadcast_in_dim3A_39 {add = true} : memref<65536xi32, #tpu.memory_space<vmem>>[vector<16xi32>], vector<16xi32>,
        %parallel_loop3A_427 = arith.constant 0 : i32
        %parallel_loop3A_428 = arith.index_cast %parallel_loop3A_427 : i32 to index
        %parallel_loop3A_429 = arith.index_cast %parallel_loop3A_262 : i32 to index
        %parallel_loop3A_430 = arith.constant 80 : index
        %parallel_loop3A_431 = tpu.vector_load %arg6[%parallel_loop3A_428, %parallel_loop3A_429, %parallel_loop3A_430] {strides = array<i32>} : memref<2x64x128xf32, #tpu.memory_space<vmem>>, vector<16xf32>,
        %parallel_loop3A_432 = arith.constant 2.550000e+02 : f32
        %parallel_loop3A_433 = vector.broadcast %parallel_loop3A_432 : f32 to vector<16xf32>
        %parallel_loop3A_434 = arith.mulf %parallel_loop3A_431, %parallel_loop3A_433 : vector<16xf32>
        %parallel_loop3A_435 = arith.fptosi %parallel_loop3A_434 : vector<16xf32> to vector<16xi32>
        %parallel_loop3A_436 = arith.constant 0 : i32
        %parallel_loop3A_437 = arith.index_cast %parallel_loop3A_436 : i32 to index
        %parallel_loop3A_438 = arith.index_cast %parallel_loop3A_266 : i32 to index
        %parallel_loop3A_439 = arith.constant 80 : index
        %parallel_loop3A_440 = tpu.vector_load %arg6[%parallel_loop3A_437, %parallel_loop3A_438, %parallel_loop3A_439] {strides = array<i32>} : memref<2x64x128xf32, #tpu.memory_space<vmem>>, vector<16xf32>,
        %parallel_loop3A_441 = arith.constant 2.550000e+02 : f32
        %parallel_loop3A_442 = vector.broadcast %parallel_loop3A_441 : f32 to vector<16xf32>
        %parallel_loop3A_443 = arith.mulf %parallel_loop3A_440, %parallel_loop3A_442 : vector<16xf32>
        %parallel_loop3A_444 = arith.fptosi %parallel_loop3A_443 : vector<16xf32> to vector<16xi32>
        %parallel_loop3A_445 = arith.constant 0 : i32
        %parallel_loop3A_446 = arith.index_cast %parallel_loop3A_445 : i32 to index
        %parallel_loop3A_447 = arith.index_cast %parallel_loop3A_262 : i32 to index
        %parallel_loop3A_448 = arith.constant 80 : index
        %parallel_loop3A_449 = tpu.vector_load %arg7[%parallel_loop3A_446, %parallel_loop3A_447, %parallel_loop3A_448] {strides = array<i32>} : memref<2x64x128xi32, #tpu.memory_space<vmem>>, vector<16xi32>,
        tpu.vector_store %arg7[%parallel_loop3A_446, %parallel_loop3A_447, %parallel_loop3A_448], %parallel_loop3A_435 {strides = array<i32>} : memref<2x64x128xi32, #tpu.memory_space<vmem>>, vector<16xi32>,
        %parallel_loop3A_450 = arith.constant 0 : i32
        %parallel_loop3A_451 = arith.index_cast %parallel_loop3A_450 : i32 to index
        %parallel_loop3A_452 = arith.index_cast %parallel_loop3A_266 : i32 to index
        %parallel_loop3A_453 = arith.constant 80 : index
        %parallel_loop3A_454 = tpu.vector_load %arg7[%parallel_loop3A_451, %parallel_loop3A_452, %parallel_loop3A_453] {strides = array<i32>} : memref<2x64x128xi32, #tpu.memory_space<vmem>>, vector<16xi32>,
        tpu.vector_store %arg7[%parallel_loop3A_451, %parallel_loop3A_452, %parallel_loop3A_453], %parallel_loop3A_444 {strides = array<i32>} : memref<2x64x128xi32, #tpu.memory_space<vmem>>, vector<16xi32>,
        %parallel_loop3A_455 = arith.constant 8 : i32
        %parallel_loop3A_456 = vector.broadcast %parallel_loop3A_455 : i32 to vector<16xi32>
        %parallel_loop3A_457 = arith.shli %parallel_loop3A_444, %parallel_loop3A_456 : vector<16xi32>
        %parallel_loop3A_458 = arith.addi %parallel_loop3A_435, %parallel_loop3A_457 : vector<16xi32>
        tpu.vector_store_idx %arg8[%parallel_loop3A_458], %broadcast_in_dim3A_39 {add = true} : memref<65536xi32, #tpu.memory_space<vmem>>[vector<16xi32>], vector<16xi32>,
        %parallel_loop3A_459 = arith.constant 0 : i32
        %parallel_loop3A_460 = arith.index_cast %parallel_loop3A_459 : i32 to index
        %parallel_loop3A_461 = arith.index_cast %parallel_loop3A_262 : i32 to index
        %parallel_loop3A_462 = arith.constant 96 : index
        %parallel_loop3A_463 = tpu.vector_load %arg6[%parallel_loop3A_460, %parallel_loop3A_461, %parallel_loop3A_462] {strides = array<i32>} : memref<2x64x128xf32, #tpu.memory_space<vmem>>, vector<16xf32>,
        %parallel_loop3A_464 = arith.constant 2.550000e+02 : f32
        %parallel_loop3A_465 = vector.broadcast %parallel_loop3A_464 : f32 to vector<16xf32>
        %parallel_loop3A_466 = arith.mulf %parallel_loop3A_463, %parallel_loop3A_465 : vector<16xf32>
        %parallel_loop3A_467 = arith.fptosi %parallel_loop3A_466 : vector<16xf32> to vector<16xi32>
        %parallel_loop3A_468 = arith.constant 0 : i32
        %parallel_loop3A_469 = arith.index_cast %parallel_loop3A_468 : i32 to index
        %parallel_loop3A_470 = arith.index_cast %parallel_loop3A_266 : i32 to index
        %parallel_loop3A_471 = arith.constant 96 : index
        %parallel_loop3A_472 = tpu.vector_load %arg6[%parallel_loop3A_469, %parallel_loop3A_470, %parallel_loop3A_471] {strides = array<i32>} : memref<2x64x128xf32, #tpu.memory_space<vmem>>, vector<16xf32>,
        %parallel_loop3A_473 = arith.constant 2.550000e+02 : f32
        %parallel_loop3A_474 = vector.broadcast %parallel_loop3A_473 : f32 to vector<16xf32>
        %parallel_loop3A_475 = arith.mulf %parallel_loop3A_472, %parallel_loop3A_474 : vector<16xf32>
        %parallel_loop3A_476 = arith.fptosi %parallel_loop3A_475 : vector<16xf32> to vector<16xi32>
        %parallel_loop3A_477 = arith.constant 0 : i32
        %parallel_loop3A_478 = arith.index_cast %parallel_loop3A_477 : i32 to index
        %parallel_loop3A_479 = arith.index_cast %parallel_loop3A_262 : i32 to index
        %parallel_loop3A_480 = arith.constant 96 : index
        %parallel_loop3A_481 = tpu.vector_load %arg7[%parallel_loop3A_478, %parallel_loop3A_479, %parallel_loop3A_480] {strides = array<i32>} : memref<2x64x128xi32, #tpu.memory_space<vmem>>, vector<16xi32>,
        tpu.vector_store %arg7[%parallel_loop3A_478, %parallel_loop3A_479, %parallel_loop3A_480], %parallel_loop3A_467 {strides = array<i32>} : memref<2x64x128xi32, #tpu.memory_space<vmem>>, vector<16xi32>,
        %parallel_loop3A_482 = arith.constant 0 : i32
        %parallel_loop3A_483 = arith.index_cast %parallel_loop3A_482 : i32 to index
        %parallel_loop3A_484 = arith.index_cast %parallel_loop3A_266 : i32 to index
        %parallel_loop3A_485 = arith.constant 96 : index
        %parallel_loop3A_486 = tpu.vector_load %arg7[%parallel_loop3A_483, %parallel_loop3A_484, %parallel_loop3A_485] {strides = array<i32>} : memref<2x64x128xi32, #tpu.memory_space<vmem>>, vector<16xi32>,
        tpu.vector_store %arg7[%parallel_loop3A_483, %parallel_loop3A_484, %parallel_loop3A_485], %parallel_loop3A_476 {strides = array<i32>} : memref<2x64x128xi32, #tpu.memory_space<vmem>>, vector<16xi32>,
        %parallel_loop3A_487 = arith.constant 8 : i32
        %parallel_loop3A_488 = vector.broadcast %parallel_loop3A_487 : i32 to vector<16xi32>
        %parallel_loop3A_489 = arith.shli %parallel_loop3A_476, %parallel_loop3A_488 : vector<16xi32>
        %parallel_loop3A_490 = arith.addi %parallel_loop3A_467, %parallel_loop3A_489 : vector<16xi32>
        tpu.vector_store_idx %arg8[%parallel_loop3A_490], %broadcast_in_dim3A_39 {add = true} : memref<65536xi32, #tpu.memory_space<vmem>>[vector<16xi32>], vector<16xi32>,
        %parallel_loop3A_491 = arith.constant 0 : i32
        %parallel_loop3A_492 = arith.index_cast %parallel_loop3A_491 : i32 to index
        %parallel_loop3A_493 = arith.index_cast %parallel_loop3A_262 : i32 to index
        %parallel_loop3A_494 = arith.constant 112 : index
        %parallel_loop3A_495 = tpu.vector_load %arg6[%parallel_loop3A_492, %parallel_loop3A_493, %parallel_loop3A_494] {strides = array<i32>} : memref<2x64x128xf32, #tpu.memory_space<vmem>>, vector<16xf32>,
        %parallel_loop3A_496 = arith.constant 2.550000e+02 : f32
        %parallel_loop3A_497 = vector.broadcast %parallel_loop3A_496 : f32 to vector<16xf32>
        %parallel_loop3A_498 = arith.mulf %parallel_loop3A_495, %parallel_loop3A_497 : vector<16xf32>
        %parallel_loop3A_499 = arith.fptosi %parallel_loop3A_498 : vector<16xf32> to vector<16xi32>
        %parallel_loop3A_500 = arith.constant 0 : i32
        %parallel_loop3A_501 = arith.index_cast %parallel_loop3A_500 : i32 to index
        %parallel_loop3A_502 = arith.index_cast %parallel_loop3A_266 : i32 to index
        %parallel_loop3A_503 = arith.constant 112 : index
        %parallel_loop3A_504 = tpu.vector_load %arg6[%parallel_loop3A_501, %parallel_loop3A_502, %parallel_loop3A_503] {strides = array<i32>} : memref<2x64x128xf32, #tpu.memory_space<vmem>>, vector<16xf32>,
        %parallel_loop3A_505 = arith.constant 2.550000e+02 : f32
        %parallel_loop3A_506 = vector.broadcast %parallel_loop3A_505 : f32 to vector<16xf32>
        %parallel_loop3A_507 = arith.mulf %parallel_loop3A_504, %parallel_loop3A_506 : vector<16xf32>
        %parallel_loop3A_508 = arith.fptosi %parallel_loop3A_507 : vector<16xf32> to vector<16xi32>
        %parallel_loop3A_509 = arith.constant 0 : i32
        %parallel_loop3A_510 = arith.index_cast %parallel_loop3A_509 : i32 to index
        %parallel_loop3A_511 = arith.index_cast %parallel_loop3A_262 : i32 to index
        %parallel_loop3A_512 = arith.constant 112 : index
        %parallel_loop3A_513 = tpu.vector_load %arg7[%parallel_loop3A_510, %parallel_loop3A_511, %parallel_loop3A_512] {strides = array<i32>} : memref<2x64x128xi32, #tpu.memory_space<vmem>>, vector<16xi32>,
        tpu.vector_store %arg7[%parallel_loop3A_510, %parallel_loop3A_511, %parallel_loop3A_512], %parallel_loop3A_499 {strides = array<i32>} : memref<2x64x128xi32, #tpu.memory_space<vmem>>, vector<16xi32>,
        %parallel_loop3A_514 = arith.constant 0 : i32
        %parallel_loop3A_515 = arith.index_cast %parallel_loop3A_514 : i32 to index
        %parallel_loop3A_516 = arith.index_cast %parallel_loop3A_266 : i32 to index
        %parallel_loop3A_517 = arith.constant 112 : index
        %parallel_loop3A_518 = tpu.vector_load %arg7[%parallel_loop3A_515, %parallel_loop3A_516, %parallel_loop3A_517] {strides = array<i32>} : memref<2x64x128xi32, #tpu.memory_space<vmem>>, vector<16xi32>,
        tpu.vector_store %arg7[%parallel_loop3A_515, %parallel_loop3A_516, %parallel_loop3A_517], %parallel_loop3A_508 {strides = array<i32>} : memref<2x64x128xi32, #tpu.memory_space<vmem>>, vector<16xi32>,
        %parallel_loop3A_519 = arith.constant 8 : i32
        %parallel_loop3A_520 = vector.broadcast %parallel_loop3A_519 : i32 to vector<16xi32>
        %parallel_loop3A_521 = arith.shli %parallel_loop3A_508, %parallel_loop3A_520 : vector<16xi32>
        %parallel_loop3A_522 = arith.addi %parallel_loop3A_499, %parallel_loop3A_521 : vector<16xi32>
        tpu.vector_store_idx %arg8[%parallel_loop3A_522], %broadcast_in_dim3A_39 {add = true} : memref<65536xi32, #tpu.memory_space<vmem>>[vector<16xi32>], vector<16xi32>,
      } {sc.loop_unroll_factor = 2 : i64, sc.parallel_access}
      %mul3A_192 = arith.constant 64 : i32
      %mul3A_193 = arith.muli %add3A_163, %mul3A_192 : i32
      %add3A_194 = arith.addi %add3A_38, %mul3A_193 : i32
      %dma_start3A_195 = arith.constant 0 : i32
      %dma_start3A_196 = arith.constant 0 : i32
      %dma_start3A_197 = arith.constant 0 : i32
      %dma_start3A_198 = tpu.memref_slice %arg7[%dma_start3A_195, %dma_start3A_196, %dma_start3A_197] : memref<2x64x128xi32, #tpu.memory_space<vmem>> -> memref<1x64x128xi32, #tpu.memory_space<vmem>>
      %dma_start3A_199 = tpu.memref_squeeze %dma_start3A_198 : memref<1x64x128xi32, #tpu.memory_space<vmem>> -> memref<64x128xi32, #tpu.memory_space<vmem>>
      %dma_start3A_200 = arith.constant 0 : i32
      %dma_start3A_201 = tpu.memref_slice %arg3[%add3A_194, %dma_start3A_200] : memref<32768x128xi32, #tpu.memory_space<hbm>> -> memref<64x128xi32, #tpu.memory_space<hbm>>
      %dma_start3A_202 = arith.constant 0 : i32
      %dma_start3A_203 = tpu.memref_slice %arg3[%add3A_194, %dma_start3A_202] : memref<32768x128xi32, #tpu.memory_space<hbm>> -> memref<64x128xi32, #tpu.memory_space<hbm>>
      %dma_start3A_204 = arith.constant 0 : i32
      %dma_start3A_205 = arith.constant 0 : i32
      %dma_start3A_206 = tpu.memref_slice %arg7[%dma_start3A_195, %dma_start3A_204, %dma_start3A_205] : memref<2x64x128xi32, #tpu.memory_space<vmem>> -> memref<1x64x128xi32, #tpu.memory_space<vmem>>
      %dma_start3A_207 = tpu.memref_squeeze %dma_start3A_206 : memref<1x64x128xi32, #tpu.memory_space<vmem>> -> memref<64x128xi32, #tpu.memory_space<vmem>>
      tpu.enqueue_dma source(%dma_start3A_207 : memref<64x128xi32, #tpu.memory_space<vmem>>) target(%dma_start3A_203 : memref<64x128xi32, #tpu.memory_space<hbm>>) target_semaphore(%arg13 : memref<!tpu.dma_semaphore, #tpu.memory_space<semaphore_mem>>)
      %mul3A_208 = arith.constant 2 : i32
      %mul3A_209 = arith.muli %scan3A_158, %mul3A_208 : i32
      %add3A_210 = arith.constant 1 : i32
      %add3A_211 = arith.addi %mul3A_209, %add3A_210 : i32
      %mul3A_212 = arith.constant 64 : i32
      %mul3A_213 = arith.muli %add3A_211, %mul3A_212 : i32
      %add3A_214 = arith.addi %add3A_38, %mul3A_213 : i32
      %dma_wait3A_215 = arith.constant 1 : i32
      %dma_wait3A_216 = arith.constant 0 : i32
      %dma_wait3A_217 = arith.constant 0 : i32
      %dma_wait3A_218 = tpu.memref_slice %arg6[%dma_wait3A_215, %dma_wait3A_216, %dma_wait3A_217] : memref<2x64x128xf32, #tpu.memory_space<vmem>> -> memref<1x64x128xf32, #tpu.memory_space<vmem>>
      %dma_wait3A_219 = tpu.memref_squeeze %dma_wait3A_218 : memref<1x64x128xf32, #tpu.memory_space<vmem>> -> memref<64x128xf32, #tpu.memory_space<vmem>>
      %dma_wait3A_220 = arith.constant 0 : i32
      %dma_wait3A_221 = tpu.memref_slice %arg2[%add3A_214, %dma_wait3A_220] : memref<32768x128xf32, #tpu.memory_space<hbm>> -> memref<64x128xf32, #tpu.memory_space<hbm>>
      %dma_wait3A_222 = arith.constant 0 : i32
      %dma_wait3A_223 = arith.constant 0 : i32
      %dma_wait3A_224 = tpu.memref_slice %arg6[%dma_wait3A_215, %dma_wait3A_222, %dma_wait3A_223] : memref<2x64x128xf32, #tpu.memory_space<vmem>> -> memref<1x64x128xf32, #tpu.memory_space<vmem>>
      %dma_wait3A_225 = tpu.memref_squeeze %dma_wait3A_224 : memref<1x64x128xf32, #tpu.memory_space<vmem>> -> memref<64x128xf32, #tpu.memory_space<vmem>>
      %dma_wait3A_226 = arith.constant 0 : i32
      %dma_wait3A_227 = tpu.memref_slice %arg2[%add3A_214, %dma_wait3A_226] : memref<32768x128xf32, #tpu.memory_space<hbm>> -> memref<64x128xf32, #tpu.memory_space<hbm>>
      tpu.wait_dma2 semaphore(%arg12 : memref<!tpu.dma_semaphore, #tpu.memory_space<semaphore_mem>>) src(%dma_wait3A_227 : memref<64x128xf32, #tpu.memory_space<hbm>>) dst(%dma_wait3A_225 : memref<64x128xf32, #tpu.memory_space<vmem>>)
      %add3A_228 = arith.constant 1 : i32
      %add3A_229 = arith.addi %add3A_211, %add3A_228 : i32
      %lt3A_230 = arith.constant 16 : i32
      %lt3A_231 = arith.cmpi slt, %add3A_229, %lt3A_230 : i32
      %convert_element_type3A_232 = arith.extui %lt3A_231 : i1 to i32
      %cond3A_233 = arith.constant 0 : i32
      %cond3A_234 = arith.cmpi ne, %convert_element_type3A_232, %cond3A_233 : i32
      scf.if %cond3A_234 {
        %add3A_260 = arith.constant 1 : i32
        %add3A_261 = arith.addi %add3A_211, %add3A_260 : i32
        %mul3A_262 = arith.constant 64 : i32
        %mul3A_263 = arith.muli %add3A_261, %mul3A_262 : i32
        %add3A_264 = arith.addi %add3A_38, %mul3A_263 : i32
        %dma_start3A_265 = arith.constant 0 : i32
        %dma_start3A_266 = arith.constant 0 : i32
        %dma_start3A_267 = arith.constant 0 : i32
        %dma_start3A_268 = tpu.memref_slice %arg6[%dma_start3A_265, %dma_start3A_266, %dma_start3A_267] : memref<2x64x128xf32, #tpu.memory_space<vmem>> -> memref<1x64x128xf32, #tpu.memory_space<vmem>>
        %dma_start3A_269 = tpu.memref_squeeze %dma_start3A_268 : memref<1x64x128xf32, #tpu.memory_space<vmem>> -> memref<64x128xf32, #tpu.memory_space<vmem>>
        %dma_start3A_270 = arith.constant 0 : i32
        %dma_start3A_271 = tpu.memref_slice %arg2[%add3A_264, %dma_start3A_270] : memref<32768x128xf32, #tpu.memory_space<hbm>> -> memref<64x128xf32, #tpu.memory_space<hbm>>
        %dma_start3A_272 = arith.constant 0 : i32
        %dma_start3A_273 = arith.constant 0 : i32
        %dma_start3A_274 = tpu.memref_slice %arg6[%dma_start3A_265, %dma_start3A_272, %dma_start3A_273] : memref<2x64x128xf32, #tpu.memory_space<vmem>> -> memref<1x64x128xf32, #tpu.memory_space<vmem>>
        %dma_start3A_275 = tpu.memref_squeeze %dma_start3A_274 : memref<1x64x128xf32, #tpu.memory_space<vmem>> -> memref<64x128xf32, #tpu.memory_space<vmem>>
        %dma_start3A_276 = arith.constant 0 : i32
        %dma_start3A_277 = tpu.memref_slice %arg2[%add3A_264, %dma_start3A_276] : memref<32768x128xf32, #tpu.memory_space<hbm>> -> memref<64x128xf32, #tpu.memory_space<hbm>>
        tpu.enqueue_dma source(%dma_start3A_277 : memref<64x128xf32, #tpu.memory_space<hbm>>) target(%dma_start3A_275 : memref<64x128xf32, #tpu.memory_space<vmem>>) target_semaphore(%arg11 : memref<!tpu.dma_semaphore, #tpu.memory_space<semaphore_mem>>)
      } else {
      }
      %ge3A_235 = arith.constant 1 : i32
      %ge3A_236 = arith.cmpi sge, %scan3A_158, %ge3A_235 : i32
      %convert_element_type3A_237 = arith.extui %ge3A_236 : i1 to i32
      %cond3A_238 = arith.constant 0 : i32
      %cond3A_239 = arith.cmpi ne, %convert_element_type3A_237, %cond3A_238 : i32
      scf.if %cond3A_239 {
        %sub3A_260 = arith.constant 2 : i32
        %sub3A_261 = arith.subi %add3A_211, %sub3A_260 : i32
        %mul3A_262 = arith.constant 64 : i32
        %mul3A_263 = arith.muli %sub3A_261, %mul3A_262 : i32
        %add3A_264 = arith.addi %add3A_38, %mul3A_263 : i32
        %dma_wait3A_265 = arith.constant 1 : i32
        %dma_wait3A_266 = arith.constant 0 : i32
        %dma_wait3A_267 = arith.constant 0 : i32
        %dma_wait3A_268 = tpu.memref_slice %arg7[%dma_wait3A_265, %dma_wait3A_266, %dma_wait3A_267] : memref<2x64x128xi32, #tpu.memory_space<vmem>> -> memref<1x64x128xi32, #tpu.memory_space<vmem>>
        %dma_wait3A_269 = tpu.memref_squeeze %dma_wait3A_268 : memref<1x64x128xi32, #tpu.memory_space<vmem>> -> memref<64x128xi32, #tpu.memory_space<vmem>>
        %dma_wait3A_270 = arith.constant 0 : i32
        %dma_wait3A_271 = tpu.memref_slice %arg3[%add3A_264, %dma_wait3A_270] : memref<32768x128xi32, #tpu.memory_space<hbm>> -> memref<64x128xi32, #tpu.memory_space<hbm>>
        %dma_wait3A_272 = arith.constant 0 : i32
        %dma_wait3A_273 = tpu.memref_slice %arg3[%add3A_264, %dma_wait3A_272] : memref<32768x128xi32, #tpu.memory_space<hbm>> -> memref<64x128xi32, #tpu.memory_space<hbm>>
        %dma_wait3A_274 = arith.constant 0 : i32
        %dma_wait3A_275 = arith.constant 0 : i32
        %dma_wait3A_276 = tpu.memref_slice %arg7[%dma_wait3A_265, %dma_wait3A_274, %dma_wait3A_275] : memref<2x64x128xi32, #tpu.memory_space<vmem>> -> memref<1x64x128xi32, #tpu.memory_space<vmem>>
        %dma_wait3A_277 = tpu.memref_squeeze %dma_wait3A_276 : memref<1x64x128xi32, #tpu.memory_space<vmem>> -> memref<64x128xi32, #tpu.memory_space<vmem>>
        tpu.wait_dma2 semaphore(%arg14 : memref<!tpu.dma_semaphore, #tpu.memory_space<semaphore_mem>>) src(%dma_wait3A_277 : memref<64x128xi32, #tpu.memory_space<vmem>>) dst(%dma_wait3A_273 : memref<64x128xi32, #tpu.memory_space<hbm>>)
      } else {
      }
      %parallel_loop3A_240 = arith.constant 0 : i32
      %parallel_loop3A_241 = arith.constant 32 : i32
      %parallel_loop3A_242 = arith.constant 1 : i32
      scf.for %parallel_loop3A_260 = %parallel_loop3A_240 to %parallel_loop3A_241 step %parallel_loop3A_242  : i32 {
        %parallel_loop3A_261 = arith.constant 2 : i32
        %parallel_loop3A_262 = arith.muli %parallel_loop3A_261, %parallel_loop3A_260 : i32
        %parallel_loop3A_263 = arith.constant 2 : i32
        %parallel_loop3A_264 = arith.muli %parallel_loop3A_263, %parallel_loop3A_260 : i32
        %parallel_loop3A_265 = arith.constant 1 : i32
        %parallel_loop3A_266 = arith.addi %parallel_loop3A_264, %parallel_loop3A_265 : i32
        %parallel_loop3A_267 = arith.constant 1 : i32
        %parallel_loop3A_268 = arith.index_cast %parallel_loop3A_267 : i32 to index
        %parallel_loop3A_269 = arith.index_cast %parallel_loop3A_262 : i32 to index
        %parallel_loop3A_270 = arith.constant 0 : index
        %parallel_loop3A_271 = tpu.vector_load %arg6[%parallel_loop3A_268, %parallel_loop3A_269, %parallel_loop3A_270] {strides = array<i32>} : memref<2x64x128xf32, #tpu.memory_space<vmem>>, vector<16xf32>,
        %parallel_loop3A_272 = arith.constant 2.550000e+02 : f32
        %parallel_loop3A_273 = vector.broadcast %parallel_loop3A_272 : f32 to vector<16xf32>
        %parallel_loop3A_274 = arith.mulf %parallel_loop3A_271, %parallel_loop3A_273 : vector<16xf32>
        %parallel_loop3A_275 = arith.fptosi %parallel_loop3A_274 : vector<16xf32> to vector<16xi32>
        %parallel_loop3A_276 = arith.constant 1 : i32
        %parallel_loop3A_277 = arith.index_cast %parallel_loop3A_276 : i32 to index
        %parallel_loop3A_278 = arith.index_cast %parallel_loop3A_266 : i32 to index
        %parallel_loop3A_279 = arith.constant 0 : index
        %parallel_loop3A_280 = tpu.vector_load %arg6[%parallel_loop3A_277, %parallel_loop3A_278, %parallel_loop3A_279] {strides = array<i32>} : memref<2x64x128xf32, #tpu.memory_space<vmem>>, vector<16xf32>,
        %parallel_loop3A_281 = arith.constant 2.550000e+02 : f32
        %parallel_loop3A_282 = vector.broadcast %parallel_loop3A_281 : f32 to vector<16xf32>
        %parallel_loop3A_283 = arith.mulf %parallel_loop3A_280, %parallel_loop3A_282 : vector<16xf32>
        %parallel_loop3A_284 = arith.fptosi %parallel_loop3A_283 : vector<16xf32> to vector<16xi32>
        %parallel_loop3A_285 = arith.constant 1 : i32
        %parallel_loop3A_286 = arith.index_cast %parallel_loop3A_285 : i32 to index
        %parallel_loop3A_287 = arith.index_cast %parallel_loop3A_262 : i32 to index
        %parallel_loop3A_288 = arith.constant 0 : index
        %parallel_loop3A_289 = tpu.vector_load %arg7[%parallel_loop3A_286, %parallel_loop3A_287, %parallel_loop3A_288] {strides = array<i32>} : memref<2x64x128xi32, #tpu.memory_space<vmem>>, vector<16xi32>,
        tpu.vector_store %arg7[%parallel_loop3A_286, %parallel_loop3A_287, %parallel_loop3A_288], %parallel_loop3A_275 {strides = array<i32>} : memref<2x64x128xi32, #tpu.memory_space<vmem>>, vector<16xi32>,
        %parallel_loop3A_290 = arith.constant 1 : i32
        %parallel_loop3A_291 = arith.index_cast %parallel_loop3A_290 : i32 to index
        %parallel_loop3A_292 = arith.index_cast %parallel_loop3A_266 : i32 to index
        %parallel_loop3A_293 = arith.constant 0 : index
        %parallel_loop3A_294 = tpu.vector_load %arg7[%parallel_loop3A_291, %parallel_loop3A_292, %parallel_loop3A_293] {strides = array<i32>} : memref<2x64x128xi32, #tpu.memory_space<vmem>>, vector<16xi32>,
        tpu.vector_store %arg7[%parallel_loop3A_291, %parallel_loop3A_292, %parallel_loop3A_293], %parallel_loop3A_284 {strides = array<i32>} : memref<2x64x128xi32, #tpu.memory_space<vmem>>, vector<16xi32>,
        %parallel_loop3A_295 = arith.constant 8 : i32
        %parallel_loop3A_296 = vector.broadcast %parallel_loop3A_295 : i32 to vector<16xi32>
        %parallel_loop3A_297 = arith.shli %parallel_loop3A_284, %parallel_loop3A_296 : vector<16xi32>
        %parallel_loop3A_298 = arith.addi %parallel_loop3A_275, %parallel_loop3A_297 : vector<16xi32>
        tpu.vector_store_idx %arg8[%parallel_loop3A_298], %broadcast_in_dim3A_39 {add = true} : memref<65536xi32, #tpu.memory_space<vmem>>[vector<16xi32>], vector<16xi32>,
        %parallel_loop3A_299 = arith.constant 1 : i32
        %parallel_loop3A_300 = arith.index_cast %parallel_loop3A_299 : i32 to index
        %parallel_loop3A_301 = arith.index_cast %parallel_loop3A_262 : i32 to index
        %parallel_loop3A_302 = arith.constant 16 : index
        %parallel_loop3A_303 = tpu.vector_load %arg6[%parallel_loop3A_300, %parallel_loop3A_301, %parallel_loop3A_302] {strides = array<i32>} : memref<2x64x128xf32, #tpu.memory_space<vmem>>, vector<16xf32>,
        %parallel_loop3A_304 = arith.constant 2.550000e+02 : f32
        %parallel_loop3A_305 = vector.broadcast %parallel_loop3A_304 : f32 to vector<16xf32>
        %parallel_loop3A_306 = arith.mulf %parallel_loop3A_303, %parallel_loop3A_305 : vector<16xf32>
        %parallel_loop3A_307 = arith.fptosi %parallel_loop3A_306 : vector<16xf32> to vector<16xi32>
        %parallel_loop3A_308 = arith.constant 1 : i32
        %parallel_loop3A_309 = arith.index_cast %parallel_loop3A_308 : i32 to index
        %parallel_loop3A_310 = arith.index_cast %parallel_loop3A_266 : i32 to index
        %parallel_loop3A_311 = arith.constant 16 : index
        %parallel_loop3A_312 = tpu.vector_load %arg6[%parallel_loop3A_309, %parallel_loop3A_310, %parallel_loop3A_311] {strides = array<i32>} : memref<2x64x128xf32, #tpu.memory_space<vmem>>, vector<16xf32>,
        %parallel_loop3A_313 = arith.constant 2.550000e+02 : f32
        %parallel_loop3A_314 = vector.broadcast %parallel_loop3A_313 : f32 to vector<16xf32>
        %parallel_loop3A_315 = arith.mulf %parallel_loop3A_312, %parallel_loop3A_314 : vector<16xf32>
        %parallel_loop3A_316 = arith.fptosi %parallel_loop3A_315 : vector<16xf32> to vector<16xi32>
        %parallel_loop3A_317 = arith.constant 1 : i32
        %parallel_loop3A_318 = arith.index_cast %parallel_loop3A_317 : i32 to index
        %parallel_loop3A_319 = arith.index_cast %parallel_loop3A_262 : i32 to index
        %parallel_loop3A_320 = arith.constant 16 : index
        %parallel_loop3A_321 = tpu.vector_load %arg7[%parallel_loop3A_318, %parallel_loop3A_319, %parallel_loop3A_320] {strides = array<i32>} : memref<2x64x128xi32, #tpu.memory_space<vmem>>, vector<16xi32>,
        tpu.vector_store %arg7[%parallel_loop3A_318, %parallel_loop3A_319, %parallel_loop3A_320], %parallel_loop3A_307 {strides = array<i32>} : memref<2x64x128xi32, #tpu.memory_space<vmem>>, vector<16xi32>,
        %parallel_loop3A_322 = arith.constant 1 : i32
        %parallel_loop3A_323 = arith.index_cast %parallel_loop3A_322 : i32 to index
        %parallel_loop3A_324 = arith.index_cast %parallel_loop3A_266 : i32 to index
        %parallel_loop3A_325 = arith.constant 16 : index
        %parallel_loop3A_326 = tpu.vector_load %arg7[%parallel_loop3A_323, %parallel_loop3A_324, %parallel_loop3A_325] {strides = array<i32>} : memref<2x64x128xi32, #tpu.memory_space<vmem>>, vector<16xi32>,
        tpu.vector_store %arg7[%parallel_loop3A_323, %parallel_loop3A_324, %parallel_loop3A_325], %parallel_loop3A_316 {strides = array<i32>} : memref<2x64x128xi32, #tpu.memory_space<vmem>>, vector<16xi32>,
        %parallel_loop3A_327 = arith.constant 8 : i32
        %parallel_loop3A_328 = vector.broadcast %parallel_loop3A_327 : i32 to vector<16xi32>
        %parallel_loop3A_329 = arith.shli %parallel_loop3A_316, %parallel_loop3A_328 : vector<16xi32>
        %parallel_loop3A_330 = arith.addi %parallel_loop3A_307, %parallel_loop3A_329 : vector<16xi32>
        tpu.vector_store_idx %arg8[%parallel_loop3A_330], %broadcast_in_dim3A_39 {add = true} : memref<65536xi32, #tpu.memory_space<vmem>>[vector<16xi32>], vector<16xi32>,
        %parallel_loop3A_331 = arith.constant 1 : i32
        %parallel_loop3A_332 = arith.index_cast %parallel_loop3A_331 : i32 to index
        %parallel_loop3A_333 = arith.index_cast %parallel_loop3A_262 : i32 to index
        %parallel_loop3A_334 = arith.constant 32 : index
        %parallel_loop3A_335 = tpu.vector_load %arg6[%parallel_loop3A_332, %parallel_loop3A_333, %parallel_loop3A_334] {strides = array<i32>} : memref<2x64x128xf32, #tpu.memory_space<vmem>>, vector<16xf32>,
        %parallel_loop3A_336 = arith.constant 2.550000e+02 : f32
        %parallel_loop3A_337 = vector.broadcast %parallel_loop3A_336 : f32 to vector<16xf32>
        %parallel_loop3A_338 = arith.mulf %parallel_loop3A_335, %parallel_loop3A_337 : vector<16xf32>
        %parallel_loop3A_339 = arith.fptosi %parallel_loop3A_338 : vector<16xf32> to vector<16xi32>
        %parallel_loop3A_340 = arith.constant 1 : i32
        %parallel_loop3A_341 = arith.index_cast %parallel_loop3A_340 : i32 to index
        %parallel_loop3A_342 = arith.index_cast %parallel_loop3A_266 : i32 to index
        %parallel_loop3A_343 = arith.constant 32 : index
        %parallel_loop3A_344 = tpu.vector_load %arg6[%parallel_loop3A_341, %parallel_loop3A_342, %parallel_loop3A_343] {strides = array<i32>} : memref<2x64x128xf32, #tpu.memory_space<vmem>>, vector<16xf32>,
        %parallel_loop3A_345 = arith.constant 2.550000e+02 : f32
        %parallel_loop3A_346 = vector.broadcast %parallel_loop3A_345 : f32 to vector<16xf32>
        %parallel_loop3A_347 = arith.mulf %parallel_loop3A_344, %parallel_loop3A_346 : vector<16xf32>
        %parallel_loop3A_348 = arith.fptosi %parallel_loop3A_347 : vector<16xf32> to vector<16xi32>
        %parallel_loop3A_349 = arith.constant 1 : i32
        %parallel_loop3A_350 = arith.index_cast %parallel_loop3A_349 : i32 to index
        %parallel_loop3A_351 = arith.index_cast %parallel_loop3A_262 : i32 to index
        %parallel_loop3A_352 = arith.constant 32 : index
        %parallel_loop3A_353 = tpu.vector_load %arg7[%parallel_loop3A_350, %parallel_loop3A_351, %parallel_loop3A_352] {strides = array<i32>} : memref<2x64x128xi32, #tpu.memory_space<vmem>>, vector<16xi32>,
        tpu.vector_store %arg7[%parallel_loop3A_350, %parallel_loop3A_351, %parallel_loop3A_352], %parallel_loop3A_339 {strides = array<i32>} : memref<2x64x128xi32, #tpu.memory_space<vmem>>, vector<16xi32>,
        %parallel_loop3A_354 = arith.constant 1 : i32
        %parallel_loop3A_355 = arith.index_cast %parallel_loop3A_354 : i32 to index
        %parallel_loop3A_356 = arith.index_cast %parallel_loop3A_266 : i32 to index
        %parallel_loop3A_357 = arith.constant 32 : index
        %parallel_loop3A_358 = tpu.vector_load %arg7[%parallel_loop3A_355, %parallel_loop3A_356, %parallel_loop3A_357] {strides = array<i32>} : memref<2x64x128xi32, #tpu.memory_space<vmem>>, vector<16xi32>,
        tpu.vector_store %arg7[%parallel_loop3A_355, %parallel_loop3A_356, %parallel_loop3A_357], %parallel_loop3A_348 {strides = array<i32>} : memref<2x64x128xi32, #tpu.memory_space<vmem>>, vector<16xi32>,
        %parallel_loop3A_359 = arith.constant 8 : i32
        %parallel_loop3A_360 = vector.broadcast %parallel_loop3A_359 : i32 to vector<16xi32>
        %parallel_loop3A_361 = arith.shli %parallel_loop3A_348, %parallel_loop3A_360 : vector<16xi32>
        %parallel_loop3A_362 = arith.addi %parallel_loop3A_339, %parallel_loop3A_361 : vector<16xi32>
        tpu.vector_store_idx %arg8[%parallel_loop3A_362], %broadcast_in_dim3A_39 {add = true} : memref<65536xi32, #tpu.memory_space<vmem>>[vector<16xi32>], vector<16xi32>,
        %parallel_loop3A_363 = arith.constant 1 : i32
        %parallel_loop3A_364 = arith.index_cast %parallel_loop3A_363 : i32 to index
        %parallel_loop3A_365 = arith.index_cast %parallel_loop3A_262 : i32 to index
        %parallel_loop3A_366 = arith.constant 48 : index
        %parallel_loop3A_367 = tpu.vector_load %arg6[%parallel_loop3A_364, %parallel_loop3A_365, %parallel_loop3A_366] {strides = array<i32>} : memref<2x64x128xf32, #tpu.memory_space<vmem>>, vector<16xf32>,
        %parallel_loop3A_368 = arith.constant 2.550000e+02 : f32
        %parallel_loop3A_369 = vector.broadcast %parallel_loop3A_368 : f32 to vector<16xf32>
        %parallel_loop3A_370 = arith.mulf %parallel_loop3A_367, %parallel_loop3A_369 : vector<16xf32>
        %parallel_loop3A_371 = arith.fptosi %parallel_loop3A_370 : vector<16xf32> to vector<16xi32>
        %parallel_loop3A_372 = arith.constant 1 : i32
        %parallel_loop3A_373 = arith.index_cast %parallel_loop3A_372 : i32 to index
        %parallel_loop3A_374 = arith.index_cast %parallel_loop3A_266 : i32 to index
        %parallel_loop3A_375 = arith.constant 48 : index
        %parallel_loop3A_376 = tpu.vector_load %arg6[%parallel_loop3A_373, %parallel_loop3A_374, %parallel_loop3A_375] {strides = array<i32>} : memref<2x64x128xf32, #tpu.memory_space<vmem>>, vector<16xf32>,
        %parallel_loop3A_377 = arith.constant 2.550000e+02 : f32
        %parallel_loop3A_378 = vector.broadcast %parallel_loop3A_377 : f32 to vector<16xf32>
        %parallel_loop3A_379 = arith.mulf %parallel_loop3A_376, %parallel_loop3A_378 : vector<16xf32>
        %parallel_loop3A_380 = arith.fptosi %parallel_loop3A_379 : vector<16xf32> to vector<16xi32>
        %parallel_loop3A_381 = arith.constant 1 : i32
        %parallel_loop3A_382 = arith.index_cast %parallel_loop3A_381 : i32 to index
        %parallel_loop3A_383 = arith.index_cast %parallel_loop3A_262 : i32 to index
        %parallel_loop3A_384 = arith.constant 48 : index
        %parallel_loop3A_385 = tpu.vector_load %arg7[%parallel_loop3A_382, %parallel_loop3A_383, %parallel_loop3A_384] {strides = array<i32>} : memref<2x64x128xi32, #tpu.memory_space<vmem>>, vector<16xi32>,
        tpu.vector_store %arg7[%parallel_loop3A_382, %parallel_loop3A_383, %parallel_loop3A_384], %parallel_loop3A_371 {strides = array<i32>} : memref<2x64x128xi32, #tpu.memory_space<vmem>>, vector<16xi32>,
        %parallel_loop3A_386 = arith.constant 1 : i32
        %parallel_loop3A_387 = arith.index_cast %parallel_loop3A_386 : i32 to index
        %parallel_loop3A_388 = arith.index_cast %parallel_loop3A_266 : i32 to index
        %parallel_loop3A_389 = arith.constant 48 : index
        %parallel_loop3A_390 = tpu.vector_load %arg7[%parallel_loop3A_387, %parallel_loop3A_388, %parallel_loop3A_389] {strides = array<i32>} : memref<2x64x128xi32, #tpu.memory_space<vmem>>, vector<16xi32>,
        tpu.vector_store %arg7[%parallel_loop3A_387, %parallel_loop3A_388, %parallel_loop3A_389], %parallel_loop3A_380 {strides = array<i32>} : memref<2x64x128xi32, #tpu.memory_space<vmem>>, vector<16xi32>,
        %parallel_loop3A_391 = arith.constant 8 : i32
        %parallel_loop3A_392 = vector.broadcast %parallel_loop3A_391 : i32 to vector<16xi32>
        %parallel_loop3A_393 = arith.shli %parallel_loop3A_380, %parallel_loop3A_392 : vector<16xi32>
        %parallel_loop3A_394 = arith.addi %parallel_loop3A_371, %parallel_loop3A_393 : vector<16xi32>
        tpu.vector_store_idx %arg8[%parallel_loop3A_394], %broadcast_in_dim3A_39 {add = true} : memref<65536xi32, #tpu.memory_space<vmem>>[vector<16xi32>], vector<16xi32>,
        %parallel_loop3A_395 = arith.constant 1 : i32
        %parallel_loop3A_396 = arith.index_cast %parallel_loop3A_395 : i32 to index
        %parallel_loop3A_397 = arith.index_cast %parallel_loop3A_262 : i32 to index
        %parallel_loop3A_398 = arith.constant 64 : index
        %parallel_loop3A_399 = tpu.vector_load %arg6[%parallel_loop3A_396, %parallel_loop3A_397, %parallel_loop3A_398] {strides = array<i32>} : memref<2x64x128xf32, #tpu.memory_space<vmem>>, vector<16xf32>,
        %parallel_loop3A_400 = arith.constant 2.550000e+02 : f32
        %parallel_loop3A_401 = vector.broadcast %parallel_loop3A_400 : f32 to vector<16xf32>
        %parallel_loop3A_402 = arith.mulf %parallel_loop3A_399, %parallel_loop3A_401 : vector<16xf32>
        %parallel_loop3A_403 = arith.fptosi %parallel_loop3A_402 : vector<16xf32> to vector<16xi32>
        %parallel_loop3A_404 = arith.constant 1 : i32
        %parallel_loop3A_405 = arith.index_cast %parallel_loop3A_404 : i32 to index
        %parallel_loop3A_406 = arith.index_cast %parallel_loop3A_266 : i32 to index
        %parallel_loop3A_407 = arith.constant 64 : index
        %parallel_loop3A_408 = tpu.vector_load %arg6[%parallel_loop3A_405, %parallel_loop3A_406, %parallel_loop3A_407] {strides = array<i32>} : memref<2x64x128xf32, #tpu.memory_space<vmem>>, vector<16xf32>,
        %parallel_loop3A_409 = arith.constant 2.550000e+02 : f32
        %parallel_loop3A_410 = vector.broadcast %parallel_loop3A_409 : f32 to vector<16xf32>
        %parallel_loop3A_411 = arith.mulf %parallel_loop3A_408, %parallel_loop3A_410 : vector<16xf32>
        %parallel_loop3A_412 = arith.fptosi %parallel_loop3A_411 : vector<16xf32> to vector<16xi32>
        %parallel_loop3A_413 = arith.constant 1 : i32
        %parallel_loop3A_414 = arith.index_cast %parallel_loop3A_413 : i32 to index
        %parallel_loop3A_415 = arith.index_cast %parallel_loop3A_262 : i32 to index
        %parallel_loop3A_416 = arith.constant 64 : index
        %parallel_loop3A_417 = tpu.vector_load %arg7[%parallel_loop3A_414, %parallel_loop3A_415, %parallel_loop3A_416] {strides = array<i32>} : memref<2x64x128xi32, #tpu.memory_space<vmem>>, vector<16xi32>,
        tpu.vector_store %arg7[%parallel_loop3A_414, %parallel_loop3A_415, %parallel_loop3A_416], %parallel_loop3A_403 {strides = array<i32>} : memref<2x64x128xi32, #tpu.memory_space<vmem>>, vector<16xi32>,
        %parallel_loop3A_418 = arith.constant 1 : i32
        %parallel_loop3A_419 = arith.index_cast %parallel_loop3A_418 : i32 to index
        %parallel_loop3A_420 = arith.index_cast %parallel_loop3A_266 : i32 to index
        %parallel_loop3A_421 = arith.constant 64 : index
        %parallel_loop3A_422 = tpu.vector_load %arg7[%parallel_loop3A_419, %parallel_loop3A_420, %parallel_loop3A_421] {strides = array<i32>} : memref<2x64x128xi32, #tpu.memory_space<vmem>>, vector<16xi32>,
        tpu.vector_store %arg7[%parallel_loop3A_419, %parallel_loop3A_420, %parallel_loop3A_421], %parallel_loop3A_412 {strides = array<i32>} : memref<2x64x128xi32, #tpu.memory_space<vmem>>, vector<16xi32>,
        %parallel_loop3A_423 = arith.constant 8 : i32
        %parallel_loop3A_424 = vector.broadcast %parallel_loop3A_423 : i32 to vector<16xi32>
        %parallel_loop3A_425 = arith.shli %parallel_loop3A_412, %parallel_loop3A_424 : vector<16xi32>
        %parallel_loop3A_426 = arith.addi %parallel_loop3A_403, %parallel_loop3A_425 : vector<16xi32>
        tpu.vector_store_idx %arg8[%parallel_loop3A_426], %broadcast_in_dim3A_39 {add = true} : memref<65536xi32, #tpu.memory_space<vmem>>[vector<16xi32>], vector<16xi32>,
        %parallel_loop3A_427 = arith.constant 1 : i32
        %parallel_loop3A_428 = arith.index_cast %parallel_loop3A_427 : i32 to index
        %parallel_loop3A_429 = arith.index_cast %parallel_loop3A_262 : i32 to index
        %parallel_loop3A_430 = arith.constant 80 : index
        %parallel_loop3A_431 = tpu.vector_load %arg6[%parallel_loop3A_428, %parallel_loop3A_429, %parallel_loop3A_430] {strides = array<i32>} : memref<2x64x128xf32, #tpu.memory_space<vmem>>, vector<16xf32>,
        %parallel_loop3A_432 = arith.constant 2.550000e+02 : f32
        %parallel_loop3A_433 = vector.broadcast %parallel_loop3A_432 : f32 to vector<16xf32>
        %parallel_loop3A_434 = arith.mulf %parallel_loop3A_431, %parallel_loop3A_433 : vector<16xf32>
        %parallel_loop3A_435 = arith.fptosi %parallel_loop3A_434 : vector<16xf32> to vector<16xi32>
        %parallel_loop3A_436 = arith.constant 1 : i32
        %parallel_loop3A_437 = arith.index_cast %parallel_loop3A_436 : i32 to index
        %parallel_loop3A_438 = arith.index_cast %parallel_loop3A_266 : i32 to index
        %parallel_loop3A_439 = arith.constant 80 : index
        %parallel_loop3A_440 = tpu.vector_load %arg6[%parallel_loop3A_437, %parallel_loop3A_438, %parallel_loop3A_439] {strides = array<i32>} : memref<2x64x128xf32, #tpu.memory_space<vmem>>, vector<16xf32>,
        %parallel_loop3A_441 = arith.constant 2.550000e+02 : f32
        %parallel_loop3A_442 = vector.broadcast %parallel_loop3A_441 : f32 to vector<16xf32>
        %parallel_loop3A_443 = arith.mulf %parallel_loop3A_440, %parallel_loop3A_442 : vector<16xf32>
        %parallel_loop3A_444 = arith.fptosi %parallel_loop3A_443 : vector<16xf32> to vector<16xi32>
        %parallel_loop3A_445 = arith.constant 1 : i32
        %parallel_loop3A_446 = arith.index_cast %parallel_loop3A_445 : i32 to index
        %parallel_loop3A_447 = arith.index_cast %parallel_loop3A_262 : i32 to index
        %parallel_loop3A_448 = arith.constant 80 : index
        %parallel_loop3A_449 = tpu.vector_load %arg7[%parallel_loop3A_446, %parallel_loop3A_447, %parallel_loop3A_448] {strides = array<i32>} : memref<2x64x128xi32, #tpu.memory_space<vmem>>, vector<16xi32>,
        tpu.vector_store %arg7[%parallel_loop3A_446, %parallel_loop3A_447, %parallel_loop3A_448], %parallel_loop3A_435 {strides = array<i32>} : memref<2x64x128xi32, #tpu.memory_space<vmem>>, vector<16xi32>,
        %parallel_loop3A_450 = arith.constant 1 : i32
        %parallel_loop3A_451 = arith.index_cast %parallel_loop3A_450 : i32 to index
        %parallel_loop3A_452 = arith.index_cast %parallel_loop3A_266 : i32 to index
        %parallel_loop3A_453 = arith.constant 80 : index
        %parallel_loop3A_454 = tpu.vector_load %arg7[%parallel_loop3A_451, %parallel_loop3A_452, %parallel_loop3A_453] {strides = array<i32>} : memref<2x64x128xi32, #tpu.memory_space<vmem>>, vector<16xi32>,
        tpu.vector_store %arg7[%parallel_loop3A_451, %parallel_loop3A_452, %parallel_loop3A_453], %parallel_loop3A_444 {strides = array<i32>} : memref<2x64x128xi32, #tpu.memory_space<vmem>>, vector<16xi32>,
        %parallel_loop3A_455 = arith.constant 8 : i32
        %parallel_loop3A_456 = vector.broadcast %parallel_loop3A_455 : i32 to vector<16xi32>
        %parallel_loop3A_457 = arith.shli %parallel_loop3A_444, %parallel_loop3A_456 : vector<16xi32>
        %parallel_loop3A_458 = arith.addi %parallel_loop3A_435, %parallel_loop3A_457 : vector<16xi32>
        tpu.vector_store_idx %arg8[%parallel_loop3A_458], %broadcast_in_dim3A_39 {add = true} : memref<65536xi32, #tpu.memory_space<vmem>>[vector<16xi32>], vector<16xi32>,
        %parallel_loop3A_459 = arith.constant 1 : i32
        %parallel_loop3A_460 = arith.index_cast %parallel_loop3A_459 : i32 to index
        %parallel_loop3A_461 = arith.index_cast %parallel_loop3A_262 : i32 to index
        %parallel_loop3A_462 = arith.constant 96 : index
        %parallel_loop3A_463 = tpu.vector_load %arg6[%parallel_loop3A_460, %parallel_loop3A_461, %parallel_loop3A_462] {strides = array<i32>} : memref<2x64x128xf32, #tpu.memory_space<vmem>>, vector<16xf32>,
        %parallel_loop3A_464 = arith.constant 2.550000e+02 : f32
        %parallel_loop3A_465 = vector.broadcast %parallel_loop3A_464 : f32 to vector<16xf32>
        %parallel_loop3A_466 = arith.mulf %parallel_loop3A_463, %parallel_loop3A_465 : vector<16xf32>
        %parallel_loop3A_467 = arith.fptosi %parallel_loop3A_466 : vector<16xf32> to vector<16xi32>
        %parallel_loop3A_468 = arith.constant 1 : i32
        %parallel_loop3A_469 = arith.index_cast %parallel_loop3A_468 : i32 to index
        %parallel_loop3A_470 = arith.index_cast %parallel_loop3A_266 : i32 to index
        %parallel_loop3A_471 = arith.constant 96 : index
        %parallel_loop3A_472 = tpu.vector_load %arg6[%parallel_loop3A_469, %parallel_loop3A_470, %parallel_loop3A_471] {strides = array<i32>} : memref<2x64x128xf32, #tpu.memory_space<vmem>>, vector<16xf32>,
        %parallel_loop3A_473 = arith.constant 2.550000e+02 : f32
        %parallel_loop3A_474 = vector.broadcast %parallel_loop3A_473 : f32 to vector<16xf32>
        %parallel_loop3A_475 = arith.mulf %parallel_loop3A_472, %parallel_loop3A_474 : vector<16xf32>
        %parallel_loop3A_476 = arith.fptosi %parallel_loop3A_475 : vector<16xf32> to vector<16xi32>
        %parallel_loop3A_477 = arith.constant 1 : i32
        %parallel_loop3A_478 = arith.index_cast %parallel_loop3A_477 : i32 to index
        %parallel_loop3A_479 = arith.index_cast %parallel_loop3A_262 : i32 to index
        %parallel_loop3A_480 = arith.constant 96 : index
        %parallel_loop3A_481 = tpu.vector_load %arg7[%parallel_loop3A_478, %parallel_loop3A_479, %parallel_loop3A_480] {strides = array<i32>} : memref<2x64x128xi32, #tpu.memory_space<vmem>>, vector<16xi32>,
        tpu.vector_store %arg7[%parallel_loop3A_478, %parallel_loop3A_479, %parallel_loop3A_480], %parallel_loop3A_467 {strides = array<i32>} : memref<2x64x128xi32, #tpu.memory_space<vmem>>, vector<16xi32>,
        %parallel_loop3A_482 = arith.constant 1 : i32
        %parallel_loop3A_483 = arith.index_cast %parallel_loop3A_482 : i32 to index
        %parallel_loop3A_484 = arith.index_cast %parallel_loop3A_266 : i32 to index
        %parallel_loop3A_485 = arith.constant 96 : index
        %parallel_loop3A_486 = tpu.vector_load %arg7[%parallel_loop3A_483, %parallel_loop3A_484, %parallel_loop3A_485] {strides = array<i32>} : memref<2x64x128xi32, #tpu.memory_space<vmem>>, vector<16xi32>,
        tpu.vector_store %arg7[%parallel_loop3A_483, %parallel_loop3A_484, %parallel_loop3A_485], %parallel_loop3A_476 {strides = array<i32>} : memref<2x64x128xi32, #tpu.memory_space<vmem>>, vector<16xi32>,
        %parallel_loop3A_487 = arith.constant 8 : i32
        %parallel_loop3A_488 = vector.broadcast %parallel_loop3A_487 : i32 to vector<16xi32>
        %parallel_loop3A_489 = arith.shli %parallel_loop3A_476, %parallel_loop3A_488 : vector<16xi32>
        %parallel_loop3A_490 = arith.addi %parallel_loop3A_467, %parallel_loop3A_489 : vector<16xi32>
        tpu.vector_store_idx %arg8[%parallel_loop3A_490], %broadcast_in_dim3A_39 {add = true} : memref<65536xi32, #tpu.memory_space<vmem>>[vector<16xi32>], vector<16xi32>,
        %parallel_loop3A_491 = arith.constant 1 : i32
        %parallel_loop3A_492 = arith.index_cast %parallel_loop3A_491 : i32 to index
        %parallel_loop3A_493 = arith.index_cast %parallel_loop3A_262 : i32 to index
        %parallel_loop3A_494 = arith.constant 112 : index
        %parallel_loop3A_495 = tpu.vector_load %arg6[%parallel_loop3A_492, %parallel_loop3A_493, %parallel_loop3A_494] {strides = array<i32>} : memref<2x64x128xf32, #tpu.memory_space<vmem>>, vector<16xf32>,
        %parallel_loop3A_496 = arith.constant 2.550000e+02 : f32
        %parallel_loop3A_497 = vector.broadcast %parallel_loop3A_496 : f32 to vector<16xf32>
        %parallel_loop3A_498 = arith.mulf %parallel_loop3A_495, %parallel_loop3A_497 : vector<16xf32>
        %parallel_loop3A_499 = arith.fptosi %parallel_loop3A_498 : vector<16xf32> to vector<16xi32>
        %parallel_loop3A_500 = arith.constant 1 : i32
        %parallel_loop3A_501 = arith.index_cast %parallel_loop3A_500 : i32 to index
        %parallel_loop3A_502 = arith.index_cast %parallel_loop3A_266 : i32 to index
        %parallel_loop3A_503 = arith.constant 112 : index
        %parallel_loop3A_504 = tpu.vector_load %arg6[%parallel_loop3A_501, %parallel_loop3A_502, %parallel_loop3A_503] {strides = array<i32>} : memref<2x64x128xf32, #tpu.memory_space<vmem>>, vector<16xf32>,
        %parallel_loop3A_505 = arith.constant 2.550000e+02 : f32
        %parallel_loop3A_506 = vector.broadcast %parallel_loop3A_505 : f32 to vector<16xf32>
        %parallel_loop3A_507 = arith.mulf %parallel_loop3A_504, %parallel_loop3A_506 : vector<16xf32>
        %parallel_loop3A_508 = arith.fptosi %parallel_loop3A_507 : vector<16xf32> to vector<16xi32>
        %parallel_loop3A_509 = arith.constant 1 : i32
        %parallel_loop3A_510 = arith.index_cast %parallel_loop3A_509 : i32 to index
        %parallel_loop3A_511 = arith.index_cast %parallel_loop3A_262 : i32 to index
        %parallel_loop3A_512 = arith.constant 112 : index
        %parallel_loop3A_513 = tpu.vector_load %arg7[%parallel_loop3A_510, %parallel_loop3A_511, %parallel_loop3A_512] {strides = array<i32>} : memref<2x64x128xi32, #tpu.memory_space<vmem>>, vector<16xi32>,
        tpu.vector_store %arg7[%parallel_loop3A_510, %parallel_loop3A_511, %parallel_loop3A_512], %parallel_loop3A_499 {strides = array<i32>} : memref<2x64x128xi32, #tpu.memory_space<vmem>>, vector<16xi32>,
        %parallel_loop3A_514 = arith.constant 1 : i32
        %parallel_loop3A_515 = arith.index_cast %parallel_loop3A_514 : i32 to index
        %parallel_loop3A_516 = arith.index_cast %parallel_loop3A_266 : i32 to index
        %parallel_loop3A_517 = arith.constant 112 : index
        %parallel_loop3A_518 = tpu.vector_load %arg7[%parallel_loop3A_515, %parallel_loop3A_516, %parallel_loop3A_517] {strides = array<i32>} : memref<2x64x128xi32, #tpu.memory_space<vmem>>, vector<16xi32>,
        tpu.vector_store %arg7[%parallel_loop3A_515, %parallel_loop3A_516, %parallel_loop3A_517], %parallel_loop3A_508 {strides = array<i32>} : memref<2x64x128xi32, #tpu.memory_space<vmem>>, vector<16xi32>,
        %parallel_loop3A_519 = arith.constant 8 : i32
        %parallel_loop3A_520 = vector.broadcast %parallel_loop3A_519 : i32 to vector<16xi32>
        %parallel_loop3A_521 = arith.shli %parallel_loop3A_508, %parallel_loop3A_520 : vector<16xi32>
        %parallel_loop3A_522 = arith.addi %parallel_loop3A_499, %parallel_loop3A_521 : vector<16xi32>
        tpu.vector_store_idx %arg8[%parallel_loop3A_522], %broadcast_in_dim3A_39 {add = true} : memref<65536xi32, #tpu.memory_space<vmem>>[vector<16xi32>], vector<16xi32>,
      } {sc.loop_unroll_factor = 2 : i64, sc.parallel_access}
      %mul3A_243 = arith.constant 64 : i32
      %mul3A_244 = arith.muli %add3A_211, %mul3A_243 : i32
      %add3A_245 = arith.addi %add3A_38, %mul3A_244 : i32
      %dma_start3A_246 = arith.constant 1 : i32
      %dma_start3A_247 = arith.constant 0 : i32
      %dma_start3A_248 = arith.constant 0 : i32
      %dma_start3A_249 = tpu.memref_slice %arg7[%dma_start3A_246, %dma_start3A_247, %dma_start3A_248] : memref<2x64x128xi32, #tpu.memory_space<vmem>> -> memref<1x64x128xi32, #tpu.memory_space<vmem>>
      %dma_start3A_250 = tpu.memref_squeeze %dma_start3A_249 : memref<1x64x128xi32, #tpu.memory_space<vmem>> -> memref<64x128xi32, #tpu.memory_space<vmem>>
      %dma_start3A_251 = arith.constant 0 : i32
      %dma_start3A_252 = tpu.memref_slice %arg3[%add3A_245, %dma_start3A_251] : memref<32768x128xi32, #tpu.memory_space<hbm>> -> memref<64x128xi32, #tpu.memory_space<hbm>>
      %dma_start3A_253 = arith.constant 0 : i32
      %dma_start3A_254 = tpu.memref_slice %arg3[%add3A_245, %dma_start3A_253] : memref<32768x128xi32, #tpu.memory_space<hbm>> -> memref<64x128xi32, #tpu.memory_space<hbm>>
      %dma_start3A_255 = arith.constant 0 : i32
      %dma_start3A_256 = arith.constant 0 : i32
      %dma_start3A_257 = tpu.memref_slice %arg7[%dma_start3A_246, %dma_start3A_255, %dma_start3A_256] : memref<2x64x128xi32, #tpu.memory_space<vmem>> -> memref<1x64x128xi32, #tpu.memory_space<vmem>>
      %dma_start3A_258 = tpu.memref_squeeze %dma_start3A_257 : memref<1x64x128xi32, #tpu.memory_space<vmem>> -> memref<64x128xi32, #tpu.memory_space<vmem>>
      tpu.enqueue_dma source(%dma_start3A_258 : memref<64x128xi32, #tpu.memory_space<vmem>>) target(%dma_start3A_254 : memref<64x128xi32, #tpu.memory_space<hbm>>) target_semaphore(%arg14 : memref<!tpu.dma_semaphore, #tpu.memory_space<semaphore_mem>>)
      %scan3A_259 = arith.constant 0 : i32
      scf.yield %scan3A_259 : i32
    }
    %scan3A_63 = arith.constant 8 : i32
    %sub3A_64 = arith.constant 1 : i32
    %sub3A_65 = arith.subi %sub3A_64, %select_n3A_7 : i32
    %mul3A_66 = arith.constant 32768 : i32
    %mul3A_67 = arith.muli %sub3A_65, %mul3A_66 : i32
    %mul3A_68 = arith.constant 32768 : i32
    %mul3A_69 = arith.muli %select_n3A_7, %mul3A_68 : i32
    %mul3A_70 = arith.constant 512 : i32
    %mul3A_71 = arith.muli %add3A_30, %mul3A_70 : i32
    %mul3A_72 = arith.constant 256 : i32
    %mul3A_73 = arith.muli %select_n3A_7, %mul3A_72 : i32
    %add3A_74 = arith.addi %mul3A_71, %mul3A_73 : i32
    "tpu.region"() ({
      %run_scoped3A = tpu.sem_alloc : memref<!tpu.dma_semaphore, #tpu.memory_space<semaphore_mem>>
      %dma_start3A_158 = tpu.memref_slice %arg8[%mul3A_67] : memref<65536xi32, #tpu.memory_space<vmem>> -> memref<32768xi32, #tpu.memory_space<vmem>>
      %dma_start3A_159 = arith.constant 0 : i32
      %dma_start3A_160 = tpu.memref_slice %arg5[%add3A_33, %dma_start3A_159] : memref<32x32768xi32, #tpu.memory_space<hbm>> -> memref<1x32768xi32, #tpu.memory_space<hbm>>
      %dma_start3A_161 = tpu.memref_squeeze %dma_start3A_160 : memref<1x32768xi32, #tpu.memory_space<hbm>> -> memref<32768xi32, #tpu.memory_space<hbm>>
      %dma_start3A_162 = arith.constant 0 : i32
      %dma_start3A_163 = tpu.memref_slice %arg5[%add3A_33, %dma_start3A_162] : memref<32x32768xi32, #tpu.memory_space<hbm>> -> memref<1x32768xi32, #tpu.memory_space<hbm>>
      %dma_start3A_164 = tpu.memref_squeeze %dma_start3A_163 : memref<1x32768xi32, #tpu.memory_space<hbm>> -> memref<32768xi32, #tpu.memory_space<hbm>>
      %dma_start3A_165 = tpu.memref_slice %arg8[%mul3A_67] : memref<65536xi32, #tpu.memory_space<vmem>> -> memref<32768xi32, #tpu.memory_space<vmem>>
      tpu.enqueue_dma source(%dma_start3A_165 : memref<32768xi32, #tpu.memory_space<vmem>>) target(%dma_start3A_164 : memref<32768xi32, #tpu.memory_space<hbm>>) target_semaphore(%run_scoped3A : memref<!tpu.dma_semaphore, #tpu.memory_space<semaphore_mem>>)
      %dma_wait3A_166 = tpu.memref_slice %arg8[%mul3A_67] : memref<65536xi32, #tpu.memory_space<vmem>> -> memref<32768xi32, #tpu.memory_space<vmem>>
      %dma_wait3A_167 = arith.constant 0 : i32
      %dma_wait3A_168 = tpu.memref_slice %arg5[%add3A_33, %dma_wait3A_167] : memref<32x32768xi32, #tpu.memory_space<hbm>> -> memref<1x32768xi32, #tpu.memory_space<hbm>>
      %dma_wait3A_169 = tpu.memref_squeeze %dma_wait3A_168 : memref<1x32768xi32, #tpu.memory_space<hbm>> -> memref<32768xi32, #tpu.memory_space<hbm>>
      %dma_wait3A_170 = arith.constant 0 : i32
      %dma_wait3A_171 = tpu.memref_slice %arg5[%add3A_33, %dma_wait3A_170] : memref<32x32768xi32, #tpu.memory_space<hbm>> -> memref<1x32768xi32, #tpu.memory_space<hbm>>
      %dma_wait3A_172 = tpu.memref_squeeze %dma_wait3A_171 : memref<1x32768xi32, #tpu.memory_space<hbm>> -> memref<32768xi32, #tpu.memory_space<hbm>>
      %dma_wait3A_173 = tpu.memref_slice %arg8[%mul3A_67] : memref<65536xi32, #tpu.memory_space<vmem>> -> memref<32768xi32, #tpu.memory_space<vmem>>
      tpu.wait_dma2 semaphore(%run_scoped3A : memref<!tpu.dma_semaphore, #tpu.memory_space<semaphore_mem>>) src(%dma_wait3A_173 : memref<32768xi32, #tpu.memory_space<vmem>>) dst(%dma_wait3A_172 : memref<32768xi32, #tpu.memory_space<hbm>>)
      tpu.yield
    }) : () -> ()
    %add3A_75 = arith.constant 896 : i32
    %add3A_76 = arith.addi %add3A_38, %add3A_75 : i32
    %dma_wait3A = arith.constant 0 : i32
    %dma_wait3A_77 = arith.constant 0 : i32
    %dma_wait3A_78 = arith.constant 0 : i32
    %dma_wait3A_79 = tpu.memref_slice %arg7[%dma_wait3A, %dma_wait3A_77, %dma_wait3A_78] : memref<2x64x128xi32, #tpu.memory_space<vmem>> -> memref<1x64x128xi32, #tpu.memory_space<vmem>>
    %dma_wait3A_80 = tpu.memref_squeeze %dma_wait3A_79 : memref<1x64x128xi32, #tpu.memory_space<vmem>> -> memref<64x128xi32, #tpu.memory_space<vmem>>
    %dma_wait3A_81 = arith.constant 0 : i32
    %dma_wait3A_82 = tpu.memref_slice %arg3[%add3A_76, %dma_wait3A_81] : memref<32768x128xi32, #tpu.memory_space<hbm>> -> memref<64x128xi32, #tpu.memory_space<hbm>>
    %dma_wait3A_83 = arith.constant 0 : i32
    %dma_wait3A_84 = tpu.memref_slice %arg3[%add3A_76, %dma_wait3A_83] : memref<32768x128xi32, #tpu.memory_space<hbm>> -> memref<64x128xi32, #tpu.memory_space<hbm>>
    %dma_wait3A_85 = arith.constant 0 : i32
    %dma_wait3A_86 = arith.constant 0 : i32
    %dma_wait3A_87 = tpu.memref_slice %arg7[%dma_wait3A, %dma_wait3A_85, %dma_wait3A_86] : memref<2x64x128xi32, #tpu.memory_space<vmem>> -> memref<1x64x128xi32, #tpu.memory_space<vmem>>
    %dma_wait3A_88 = tpu.memref_squeeze %dma_wait3A_87 : memref<1x64x128xi32, #tpu.memory_space<vmem>> -> memref<64x128xi32, #tpu.memory_space<vmem>>
    tpu.wait_dma2 semaphore(%arg13 : memref<!tpu.dma_semaphore, #tpu.memory_space<semaphore_mem>>) src(%dma_wait3A_88 : memref<64x128xi32, #tpu.memory_space<vmem>>) dst(%dma_wait3A_84 : memref<64x128xi32, #tpu.memory_space<hbm>>)
    %add3A_89 = arith.constant 960 : i32
    %add3A_90 = arith.addi %add3A_38, %add3A_89 : i32
    %dma_wait3A_91 = arith.constant 1 : i32
    %dma_wait3A_92 = arith.constant 0 : i32
    %dma_wait3A_93 = arith.constant 0 : i32
    %dma_wait3A_94 = tpu.memref_slice %arg7[%dma_wait3A_91, %dma_wait3A_92, %dma_wait3A_93] : memref<2x64x128xi32, #tpu.memory_space<vmem>> -> memref<1x64x128xi32, #tpu.memory_space<vmem>>
    %dma_wait3A_95 = tpu.memref_squeeze %dma_wait3A_94 : memref<1x64x128xi32, #tpu.memory_space<vmem>> -> memref<64x128xi32, #tpu.memory_space<vmem>>
    %dma_wait3A_96 = arith.constant 0 : i32
    %dma_wait3A_97 = tpu.memref_slice %arg3[%add3A_90, %dma_wait3A_96] : memref<32768x128xi32, #tpu.memory_space<hbm>> -> memref<64x128xi32, #tpu.memory_space<hbm>>
    %dma_wait3A_98 = arith.constant 0 : i32
    %dma_wait3A_99 = tpu.memref_slice %arg3[%add3A_90, %dma_wait3A_98] : memref<32768x128xi32, #tpu.memory_space<hbm>> -> memref<64x128xi32, #tpu.memory_space<hbm>>
    %dma_wait3A_100 = arith.constant 0 : i32
    %dma_wait3A_101 = arith.constant 0 : i32
    %dma_wait3A_102 = tpu.memref_slice %arg7[%dma_wait3A_91, %dma_wait3A_100, %dma_wait3A_101] : memref<2x64x128xi32, #tpu.memory_space<vmem>> -> memref<1x64x128xi32, #tpu.memory_space<vmem>>
    %dma_wait3A_103 = tpu.memref_squeeze %dma_wait3A_102 : memref<1x64x128xi32, #tpu.memory_space<vmem>> -> memref<64x128xi32, #tpu.memory_space<vmem>>
    tpu.wait_dma2 semaphore(%arg14 : memref<!tpu.dma_semaphore, #tpu.memory_space<semaphore_mem>>) src(%dma_wait3A_103 : memref<64x128xi32, #tpu.memory_space<vmem>>) dst(%dma_wait3A_99 : memref<64x128xi32, #tpu.memory_space<hbm>>)
    %barrier3A = arith.constant 0 : index
    tpu.barrier barrier_id(%barrier3A)
    %mul3A_104 = arith.constant 16 : i32
    %mul3A_105 = arith.muli %arg0, %mul3A_104 : i32
    %xor3A = arith.constant 1 : i32
    %xor3A_106 = arith.xori %arg1, %xor3A : i32
    %add3A_107 = arith.addi %mul3A_105, %xor3A_106 : i32
    %dma_start3A_108 = arith.constant 0 : i32
    %dma_start3A_109 = arith.constant 0 : i32
    %dma_start3A_110 = tpu.memref_slice %arg9[%dma_start3A_108, %dma_start3A_109] : memref<2x4096xi32, #tpu.memory_space<vmem>> -> memref<1x4096xi32, #tpu.memory_space<vmem>>
    %dma_start3A_111 = tpu.memref_squeeze %dma_start3A_110 : memref<1x4096xi32, #tpu.memory_space<vmem>> -> memref<4096xi32, #tpu.memory_space<vmem>>
    %dma_start3A_112 = arith.constant 0 : i32
    %dma_start3A_113 = tpu.memref_slice %arg5[%add3A_107, %dma_start3A_112] : memref<32x32768xi32, #tpu.memory_space<hbm>> -> memref<1x4096xi32, #tpu.memory_space<hbm>>
    %dma_start3A_114 = tpu.memref_squeeze %dma_start3A_113 : memref<1x4096xi32, #tpu.memory_space<hbm>> -> memref<4096xi32, #tpu.memory_space<hbm>>
    %dma_start3A_115 = arith.constant 0 : i32
    %dma_start3A_116 = tpu.memref_slice %arg9[%dma_start3A_108, %dma_start3A_115] : memref<2x4096xi32, #tpu.memory_space<vmem>> -> memref<1x4096xi32, #tpu.memory_space<vmem>>
    %dma_start3A_117 = tpu.memref_squeeze %dma_start3A_116 : memref<1x4096xi32, #tpu.memory_space<vmem>> -> memref<4096xi32, #tpu.memory_space<vmem>>
    %dma_start3A_118 = arith.constant 0 : i32
    %dma_start3A_119 = tpu.memref_slice %arg5[%add3A_107, %dma_start3A_118] : memref<32x32768xi32, #tpu.memory_space<hbm>> -> memref<1x4096xi32, #tpu.memory_space<hbm>>
    %dma_start3A_120 = tpu.memref_squeeze %dma_start3A_119 : memref<1x4096xi32, #tpu.memory_space<hbm>> -> memref<4096xi32, #tpu.memory_space<hbm>>
    tpu.enqueue_dma source(%dma_start3A_120 : memref<4096xi32, #tpu.memory_space<hbm>>) target(%dma_start3A_117 : memref<4096xi32, #tpu.memory_space<vmem>>) target_semaphore(%arg11 : memref<!tpu.dma_semaphore, #tpu.memory_space<semaphore_mem>>)
    %scan3A_121 = arith.constant 0 : i32
    %scan3A_122 = arith.constant 0 : i32
    %scan3A_123 = arith.constant 4 : i32
    %scan3A_124 = arith.addi %scan3A_122, %scan3A_123 : i32
    %scan3A_125 = arith.constant 1 : i32
    %scan3A_126 = scf.for %scan3A_158 = %scan3A_122 to %scan3A_124 step %scan3A_125 iter_args(%scan3A_159 = %scan3A_121) -> (i32)  : i32 {
      %mul3A_160 = arith.constant 2 : i32
      %mul3A_161 = arith.muli %scan3A_158, %mul3A_160 : i32
      %add3A_162 = arith.constant 0 : i32
      %add3A_163 = arith.addi %mul3A_161, %add3A_162 : i32
      %mul3A_164 = arith.constant 16 : i32
      %mul3A_165 = arith.muli %arg0, %mul3A_164 : i32
      %xor3A_166 = arith.constant 1 : i32
      %xor3A_167 = arith.xori %arg1, %xor3A_166 : i32
      %add3A_168 = arith.addi %mul3A_165, %xor3A_167 : i32
      %mul3A_169 = arith.constant 4096 : i32
      %mul3A_170 = arith.muli %add3A_163, %mul3A_169 : i32
      %dma_wait3A_171 = arith.constant 0 : i32
      %dma_wait3A_172 = arith.constant 0 : i32
      %dma_wait3A_173 = tpu.memref_slice %arg9[%dma_wait3A_171, %dma_wait3A_172] : memref<2x4096xi32, #tpu.memory_space<vmem>> -> memref<1x4096xi32, #tpu.memory_space<vmem>>
      %dma_wait3A_174 = tpu.memref_squeeze %dma_wait3A_173 : memref<1x4096xi32, #tpu.memory_space<vmem>> -> memref<4096xi32, #tpu.memory_space<vmem>>
      %dma_wait3A_175 = tpu.memref_slice %arg5[%add3A_168, %mul3A_170] : memref<32x32768xi32, #tpu.memory_space<hbm>> -> memref<1x4096xi32, #tpu.memory_space<hbm>>
      %dma_wait3A_176 = tpu.memref_squeeze %dma_wait3A_175 : memref<1x4096xi32, #tpu.memory_space<hbm>> -> memref<4096xi32, #tpu.memory_space<hbm>>
      %dma_wait3A_177 = arith.constant 0 : i32
      %dma_wait3A_178 = tpu.memref_slice %arg9[%dma_wait3A_171, %dma_wait3A_177] : memref<2x4096xi32, #tpu.memory_space<vmem>> -> memref<1x4096xi32, #tpu.memory_space<vmem>>
      %dma_wait3A_179 = tpu.memref_squeeze %dma_wait3A_178 : memref<1x4096xi32, #tpu.memory_space<vmem>> -> memref<4096xi32, #tpu.memory_space<vmem>>
      %dma_wait3A_180 = tpu.memref_slice %arg5[%add3A_168, %mul3A_170] : memref<32x32768xi32, #tpu.memory_space<hbm>> -> memref<1x4096xi32, #tpu.memory_space<hbm>>
      %dma_wait3A_181 = tpu.memref_squeeze %dma_wait3A_180 : memref<1x4096xi32, #tpu.memory_space<hbm>> -> memref<4096xi32, #tpu.memory_space<hbm>>
      tpu.wait_dma2 semaphore(%arg11 : memref<!tpu.dma_semaphore, #tpu.memory_space<semaphore_mem>>) src(%dma_wait3A_181 : memref<4096xi32, #tpu.memory_space<hbm>>) dst(%dma_wait3A_179 : memref<4096xi32, #tpu.memory_space<vmem>>)
      %add3A_182 = arith.constant 1 : i32
      %add3A_183 = arith.addi %add3A_163, %add3A_182 : i32
      %lt3A_184 = arith.constant 8 : i32
      %lt3A_185 = arith.cmpi slt, %add3A_183, %lt3A_184 : i32
      %convert_element_type3A = arith.extui %lt3A_185 : i1 to i32
      %cond3A = arith.constant 0 : i32
      %cond3A_186 = arith.cmpi ne, %convert_element_type3A, %cond3A : i32
      scf.if %cond3A_186 {
        %add3A_264 = arith.constant 1 : i32
        %add3A_265 = arith.addi %add3A_163, %add3A_264 : i32
        %mul3A_266 = arith.constant 16 : i32
        %mul3A_267 = arith.muli %arg0, %mul3A_266 : i32
        %xor3A_268 = arith.constant 1 : i32
        %xor3A_269 = arith.xori %arg1, %xor3A_268 : i32
        %add3A_270 = arith.addi %mul3A_267, %xor3A_269 : i32
        %mul3A_271 = arith.constant 4096 : i32
        %mul3A_272 = arith.muli %add3A_265, %mul3A_271 : i32
        %dma_start3A_273 = arith.constant 1 : i32
        %dma_start3A_274 = arith.constant 0 : i32
        %dma_start3A_275 = tpu.memref_slice %arg9[%dma_start3A_273, %dma_start3A_274] : memref<2x4096xi32, #tpu.memory_space<vmem>> -> memref<1x4096xi32, #tpu.memory_space<vmem>>
        %dma_start3A_276 = tpu.memref_squeeze %dma_start3A_275 : memref<1x4096xi32, #tpu.memory_space<vmem>> -> memref<4096xi32, #tpu.memory_space<vmem>>
        %dma_start3A_277 = tpu.memref_slice %arg5[%add3A_270, %mul3A_272] : memref<32x32768xi32, #tpu.memory_space<hbm>> -> memref<1x4096xi32, #tpu.memory_space<hbm>>
        %dma_start3A_278 = tpu.memref_squeeze %dma_start3A_277 : memref<1x4096xi32, #tpu.memory_space<hbm>> -> memref<4096xi32, #tpu.memory_space<hbm>>
        %dma_start3A_279 = arith.constant 0 : i32
        %dma_start3A_280 = tpu.memref_slice %arg9[%dma_start3A_273, %dma_start3A_279] : memref<2x4096xi32, #tpu.memory_space<vmem>> -> memref<1x4096xi32, #tpu.memory_space<vmem>>
        %dma_start3A_281 = tpu.memref_squeeze %dma_start3A_280 : memref<1x4096xi32, #tpu.memory_space<vmem>> -> memref<4096xi32, #tpu.memory_space<vmem>>
        %dma_start3A_282 = tpu.memref_slice %arg5[%add3A_270, %mul3A_272] : memref<32x32768xi32, #tpu.memory_space<hbm>> -> memref<1x4096xi32, #tpu.memory_space<hbm>>
        %dma_start3A_283 = tpu.memref_squeeze %dma_start3A_282 : memref<1x4096xi32, #tpu.memory_space<hbm>> -> memref<4096xi32, #tpu.memory_space<hbm>>
        tpu.enqueue_dma source(%dma_start3A_283 : memref<4096xi32, #tpu.memory_space<hbm>>) target(%dma_start3A_281 : memref<4096xi32, #tpu.memory_space<vmem>>) target_semaphore(%arg12 : memref<!tpu.dma_semaphore, #tpu.memory_space<semaphore_mem>>)
      } else {
      }
      %ge3A = arith.constant 1 : i32
      %ge3A_187 = arith.cmpi sge, %scan3A_158, %ge3A : i32
      %convert_element_type3A_188 = arith.extui %ge3A_187 : i1 to i32
      %cond3A_189 = arith.constant 0 : i32
      %cond3A_190 = arith.cmpi ne, %convert_element_type3A_188, %cond3A_189 : i32
      scf.if %cond3A_190 {
        %sub3A_264 = arith.constant 2 : i32
        %sub3A_265 = arith.subi %add3A_163, %sub3A_264 : i32
        %mul3A_266 = arith.constant 32 : i32
        %mul3A_267 = arith.muli %sub3A_265, %mul3A_266 : i32
        %add3A_268 = arith.addi %add3A_74, %mul3A_267 : i32
        %dma_wait3A_269 = arith.constant 0 : i32
        %dma_wait3A_270 = arith.constant 0 : i32
        %dma_wait3A_271 = arith.constant 0 : i32
        %dma_wait3A_272 = tpu.memref_slice %arg10[%dma_wait3A_269, %dma_wait3A_270, %dma_wait3A_271] : memref<2x32x128xi32, #tpu.memory_space<vmem>> -> memref<1x32x128xi32, #tpu.memory_space<vmem>>
        %dma_wait3A_273 = tpu.memref_squeeze %dma_wait3A_272 : memref<1x32x128xi32, #tpu.memory_space<vmem>> -> memref<32x128xi32, #tpu.memory_space<vmem>>
        %dma_wait3A_274 = arith.constant 0 : i32
        %dma_wait3A_275 = tpu.memref_slice %arg4[%add3A_268, %dma_wait3A_274] : memref<8192x128xi32, #tpu.memory_space<hbm>> -> memref<32x128xi32, #tpu.memory_space<hbm>>
        %dma_wait3A_276 = arith.constant 0 : i32
        %dma_wait3A_277 = tpu.memref_slice %arg4[%add3A_268, %dma_wait3A_276] : memref<8192x128xi32, #tpu.memory_space<hbm>> -> memref<32x128xi32, #tpu.memory_space<hbm>>
        %dma_wait3A_278 = arith.constant 0 : i32
        %dma_wait3A_279 = arith.constant 0 : i32
        %dma_wait3A_280 = tpu.memref_slice %arg10[%dma_wait3A_269, %dma_wait3A_278, %dma_wait3A_279] : memref<2x32x128xi32, #tpu.memory_space<vmem>> -> memref<1x32x128xi32, #tpu.memory_space<vmem>>
        %dma_wait3A_281 = tpu.memref_squeeze %dma_wait3A_280 : memref<1x32x128xi32, #tpu.memory_space<vmem>> -> memref<32x128xi32, #tpu.memory_space<vmem>>
        tpu.wait_dma2 semaphore(%arg13 : memref<!tpu.dma_semaphore, #tpu.memory_space<semaphore_mem>>) src(%dma_wait3A_281 : memref<32x128xi32, #tpu.memory_space<vmem>>) dst(%dma_wait3A_277 : memref<32x128xi32, #tpu.memory_space<hbm>>)
      } else {
      }
      %parallel_loop3A_191 = arith.constant 0 : i32
      %parallel_loop3A_192 = arith.constant 32 : i32
      %parallel_loop3A_193 = arith.constant 1 : i32
      scf.for %parallel_loop3A_264 = %parallel_loop3A_191 to %parallel_loop3A_192 step %parallel_loop3A_193  : i32 {
        %parallel_loop3A_265 = arith.constant 4 : i32
        %parallel_loop3A_266 = arith.shrsi %parallel_loop3A_264, %parallel_loop3A_265 : i32
        %parallel_loop3A_267 = arith.constant 16 : i32
        %parallel_loop3A_268 = arith.muli %parallel_loop3A_266, %parallel_loop3A_267 : i32
        %parallel_loop3A_269 = arith.constant 1 : i32
        %parallel_loop3A_270 = arith.andi %parallel_loop3A_264, %parallel_loop3A_269 : i32
        %parallel_loop3A_271 = arith.constant 8 : i32
        %parallel_loop3A_272 = arith.muli %parallel_loop3A_270, %parallel_loop3A_271 : i32
        %parallel_loop3A_273 = arith.addi %parallel_loop3A_268, %parallel_loop3A_272 : i32
        %parallel_loop3A_274 = arith.constant 1 : i32
        %parallel_loop3A_275 = arith.shrsi %parallel_loop3A_264, %parallel_loop3A_274 : i32
        %parallel_loop3A_276 = arith.constant 7 : i32
        %parallel_loop3A_277 = arith.andi %parallel_loop3A_275, %parallel_loop3A_276 : i32
        %parallel_loop3A_278 = arith.addi %parallel_loop3A_273, %parallel_loop3A_277 : i32
        %parallel_loop3A_279 = arith.constant 4096 : i32
        %parallel_loop3A_280 = arith.muli %add3A_163, %parallel_loop3A_279 : i32
        %parallel_loop3A_281 = arith.addi %mul3A_69, %parallel_loop3A_280 : i32
        %parallel_loop3A_282 = arith.constant 128 : i32
        %parallel_loop3A_283 = arith.muli %parallel_loop3A_264, %parallel_loop3A_282 : i32
        %parallel_loop3A_284 = arith.addi %parallel_loop3A_281, %parallel_loop3A_283 : i32
        %parallel_loop3A_285 = arith.constant 0 : i32
        %parallel_loop3A_286 = arith.addi %parallel_loop3A_284, %parallel_loop3A_285 : i32
        %parallel_loop3A_287 = arith.index_cast %parallel_loop3A_286 : i32 to index
        %parallel_loop3A_288 = tpu.vector_load %arg8[%parallel_loop3A_287] {strides = array<i32>} : memref<65536xi32, #tpu.memory_space<vmem>>, vector<16xi32>,
        %parallel_loop3A_289 = arith.constant 128 : i32
        %parallel_loop3A_290 = arith.muli %parallel_loop3A_264, %parallel_loop3A_289 : i32
        %parallel_loop3A_291 = arith.constant 0 : i32
        %parallel_loop3A_292 = arith.addi %parallel_loop3A_290, %parallel_loop3A_291 : i32
        %parallel_loop3A_293 = arith.constant 0 : i32
        %parallel_loop3A_294 = arith.index_cast %parallel_loop3A_293 : i32 to index
        %parallel_loop3A_295 = arith.index_cast %parallel_loop3A_292 : i32 to index
        %parallel_loop3A_296 = tpu.vector_load %arg9[%parallel_loop3A_294, %parallel_loop3A_295] {strides = array<i32>} : memref<2x4096xi32, #tpu.memory_space<vmem>>, vector<16xi32>,
        %parallel_loop3A_297 = arith.addi %parallel_loop3A_288, %parallel_loop3A_296 : vector<16xi32>
        %parallel_loop3A_298 = arith.constant 0 : i32
        %parallel_loop3A_299 = arith.index_cast %parallel_loop3A_298 : i32 to index
        %parallel_loop3A_300 = arith.index_cast %parallel_loop3A_278 : i32 to index
        %parallel_loop3A_301 = arith.constant 0 : index
        %parallel_loop3A_302 = tpu.vector_load %arg10[%parallel_loop3A_299, %parallel_loop3A_300, %parallel_loop3A_301] {strides = array<i32>} : memref<2x32x128xi32, #tpu.memory_space<vmem>>, vector<16xi32>,
        tpu.vector_store %arg10[%parallel_loop3A_299, %parallel_loop3A_300, %parallel_loop3A_301], %parallel_loop3A_297 {strides = array<i32>} : memref<2x32x128xi32, #tpu.memory_space<vmem>>, vector<16xi32>,
        %parallel_loop3A_303 = arith.constant 4096 : i32
        %parallel_loop3A_304 = arith.muli %add3A_163, %parallel_loop3A_303 : i32
        %parallel_loop3A_305 = arith.addi %mul3A_69, %parallel_loop3A_304 : i32
        %parallel_loop3A_306 = arith.constant 128 : i32
        %parallel_loop3A_307 = arith.muli %parallel_loop3A_264, %parallel_loop3A_306 : i32
        %parallel_loop3A_308 = arith.addi %parallel_loop3A_305, %parallel_loop3A_307 : i32
        %parallel_loop3A_309 = arith.constant 16 : i32
        %parallel_loop3A_310 = arith.addi %parallel_loop3A_308, %parallel_loop3A_309 : i32
        %parallel_loop3A_311 = arith.index_cast %parallel_loop3A_310 : i32 to index
        %parallel_loop3A_312 = tpu.vector_load %arg8[%parallel_loop3A_311] {strides = array<i32>} : memref<65536xi32, #tpu.memory_space<vmem>>, vector<16xi32>,
        %parallel_loop3A_313 = arith.constant 128 : i32
        %parallel_loop3A_314 = arith.muli %parallel_loop3A_264, %parallel_loop3A_313 : i32
        %parallel_loop3A_315 = arith.constant 16 : i32
        %parallel_loop3A_316 = arith.addi %parallel_loop3A_314, %parallel_loop3A_315 : i32
        %parallel_loop3A_317 = arith.constant 0 : i32
        %parallel_loop3A_318 = arith.index_cast %parallel_loop3A_317 : i32 to index
        %parallel_loop3A_319 = arith.index_cast %parallel_loop3A_316 : i32 to index
        %parallel_loop3A_320 = tpu.vector_load %arg9[%parallel_loop3A_318, %parallel_loop3A_319] {strides = array<i32>} : memref<2x4096xi32, #tpu.memory_space<vmem>>, vector<16xi32>,
        %parallel_loop3A_321 = arith.addi %parallel_loop3A_312, %parallel_loop3A_320 : vector<16xi32>
        %parallel_loop3A_322 = arith.constant 0 : i32
        %parallel_loop3A_323 = arith.index_cast %parallel_loop3A_322 : i32 to index
        %parallel_loop3A_324 = arith.index_cast %parallel_loop3A_278 : i32 to index
        %parallel_loop3A_325 = arith.constant 16 : index
        %parallel_loop3A_326 = tpu.vector_load %arg10[%parallel_loop3A_323, %parallel_loop3A_324, %parallel_loop3A_325] {strides = array<i32>} : memref<2x32x128xi32, #tpu.memory_space<vmem>>, vector<16xi32>,
        tpu.vector_store %arg10[%parallel_loop3A_323, %parallel_loop3A_324, %parallel_loop3A_325], %parallel_loop3A_321 {strides = array<i32>} : memref<2x32x128xi32, #tpu.memory_space<vmem>>, vector<16xi32>,
        %parallel_loop3A_327 = arith.constant 4096 : i32
        %parallel_loop3A_328 = arith.muli %add3A_163, %parallel_loop3A_327 : i32
        %parallel_loop3A_329 = arith.addi %mul3A_69, %parallel_loop3A_328 : i32
        %parallel_loop3A_330 = arith.constant 128 : i32
        %parallel_loop3A_331 = arith.muli %parallel_loop3A_264, %parallel_loop3A_330 : i32
        %parallel_loop3A_332 = arith.addi %parallel_loop3A_329, %parallel_loop3A_331 : i32
        %parallel_loop3A_333 = arith.constant 32 : i32
        %parallel_loop3A_334 = arith.addi %parallel_loop3A_332, %parallel_loop3A_333 : i32
        %parallel_loop3A_335 = arith.index_cast %parallel_loop3A_334 : i32 to index
        %parallel_loop3A_336 = tpu.vector_load %arg8[%parallel_loop3A_335] {strides = array<i32>} : memref<65536xi32, #tpu.memory_space<vmem>>, vector<16xi32>,
        %parallel_loop3A_337 = arith.constant 128 : i32
        %parallel_loop3A_338 = arith.muli %parallel_loop3A_264, %parallel_loop3A_337 : i32
        %parallel_loop3A_339 = arith.constant 32 : i32
        %parallel_loop3A_340 = arith.addi %parallel_loop3A_338, %parallel_loop3A_339 : i32
        %parallel_loop3A_341 = arith.constant 0 : i32
        %parallel_loop3A_342 = arith.index_cast %parallel_loop3A_341 : i32 to index
        %parallel_loop3A_343 = arith.index_cast %parallel_loop3A_340 : i32 to index
        %parallel_loop3A_344 = tpu.vector_load %arg9[%parallel_loop3A_342, %parallel_loop3A_343] {strides = array<i32>} : memref<2x4096xi32, #tpu.memory_space<vmem>>, vector<16xi32>,
        %parallel_loop3A_345 = arith.addi %parallel_loop3A_336, %parallel_loop3A_344 : vector<16xi32>
        %parallel_loop3A_346 = arith.constant 0 : i32
        %parallel_loop3A_347 = arith.index_cast %parallel_loop3A_346 : i32 to index
        %parallel_loop3A_348 = arith.index_cast %parallel_loop3A_278 : i32 to index
        %parallel_loop3A_349 = arith.constant 32 : index
        %parallel_loop3A_350 = tpu.vector_load %arg10[%parallel_loop3A_347, %parallel_loop3A_348, %parallel_loop3A_349] {strides = array<i32>} : memref<2x32x128xi32, #tpu.memory_space<vmem>>, vector<16xi32>,
        tpu.vector_store %arg10[%parallel_loop3A_347, %parallel_loop3A_348, %parallel_loop3A_349], %parallel_loop3A_345 {strides = array<i32>} : memref<2x32x128xi32, #tpu.memory_space<vmem>>, vector<16xi32>,
        %parallel_loop3A_351 = arith.constant 4096 : i32
        %parallel_loop3A_352 = arith.muli %add3A_163, %parallel_loop3A_351 : i32
        %parallel_loop3A_353 = arith.addi %mul3A_69, %parallel_loop3A_352 : i32
        %parallel_loop3A_354 = arith.constant 128 : i32
        %parallel_loop3A_355 = arith.muli %parallel_loop3A_264, %parallel_loop3A_354 : i32
        %parallel_loop3A_356 = arith.addi %parallel_loop3A_353, %parallel_loop3A_355 : i32
        %parallel_loop3A_357 = arith.constant 48 : i32
        %parallel_loop3A_358 = arith.addi %parallel_loop3A_356, %parallel_loop3A_357 : i32
        %parallel_loop3A_359 = arith.index_cast %parallel_loop3A_358 : i32 to index
        %parallel_loop3A_360 = tpu.vector_load %arg8[%parallel_loop3A_359] {strides = array<i32>} : memref<65536xi32, #tpu.memory_space<vmem>>, vector<16xi32>,
        %parallel_loop3A_361 = arith.constant 128 : i32
        %parallel_loop3A_362 = arith.muli %parallel_loop3A_264, %parallel_loop3A_361 : i32
        %parallel_loop3A_363 = arith.constant 48 : i32
        %parallel_loop3A_364 = arith.addi %parallel_loop3A_362, %parallel_loop3A_363 : i32
        %parallel_loop3A_365 = arith.constant 0 : i32
        %parallel_loop3A_366 = arith.index_cast %parallel_loop3A_365 : i32 to index
        %parallel_loop3A_367 = arith.index_cast %parallel_loop3A_364 : i32 to index
        %parallel_loop3A_368 = tpu.vector_load %arg9[%parallel_loop3A_366, %parallel_loop3A_367] {strides = array<i32>} : memref<2x4096xi32, #tpu.memory_space<vmem>>, vector<16xi32>,
        %parallel_loop3A_369 = arith.addi %parallel_loop3A_360, %parallel_loop3A_368 : vector<16xi32>
        %parallel_loop3A_370 = arith.constant 0 : i32
        %parallel_loop3A_371 = arith.index_cast %parallel_loop3A_370 : i32 to index
        %parallel_loop3A_372 = arith.index_cast %parallel_loop3A_278 : i32 to index
        %parallel_loop3A_373 = arith.constant 48 : index
        %parallel_loop3A_374 = tpu.vector_load %arg10[%parallel_loop3A_371, %parallel_loop3A_372, %parallel_loop3A_373] {strides = array<i32>} : memref<2x32x128xi32, #tpu.memory_space<vmem>>, vector<16xi32>,
        tpu.vector_store %arg10[%parallel_loop3A_371, %parallel_loop3A_372, %parallel_loop3A_373], %parallel_loop3A_369 {strides = array<i32>} : memref<2x32x128xi32, #tpu.memory_space<vmem>>, vector<16xi32>,
        %parallel_loop3A_375 = arith.constant 4096 : i32
        %parallel_loop3A_376 = arith.muli %add3A_163, %parallel_loop3A_375 : i32
        %parallel_loop3A_377 = arith.addi %mul3A_69, %parallel_loop3A_376 : i32
        %parallel_loop3A_378 = arith.constant 128 : i32
        %parallel_loop3A_379 = arith.muli %parallel_loop3A_264, %parallel_loop3A_378 : i32
        %parallel_loop3A_380 = arith.addi %parallel_loop3A_377, %parallel_loop3A_379 : i32
        %parallel_loop3A_381 = arith.constant 64 : i32
        %parallel_loop3A_382 = arith.addi %parallel_loop3A_380, %parallel_loop3A_381 : i32
        %parallel_loop3A_383 = arith.index_cast %parallel_loop3A_382 : i32 to index
        %parallel_loop3A_384 = tpu.vector_load %arg8[%parallel_loop3A_383] {strides = array<i32>} : memref<65536xi32, #tpu.memory_space<vmem>>, vector<16xi32>,
        %parallel_loop3A_385 = arith.constant 128 : i32
        %parallel_loop3A_386 = arith.muli %parallel_loop3A_264, %parallel_loop3A_385 : i32
        %parallel_loop3A_387 = arith.constant 64 : i32
        %parallel_loop3A_388 = arith.addi %parallel_loop3A_386, %parallel_loop3A_387 : i32
        %parallel_loop3A_389 = arith.constant 0 : i32
        %parallel_loop3A_390 = arith.index_cast %parallel_loop3A_389 : i32 to index
        %parallel_loop3A_391 = arith.index_cast %parallel_loop3A_388 : i32 to index
        %parallel_loop3A_392 = tpu.vector_load %arg9[%parallel_loop3A_390, %parallel_loop3A_391] {strides = array<i32>} : memref<2x4096xi32, #tpu.memory_space<vmem>>, vector<16xi32>,
        %parallel_loop3A_393 = arith.addi %parallel_loop3A_384, %parallel_loop3A_392 : vector<16xi32>
        %parallel_loop3A_394 = arith.constant 0 : i32
        %parallel_loop3A_395 = arith.index_cast %parallel_loop3A_394 : i32 to index
        %parallel_loop3A_396 = arith.index_cast %parallel_loop3A_278 : i32 to index
        %parallel_loop3A_397 = arith.constant 64 : index
        %parallel_loop3A_398 = tpu.vector_load %arg10[%parallel_loop3A_395, %parallel_loop3A_396, %parallel_loop3A_397] {strides = array<i32>} : memref<2x32x128xi32, #tpu.memory_space<vmem>>, vector<16xi32>,
        tpu.vector_store %arg10[%parallel_loop3A_395, %parallel_loop3A_396, %parallel_loop3A_397], %parallel_loop3A_393 {strides = array<i32>} : memref<2x32x128xi32, #tpu.memory_space<vmem>>, vector<16xi32>,
        %parallel_loop3A_399 = arith.constant 4096 : i32
        %parallel_loop3A_400 = arith.muli %add3A_163, %parallel_loop3A_399 : i32
        %parallel_loop3A_401 = arith.addi %mul3A_69, %parallel_loop3A_400 : i32
        %parallel_loop3A_402 = arith.constant 128 : i32
        %parallel_loop3A_403 = arith.muli %parallel_loop3A_264, %parallel_loop3A_402 : i32
        %parallel_loop3A_404 = arith.addi %parallel_loop3A_401, %parallel_loop3A_403 : i32
        %parallel_loop3A_405 = arith.constant 80 : i32
        %parallel_loop3A_406 = arith.addi %parallel_loop3A_404, %parallel_loop3A_405 : i32
        %parallel_loop3A_407 = arith.index_cast %parallel_loop3A_406 : i32 to index
        %parallel_loop3A_408 = tpu.vector_load %arg8[%parallel_loop3A_407] {strides = array<i32>} : memref<65536xi32, #tpu.memory_space<vmem>>, vector<16xi32>,
        %parallel_loop3A_409 = arith.constant 128 : i32
        %parallel_loop3A_410 = arith.muli %parallel_loop3A_264, %parallel_loop3A_409 : i32
        %parallel_loop3A_411 = arith.constant 80 : i32
        %parallel_loop3A_412 = arith.addi %parallel_loop3A_410, %parallel_loop3A_411 : i32
        %parallel_loop3A_413 = arith.constant 0 : i32
        %parallel_loop3A_414 = arith.index_cast %parallel_loop3A_413 : i32 to index
        %parallel_loop3A_415 = arith.index_cast %parallel_loop3A_412 : i32 to index
        %parallel_loop3A_416 = tpu.vector_load %arg9[%parallel_loop3A_414, %parallel_loop3A_415] {strides = array<i32>} : memref<2x4096xi32, #tpu.memory_space<vmem>>, vector<16xi32>,
        %parallel_loop3A_417 = arith.addi %parallel_loop3A_408, %parallel_loop3A_416 : vector<16xi32>
        %parallel_loop3A_418 = arith.constant 0 : i32
        %parallel_loop3A_419 = arith.index_cast %parallel_loop3A_418 : i32 to index
        %parallel_loop3A_420 = arith.index_cast %parallel_loop3A_278 : i32 to index
        %parallel_loop3A_421 = arith.constant 80 : index
        %parallel_loop3A_422 = tpu.vector_load %arg10[%parallel_loop3A_419, %parallel_loop3A_420, %parallel_loop3A_421] {strides = array<i32>} : memref<2x32x128xi32, #tpu.memory_space<vmem>>, vector<16xi32>,
        tpu.vector_store %arg10[%parallel_loop3A_419, %parallel_loop3A_420, %parallel_loop3A_421], %parallel_loop3A_417 {strides = array<i32>} : memref<2x32x128xi32, #tpu.memory_space<vmem>>, vector<16xi32>,
        %parallel_loop3A_423 = arith.constant 4096 : i32
        %parallel_loop3A_424 = arith.muli %add3A_163, %parallel_loop3A_423 : i32
        %parallel_loop3A_425 = arith.addi %mul3A_69, %parallel_loop3A_424 : i32
        %parallel_loop3A_426 = arith.constant 128 : i32
        %parallel_loop3A_427 = arith.muli %parallel_loop3A_264, %parallel_loop3A_426 : i32
        %parallel_loop3A_428 = arith.addi %parallel_loop3A_425, %parallel_loop3A_427 : i32
        %parallel_loop3A_429 = arith.constant 96 : i32
        %parallel_loop3A_430 = arith.addi %parallel_loop3A_428, %parallel_loop3A_429 : i32
        %parallel_loop3A_431 = arith.index_cast %parallel_loop3A_430 : i32 to index
        %parallel_loop3A_432 = tpu.vector_load %arg8[%parallel_loop3A_431] {strides = array<i32>} : memref<65536xi32, #tpu.memory_space<vmem>>, vector<16xi32>,
        %parallel_loop3A_433 = arith.constant 128 : i32
        %parallel_loop3A_434 = arith.muli %parallel_loop3A_264, %parallel_loop3A_433 : i32
        %parallel_loop3A_435 = arith.constant 96 : i32
        %parallel_loop3A_436 = arith.addi %parallel_loop3A_434, %parallel_loop3A_435 : i32
        %parallel_loop3A_437 = arith.constant 0 : i32
        %parallel_loop3A_438 = arith.index_cast %parallel_loop3A_437 : i32 to index
        %parallel_loop3A_439 = arith.index_cast %parallel_loop3A_436 : i32 to index
        %parallel_loop3A_440 = tpu.vector_load %arg9[%parallel_loop3A_438, %parallel_loop3A_439] {strides = array<i32>} : memref<2x4096xi32, #tpu.memory_space<vmem>>, vector<16xi32>,
        %parallel_loop3A_441 = arith.addi %parallel_loop3A_432, %parallel_loop3A_440 : vector<16xi32>
        %parallel_loop3A_442 = arith.constant 0 : i32
        %parallel_loop3A_443 = arith.index_cast %parallel_loop3A_442 : i32 to index
        %parallel_loop3A_444 = arith.index_cast %parallel_loop3A_278 : i32 to index
        %parallel_loop3A_445 = arith.constant 96 : index
        %parallel_loop3A_446 = tpu.vector_load %arg10[%parallel_loop3A_443, %parallel_loop3A_444, %parallel_loop3A_445] {strides = array<i32>} : memref<2x32x128xi32, #tpu.memory_space<vmem>>, vector<16xi32>,
        tpu.vector_store %arg10[%parallel_loop3A_443, %parallel_loop3A_444, %parallel_loop3A_445], %parallel_loop3A_441 {strides = array<i32>} : memref<2x32x128xi32, #tpu.memory_space<vmem>>, vector<16xi32>,
        %parallel_loop3A_447 = arith.constant 4096 : i32
        %parallel_loop3A_448 = arith.muli %add3A_163, %parallel_loop3A_447 : i32
        %parallel_loop3A_449 = arith.addi %mul3A_69, %parallel_loop3A_448 : i32
        %parallel_loop3A_450 = arith.constant 128 : i32
        %parallel_loop3A_451 = arith.muli %parallel_loop3A_264, %parallel_loop3A_450 : i32
        %parallel_loop3A_452 = arith.addi %parallel_loop3A_449, %parallel_loop3A_451 : i32
        %parallel_loop3A_453 = arith.constant 112 : i32
        %parallel_loop3A_454 = arith.addi %parallel_loop3A_452, %parallel_loop3A_453 : i32
        %parallel_loop3A_455 = arith.index_cast %parallel_loop3A_454 : i32 to index
        %parallel_loop3A_456 = tpu.vector_load %arg8[%parallel_loop3A_455] {strides = array<i32>} : memref<65536xi32, #tpu.memory_space<vmem>>, vector<16xi32>,
        %parallel_loop3A_457 = arith.constant 128 : i32
        %parallel_loop3A_458 = arith.muli %parallel_loop3A_264, %parallel_loop3A_457 : i32
        %parallel_loop3A_459 = arith.constant 112 : i32
        %parallel_loop3A_460 = arith.addi %parallel_loop3A_458, %parallel_loop3A_459 : i32
        %parallel_loop3A_461 = arith.constant 0 : i32
        %parallel_loop3A_462 = arith.index_cast %parallel_loop3A_461 : i32 to index
        %parallel_loop3A_463 = arith.index_cast %parallel_loop3A_460 : i32 to index
        %parallel_loop3A_464 = tpu.vector_load %arg9[%parallel_loop3A_462, %parallel_loop3A_463] {strides = array<i32>} : memref<2x4096xi32, #tpu.memory_space<vmem>>, vector<16xi32>,
        %parallel_loop3A_465 = arith.addi %parallel_loop3A_456, %parallel_loop3A_464 : vector<16xi32>
        %parallel_loop3A_466 = arith.constant 0 : i32
        %parallel_loop3A_467 = arith.index_cast %parallel_loop3A_466 : i32 to index
        %parallel_loop3A_468 = arith.index_cast %parallel_loop3A_278 : i32 to index
        %parallel_loop3A_469 = arith.constant 112 : index
        %parallel_loop3A_470 = tpu.vector_load %arg10[%parallel_loop3A_467, %parallel_loop3A_468, %parallel_loop3A_469] {strides = array<i32>} : memref<2x32x128xi32, #tpu.memory_space<vmem>>, vector<16xi32>,
        tpu.vector_store %arg10[%parallel_loop3A_467, %parallel_loop3A_468, %parallel_loop3A_469], %parallel_loop3A_465 {strides = array<i32>} : memref<2x32x128xi32, #tpu.memory_space<vmem>>, vector<16xi32>,
      } {sc.loop_unroll_factor = 2 : i64, sc.parallel_access}
      %mul3A_194 = arith.constant 32 : i32
      %mul3A_195 = arith.muli %add3A_163, %mul3A_194 : i32
      %add3A_196 = arith.addi %add3A_74, %mul3A_195 : i32
      %dma_start3A_197 = arith.constant 0 : i32
      %dma_start3A_198 = arith.constant 0 : i32
      %dma_start3A_199 = arith.constant 0 : i32
      %dma_start3A_200 = tpu.memref_slice %arg10[%dma_start3A_197, %dma_start3A_198, %dma_start3A_199] : memref<2x32x128xi32, #tpu.memory_space<vmem>> -> memref<1x32x128xi32, #tpu.memory_space<vmem>>
      %dma_start3A_201 = tpu.memref_squeeze %dma_start3A_200 : memref<1x32x128xi32, #tpu.memory_space<vmem>> -> memref<32x128xi32, #tpu.memory_space<vmem>>
      %dma_start3A_202 = arith.constant 0 : i32
      %dma_start3A_203 = tpu.memref_slice %arg4[%add3A_196, %dma_start3A_202] : memref<8192x128xi32, #tpu.memory_space<hbm>> -> memref<32x128xi32, #tpu.memory_space<hbm>>
      %dma_start3A_204 = arith.constant 0 : i32
      %dma_start3A_205 = tpu.memref_slice %arg4[%add3A_196, %dma_start3A_204] : memref<8192x128xi32, #tpu.memory_space<hbm>> -> memref<32x128xi32, #tpu.memory_space<hbm>>
      %dma_start3A_206 = arith.constant 0 : i32
      %dma_start3A_207 = arith.constant 0 : i32
      %dma_start3A_208 = tpu.memref_slice %arg10[%dma_start3A_197, %dma_start3A_206, %dma_start3A_207] : memref<2x32x128xi32, #tpu.memory_space<vmem>> -> memref<1x32x128xi32, #tpu.memory_space<vmem>>
      %dma_start3A_209 = tpu.memref_squeeze %dma_start3A_208 : memref<1x32x128xi32, #tpu.memory_space<vmem>> -> memref<32x128xi32, #tpu.memory_space<vmem>>
      tpu.enqueue_dma source(%dma_start3A_209 : memref<32x128xi32, #tpu.memory_space<vmem>>) target(%dma_start3A_205 : memref<32x128xi32, #tpu.memory_space<hbm>>) target_semaphore(%arg13 : memref<!tpu.dma_semaphore, #tpu.memory_space<semaphore_mem>>)
      %mul3A_210 = arith.constant 2 : i32
      %mul3A_211 = arith.muli %scan3A_158, %mul3A_210 : i32
      %add3A_212 = arith.constant 1 : i32
      %add3A_213 = arith.addi %mul3A_211, %add3A_212 : i32
      %mul3A_214 = arith.constant 16 : i32
      %mul3A_215 = arith.muli %arg0, %mul3A_214 : i32
      %xor3A_216 = arith.constant 1 : i32
      %xor3A_217 = arith.xori %arg1, %xor3A_216 : i32
      %add3A_218 = arith.addi %mul3A_215, %xor3A_217 : i32
      %mul3A_219 = arith.constant 4096 : i32
      %mul3A_220 = arith.muli %add3A_213, %mul3A_219 : i32
      %dma_wait3A_221 = arith.constant 1 : i32
      %dma_wait3A_222 = arith.constant 0 : i32
      %dma_wait3A_223 = tpu.memref_slice %arg9[%dma_wait3A_221, %dma_wait3A_222] : memref<2x4096xi32, #tpu.memory_space<vmem>> -> memref<1x4096xi32, #tpu.memory_space<vmem>>
      %dma_wait3A_224 = tpu.memref_squeeze %dma_wait3A_223 : memref<1x4096xi32, #tpu.memory_space<vmem>> -> memref<4096xi32, #tpu.memory_space<vmem>>
      %dma_wait3A_225 = tpu.memref_slice %arg5[%add3A_218, %mul3A_220] : memref<32x32768xi32, #tpu.memory_space<hbm>> -> memref<1x4096xi32, #tpu.memory_space<hbm>>
      %dma_wait3A_226 = tpu.memref_squeeze %dma_wait3A_225 : memref<1x4096xi32, #tpu.memory_space<hbm>> -> memref<4096xi32, #tpu.memory_space<hbm>>
      %dma_wait3A_227 = arith.constant 0 : i32
      %dma_wait3A_228 = tpu.memref_slice %arg9[%dma_wait3A_221, %dma_wait3A_227] : memref<2x4096xi32, #tpu.memory_space<vmem>> -> memref<1x4096xi32, #tpu.memory_space<vmem>>
      %dma_wait3A_229 = tpu.memref_squeeze %dma_wait3A_228 : memref<1x4096xi32, #tpu.memory_space<vmem>> -> memref<4096xi32, #tpu.memory_space<vmem>>
      %dma_wait3A_230 = tpu.memref_slice %arg5[%add3A_218, %mul3A_220] : memref<32x32768xi32, #tpu.memory_space<hbm>> -> memref<1x4096xi32, #tpu.memory_space<hbm>>
      %dma_wait3A_231 = tpu.memref_squeeze %dma_wait3A_230 : memref<1x4096xi32, #tpu.memory_space<hbm>> -> memref<4096xi32, #tpu.memory_space<hbm>>
      tpu.wait_dma2 semaphore(%arg12 : memref<!tpu.dma_semaphore, #tpu.memory_space<semaphore_mem>>) src(%dma_wait3A_231 : memref<4096xi32, #tpu.memory_space<hbm>>) dst(%dma_wait3A_229 : memref<4096xi32, #tpu.memory_space<vmem>>)
      %add3A_232 = arith.constant 1 : i32
      %add3A_233 = arith.addi %add3A_213, %add3A_232 : i32
      %lt3A_234 = arith.constant 8 : i32
      %lt3A_235 = arith.cmpi slt, %add3A_233, %lt3A_234 : i32
      %convert_element_type3A_236 = arith.extui %lt3A_235 : i1 to i32
      %cond3A_237 = arith.constant 0 : i32
      %cond3A_238 = arith.cmpi ne, %convert_element_type3A_236, %cond3A_237 : i32
      scf.if %cond3A_238 {
        %add3A_264 = arith.constant 1 : i32
        %add3A_265 = arith.addi %add3A_213, %add3A_264 : i32
        %mul3A_266 = arith.constant 16 : i32
        %mul3A_267 = arith.muli %arg0, %mul3A_266 : i32
        %xor3A_268 = arith.constant 1 : i32
        %xor3A_269 = arith.xori %arg1, %xor3A_268 : i32
        %add3A_270 = arith.addi %mul3A_267, %xor3A_269 : i32
        %mul3A_271 = arith.constant 4096 : i32
        %mul3A_272 = arith.muli %add3A_265, %mul3A_271 : i32
        %dma_start3A_273 = arith.constant 0 : i32
        %dma_start3A_274 = arith.constant 0 : i32
        %dma_start3A_275 = tpu.memref_slice %arg9[%dma_start3A_273, %dma_start3A_274] : memref<2x4096xi32, #tpu.memory_space<vmem>> -> memref<1x4096xi32, #tpu.memory_space<vmem>>
        %dma_start3A_276 = tpu.memref_squeeze %dma_start3A_275 : memref<1x4096xi32, #tpu.memory_space<vmem>> -> memref<4096xi32, #tpu.memory_space<vmem>>
        %dma_start3A_277 = tpu.memref_slice %arg5[%add3A_270, %mul3A_272] : memref<32x32768xi32, #tpu.memory_space<hbm>> -> memref<1x4096xi32, #tpu.memory_space<hbm>>
        %dma_start3A_278 = tpu.memref_squeeze %dma_start3A_277 : memref<1x4096xi32, #tpu.memory_space<hbm>> -> memref<4096xi32, #tpu.memory_space<hbm>>
        %dma_start3A_279 = arith.constant 0 : i32
        %dma_start3A_280 = tpu.memref_slice %arg9[%dma_start3A_273, %dma_start3A_279] : memref<2x4096xi32, #tpu.memory_space<vmem>> -> memref<1x4096xi32, #tpu.memory_space<vmem>>
        %dma_start3A_281 = tpu.memref_squeeze %dma_start3A_280 : memref<1x4096xi32, #tpu.memory_space<vmem>> -> memref<4096xi32, #tpu.memory_space<vmem>>
        %dma_start3A_282 = tpu.memref_slice %arg5[%add3A_270, %mul3A_272] : memref<32x32768xi32, #tpu.memory_space<hbm>> -> memref<1x4096xi32, #tpu.memory_space<hbm>>
        %dma_start3A_283 = tpu.memref_squeeze %dma_start3A_282 : memref<1x4096xi32, #tpu.memory_space<hbm>> -> memref<4096xi32, #tpu.memory_space<hbm>>
        tpu.enqueue_dma source(%dma_start3A_283 : memref<4096xi32, #tpu.memory_space<hbm>>) target(%dma_start3A_281 : memref<4096xi32, #tpu.memory_space<vmem>>) target_semaphore(%arg11 : memref<!tpu.dma_semaphore, #tpu.memory_space<semaphore_mem>>)
      } else {
      }
      %ge3A_239 = arith.constant 1 : i32
      %ge3A_240 = arith.cmpi sge, %scan3A_158, %ge3A_239 : i32
      %convert_element_type3A_241 = arith.extui %ge3A_240 : i1 to i32
      %cond3A_242 = arith.constant 0 : i32
      %cond3A_243 = arith.cmpi ne, %convert_element_type3A_241, %cond3A_242 : i32
      scf.if %cond3A_243 {
        %sub3A_264 = arith.constant 2 : i32
        %sub3A_265 = arith.subi %add3A_213, %sub3A_264 : i32
        %mul3A_266 = arith.constant 32 : i32
        %mul3A_267 = arith.muli %sub3A_265, %mul3A_266 : i32
        %add3A_268 = arith.addi %add3A_74, %mul3A_267 : i32
        %dma_wait3A_269 = arith.constant 1 : i32
        %dma_wait3A_270 = arith.constant 0 : i32
        %dma_wait3A_271 = arith.constant 0 : i32
        %dma_wait3A_272 = tpu.memref_slice %arg10[%dma_wait3A_269, %dma_wait3A_270, %dma_wait3A_271] : memref<2x32x128xi32, #tpu.memory_space<vmem>> -> memref<1x32x128xi32, #tpu.memory_space<vmem>>
        %dma_wait3A_273 = tpu.memref_squeeze %dma_wait3A_272 : memref<1x32x128xi32, #tpu.memory_space<vmem>> -> memref<32x128xi32, #tpu.memory_space<vmem>>
        %dma_wait3A_274 = arith.constant 0 : i32
        %dma_wait3A_275 = tpu.memref_slice %arg4[%add3A_268, %dma_wait3A_274] : memref<8192x128xi32, #tpu.memory_space<hbm>> -> memref<32x128xi32, #tpu.memory_space<hbm>>
        %dma_wait3A_276 = arith.constant 0 : i32
        %dma_wait3A_277 = tpu.memref_slice %arg4[%add3A_268, %dma_wait3A_276] : memref<8192x128xi32, #tpu.memory_space<hbm>> -> memref<32x128xi32, #tpu.memory_space<hbm>>
        %dma_wait3A_278 = arith.constant 0 : i32
        %dma_wait3A_279 = arith.constant 0 : i32
        %dma_wait3A_280 = tpu.memref_slice %arg10[%dma_wait3A_269, %dma_wait3A_278, %dma_wait3A_279] : memref<2x32x128xi32, #tpu.memory_space<vmem>> -> memref<1x32x128xi32, #tpu.memory_space<vmem>>
        %dma_wait3A_281 = tpu.memref_squeeze %dma_wait3A_280 : memref<1x32x128xi32, #tpu.memory_space<vmem>> -> memref<32x128xi32, #tpu.memory_space<vmem>>
        tpu.wait_dma2 semaphore(%arg14 : memref<!tpu.dma_semaphore, #tpu.memory_space<semaphore_mem>>) src(%dma_wait3A_281 : memref<32x128xi32, #tpu.memory_space<vmem>>) dst(%dma_wait3A_277 : memref<32x128xi32, #tpu.memory_space<hbm>>)
      } else {
      }
      %parallel_loop3A_244 = arith.constant 0 : i32
      %parallel_loop3A_245 = arith.constant 32 : i32
      %parallel_loop3A_246 = arith.constant 1 : i32
      scf.for %parallel_loop3A_264 = %parallel_loop3A_244 to %parallel_loop3A_245 step %parallel_loop3A_246  : i32 {
        %parallel_loop3A_265 = arith.constant 4 : i32
        %parallel_loop3A_266 = arith.shrsi %parallel_loop3A_264, %parallel_loop3A_265 : i32
        %parallel_loop3A_267 = arith.constant 16 : i32
        %parallel_loop3A_268 = arith.muli %parallel_loop3A_266, %parallel_loop3A_267 : i32
        %parallel_loop3A_269 = arith.constant 1 : i32
        %parallel_loop3A_270 = arith.andi %parallel_loop3A_264, %parallel_loop3A_269 : i32
        %parallel_loop3A_271 = arith.constant 8 : i32
        %parallel_loop3A_272 = arith.muli %parallel_loop3A_270, %parallel_loop3A_271 : i32
        %parallel_loop3A_273 = arith.addi %parallel_loop3A_268, %parallel_loop3A_272 : i32
        %parallel_loop3A_274 = arith.constant 1 : i32
        %parallel_loop3A_275 = arith.shrsi %parallel_loop3A_264, %parallel_loop3A_274 : i32
        %parallel_loop3A_276 = arith.constant 7 : i32
        %parallel_loop3A_277 = arith.andi %parallel_loop3A_275, %parallel_loop3A_276 : i32
        %parallel_loop3A_278 = arith.addi %parallel_loop3A_273, %parallel_loop3A_277 : i32
        %parallel_loop3A_279 = arith.constant 4096 : i32
        %parallel_loop3A_280 = arith.muli %add3A_213, %parallel_loop3A_279 : i32
        %parallel_loop3A_281 = arith.addi %mul3A_69, %parallel_loop3A_280 : i32
        %parallel_loop3A_282 = arith.constant 128 : i32
        %parallel_loop3A_283 = arith.muli %parallel_loop3A_264, %parallel_loop3A_282 : i32
        %parallel_loop3A_284 = arith.addi %parallel_loop3A_281, %parallel_loop3A_283 : i32
        %parallel_loop3A_285 = arith.constant 0 : i32
        %parallel_loop3A_286 = arith.addi %parallel_loop3A_284, %parallel_loop3A_285 : i32
        %parallel_loop3A_287 = arith.index_cast %parallel_loop3A_286 : i32 to index
        %parallel_loop3A_288 = tpu.vector_load %arg8[%parallel_loop3A_287] {strides = array<i32>} : memref<65536xi32, #tpu.memory_space<vmem>>, vector<16xi32>,
        %parallel_loop3A_289 = arith.constant 128 : i32
        %parallel_loop3A_290 = arith.muli %parallel_loop3A_264, %parallel_loop3A_289 : i32
        %parallel_loop3A_291 = arith.constant 0 : i32
        %parallel_loop3A_292 = arith.addi %parallel_loop3A_290, %parallel_loop3A_291 : i32
        %parallel_loop3A_293 = arith.constant 1 : i32
        %parallel_loop3A_294 = arith.index_cast %parallel_loop3A_293 : i32 to index
        %parallel_loop3A_295 = arith.index_cast %parallel_loop3A_292 : i32 to index
        %parallel_loop3A_296 = tpu.vector_load %arg9[%parallel_loop3A_294, %parallel_loop3A_295] {strides = array<i32>} : memref<2x4096xi32, #tpu.memory_space<vmem>>, vector<16xi32>,
        %parallel_loop3A_297 = arith.addi %parallel_loop3A_288, %parallel_loop3A_296 : vector<16xi32>
        %parallel_loop3A_298 = arith.constant 1 : i32
        %parallel_loop3A_299 = arith.index_cast %parallel_loop3A_298 : i32 to index
        %parallel_loop3A_300 = arith.index_cast %parallel_loop3A_278 : i32 to index
        %parallel_loop3A_301 = arith.constant 0 : index
        %parallel_loop3A_302 = tpu.vector_load %arg10[%parallel_loop3A_299, %parallel_loop3A_300, %parallel_loop3A_301] {strides = array<i32>} : memref<2x32x128xi32, #tpu.memory_space<vmem>>, vector<16xi32>,
        tpu.vector_store %arg10[%parallel_loop3A_299, %parallel_loop3A_300, %parallel_loop3A_301], %parallel_loop3A_297 {strides = array<i32>} : memref<2x32x128xi32, #tpu.memory_space<vmem>>, vector<16xi32>,
        %parallel_loop3A_303 = arith.constant 4096 : i32
        %parallel_loop3A_304 = arith.muli %add3A_213, %parallel_loop3A_303 : i32
        %parallel_loop3A_305 = arith.addi %mul3A_69, %parallel_loop3A_304 : i32
        %parallel_loop3A_306 = arith.constant 128 : i32
        %parallel_loop3A_307 = arith.muli %parallel_loop3A_264, %parallel_loop3A_306 : i32
        %parallel_loop3A_308 = arith.addi %parallel_loop3A_305, %parallel_loop3A_307 : i32
        %parallel_loop3A_309 = arith.constant 16 : i32
        %parallel_loop3A_310 = arith.addi %parallel_loop3A_308, %parallel_loop3A_309 : i32
        %parallel_loop3A_311 = arith.index_cast %parallel_loop3A_310 : i32 to index
        %parallel_loop3A_312 = tpu.vector_load %arg8[%parallel_loop3A_311] {strides = array<i32>} : memref<65536xi32, #tpu.memory_space<vmem>>, vector<16xi32>,
        %parallel_loop3A_313 = arith.constant 128 : i32
        %parallel_loop3A_314 = arith.muli %parallel_loop3A_264, %parallel_loop3A_313 : i32
        %parallel_loop3A_315 = arith.constant 16 : i32
        %parallel_loop3A_316 = arith.addi %parallel_loop3A_314, %parallel_loop3A_315 : i32
        %parallel_loop3A_317 = arith.constant 1 : i32
        %parallel_loop3A_318 = arith.index_cast %parallel_loop3A_317 : i32 to index
        %parallel_loop3A_319 = arith.index_cast %parallel_loop3A_316 : i32 to index
        %parallel_loop3A_320 = tpu.vector_load %arg9[%parallel_loop3A_318, %parallel_loop3A_319] {strides = array<i32>} : memref<2x4096xi32, #tpu.memory_space<vmem>>, vector<16xi32>,
        %parallel_loop3A_321 = arith.addi %parallel_loop3A_312, %parallel_loop3A_320 : vector<16xi32>
        %parallel_loop3A_322 = arith.constant 1 : i32
        %parallel_loop3A_323 = arith.index_cast %parallel_loop3A_322 : i32 to index
        %parallel_loop3A_324 = arith.index_cast %parallel_loop3A_278 : i32 to index
        %parallel_loop3A_325 = arith.constant 16 : index
        %parallel_loop3A_326 = tpu.vector_load %arg10[%parallel_loop3A_323, %parallel_loop3A_324, %parallel_loop3A_325] {strides = array<i32>} : memref<2x32x128xi32, #tpu.memory_space<vmem>>, vector<16xi32>,
        tpu.vector_store %arg10[%parallel_loop3A_323, %parallel_loop3A_324, %parallel_loop3A_325], %parallel_loop3A_321 {strides = array<i32>} : memref<2x32x128xi32, #tpu.memory_space<vmem>>, vector<16xi32>,
        %parallel_loop3A_327 = arith.constant 4096 : i32
        %parallel_loop3A_328 = arith.muli %add3A_213, %parallel_loop3A_327 : i32
        %parallel_loop3A_329 = arith.addi %mul3A_69, %parallel_loop3A_328 : i32
        %parallel_loop3A_330 = arith.constant 128 : i32
        %parallel_loop3A_331 = arith.muli %parallel_loop3A_264, %parallel_loop3A_330 : i32
        %parallel_loop3A_332 = arith.addi %parallel_loop3A_329, %parallel_loop3A_331 : i32
        %parallel_loop3A_333 = arith.constant 32 : i32
        %parallel_loop3A_334 = arith.addi %parallel_loop3A_332, %parallel_loop3A_333 : i32
        %parallel_loop3A_335 = arith.index_cast %parallel_loop3A_334 : i32 to index
        %parallel_loop3A_336 = tpu.vector_load %arg8[%parallel_loop3A_335] {strides = array<i32>} : memref<65536xi32, #tpu.memory_space<vmem>>, vector<16xi32>,
        %parallel_loop3A_337 = arith.constant 128 : i32
        %parallel_loop3A_338 = arith.muli %parallel_loop3A_264, %parallel_loop3A_337 : i32
        %parallel_loop3A_339 = arith.constant 32 : i32
        %parallel_loop3A_340 = arith.addi %parallel_loop3A_338, %parallel_loop3A_339 : i32
        %parallel_loop3A_341 = arith.constant 1 : i32
        %parallel_loop3A_342 = arith.index_cast %parallel_loop3A_341 : i32 to index
        %parallel_loop3A_343 = arith.index_cast %parallel_loop3A_340 : i32 to index
        %parallel_loop3A_344 = tpu.vector_load %arg9[%parallel_loop3A_342, %parallel_loop3A_343] {strides = array<i32>} : memref<2x4096xi32, #tpu.memory_space<vmem>>, vector<16xi32>,
        %parallel_loop3A_345 = arith.addi %parallel_loop3A_336, %parallel_loop3A_344 : vector<16xi32>
        %parallel_loop3A_346 = arith.constant 1 : i32
        %parallel_loop3A_347 = arith.index_cast %parallel_loop3A_346 : i32 to index
        %parallel_loop3A_348 = arith.index_cast %parallel_loop3A_278 : i32 to index
        %parallel_loop3A_349 = arith.constant 32 : index
        %parallel_loop3A_350 = tpu.vector_load %arg10[%parallel_loop3A_347, %parallel_loop3A_348, %parallel_loop3A_349] {strides = array<i32>} : memref<2x32x128xi32, #tpu.memory_space<vmem>>, vector<16xi32>,
        tpu.vector_store %arg10[%parallel_loop3A_347, %parallel_loop3A_348, %parallel_loop3A_349], %parallel_loop3A_345 {strides = array<i32>} : memref<2x32x128xi32, #tpu.memory_space<vmem>>, vector<16xi32>,
        %parallel_loop3A_351 = arith.constant 4096 : i32
        %parallel_loop3A_352 = arith.muli %add3A_213, %parallel_loop3A_351 : i32
        %parallel_loop3A_353 = arith.addi %mul3A_69, %parallel_loop3A_352 : i32
        %parallel_loop3A_354 = arith.constant 128 : i32
        %parallel_loop3A_355 = arith.muli %parallel_loop3A_264, %parallel_loop3A_354 : i32
        %parallel_loop3A_356 = arith.addi %parallel_loop3A_353, %parallel_loop3A_355 : i32
        %parallel_loop3A_357 = arith.constant 48 : i32
        %parallel_loop3A_358 = arith.addi %parallel_loop3A_356, %parallel_loop3A_357 : i32
        %parallel_loop3A_359 = arith.index_cast %parallel_loop3A_358 : i32 to index
        %parallel_loop3A_360 = tpu.vector_load %arg8[%parallel_loop3A_359] {strides = array<i32>} : memref<65536xi32, #tpu.memory_space<vmem>>, vector<16xi32>,
        %parallel_loop3A_361 = arith.constant 128 : i32
        %parallel_loop3A_362 = arith.muli %parallel_loop3A_264, %parallel_loop3A_361 : i32
        %parallel_loop3A_363 = arith.constant 48 : i32
        %parallel_loop3A_364 = arith.addi %parallel_loop3A_362, %parallel_loop3A_363 : i32
        %parallel_loop3A_365 = arith.constant 1 : i32
        %parallel_loop3A_366 = arith.index_cast %parallel_loop3A_365 : i32 to index
        %parallel_loop3A_367 = arith.index_cast %parallel_loop3A_364 : i32 to index
        %parallel_loop3A_368 = tpu.vector_load %arg9[%parallel_loop3A_366, %parallel_loop3A_367] {strides = array<i32>} : memref<2x4096xi32, #tpu.memory_space<vmem>>, vector<16xi32>,
        %parallel_loop3A_369 = arith.addi %parallel_loop3A_360, %parallel_loop3A_368 : vector<16xi32>
        %parallel_loop3A_370 = arith.constant 1 : i32
        %parallel_loop3A_371 = arith.index_cast %parallel_loop3A_370 : i32 to index
        %parallel_loop3A_372 = arith.index_cast %parallel_loop3A_278 : i32 to index
        %parallel_loop3A_373 = arith.constant 48 : index
        %parallel_loop3A_374 = tpu.vector_load %arg10[%parallel_loop3A_371, %parallel_loop3A_372, %parallel_loop3A_373] {strides = array<i32>} : memref<2x32x128xi32, #tpu.memory_space<vmem>>, vector<16xi32>,
        tpu.vector_store %arg10[%parallel_loop3A_371, %parallel_loop3A_372, %parallel_loop3A_373], %parallel_loop3A_369 {strides = array<i32>} : memref<2x32x128xi32, #tpu.memory_space<vmem>>, vector<16xi32>,
        %parallel_loop3A_375 = arith.constant 4096 : i32
        %parallel_loop3A_376 = arith.muli %add3A_213, %parallel_loop3A_375 : i32
        %parallel_loop3A_377 = arith.addi %mul3A_69, %parallel_loop3A_376 : i32
        %parallel_loop3A_378 = arith.constant 128 : i32
        %parallel_loop3A_379 = arith.muli %parallel_loop3A_264, %parallel_loop3A_378 : i32
        %parallel_loop3A_380 = arith.addi %parallel_loop3A_377, %parallel_loop3A_379 : i32
        %parallel_loop3A_381 = arith.constant 64 : i32
        %parallel_loop3A_382 = arith.addi %parallel_loop3A_380, %parallel_loop3A_381 : i32
        %parallel_loop3A_383 = arith.index_cast %parallel_loop3A_382 : i32 to index
        %parallel_loop3A_384 = tpu.vector_load %arg8[%parallel_loop3A_383] {strides = array<i32>} : memref<65536xi32, #tpu.memory_space<vmem>>, vector<16xi32>,
        %parallel_loop3A_385 = arith.constant 128 : i32
        %parallel_loop3A_386 = arith.muli %parallel_loop3A_264, %parallel_loop3A_385 : i32
        %parallel_loop3A_387 = arith.constant 64 : i32
        %parallel_loop3A_388 = arith.addi %parallel_loop3A_386, %parallel_loop3A_387 : i32
        %parallel_loop3A_389 = arith.constant 1 : i32
        %parallel_loop3A_390 = arith.index_cast %parallel_loop3A_389 : i32 to index
        %parallel_loop3A_391 = arith.index_cast %parallel_loop3A_388 : i32 to index
        %parallel_loop3A_392 = tpu.vector_load %arg9[%parallel_loop3A_390, %parallel_loop3A_391] {strides = array<i32>} : memref<2x4096xi32, #tpu.memory_space<vmem>>, vector<16xi32>,
        %parallel_loop3A_393 = arith.addi %parallel_loop3A_384, %parallel_loop3A_392 : vector<16xi32>
        %parallel_loop3A_394 = arith.constant 1 : i32
        %parallel_loop3A_395 = arith.index_cast %parallel_loop3A_394 : i32 to index
        %parallel_loop3A_396 = arith.index_cast %parallel_loop3A_278 : i32 to index
        %parallel_loop3A_397 = arith.constant 64 : index
        %parallel_loop3A_398 = tpu.vector_load %arg10[%parallel_loop3A_395, %parallel_loop3A_396, %parallel_loop3A_397] {strides = array<i32>} : memref<2x32x128xi32, #tpu.memory_space<vmem>>, vector<16xi32>,
        tpu.vector_store %arg10[%parallel_loop3A_395, %parallel_loop3A_396, %parallel_loop3A_397], %parallel_loop3A_393 {strides = array<i32>} : memref<2x32x128xi32, #tpu.memory_space<vmem>>, vector<16xi32>,
        %parallel_loop3A_399 = arith.constant 4096 : i32
        %parallel_loop3A_400 = arith.muli %add3A_213, %parallel_loop3A_399 : i32
        %parallel_loop3A_401 = arith.addi %mul3A_69, %parallel_loop3A_400 : i32
        %parallel_loop3A_402 = arith.constant 128 : i32
        %parallel_loop3A_403 = arith.muli %parallel_loop3A_264, %parallel_loop3A_402 : i32
        %parallel_loop3A_404 = arith.addi %parallel_loop3A_401, %parallel_loop3A_403 : i32
        %parallel_loop3A_405 = arith.constant 80 : i32
        %parallel_loop3A_406 = arith.addi %parallel_loop3A_404, %parallel_loop3A_405 : i32
        %parallel_loop3A_407 = arith.index_cast %parallel_loop3A_406 : i32 to index
        %parallel_loop3A_408 = tpu.vector_load %arg8[%parallel_loop3A_407] {strides = array<i32>} : memref<65536xi32, #tpu.memory_space<vmem>>, vector<16xi32>,
        %parallel_loop3A_409 = arith.constant 128 : i32
        %parallel_loop3A_410 = arith.muli %parallel_loop3A_264, %parallel_loop3A_409 : i32
        %parallel_loop3A_411 = arith.constant 80 : i32
        %parallel_loop3A_412 = arith.addi %parallel_loop3A_410, %parallel_loop3A_411 : i32
        %parallel_loop3A_413 = arith.constant 1 : i32
        %parallel_loop3A_414 = arith.index_cast %parallel_loop3A_413 : i32 to index
        %parallel_loop3A_415 = arith.index_cast %parallel_loop3A_412 : i32 to index
        %parallel_loop3A_416 = tpu.vector_load %arg9[%parallel_loop3A_414, %parallel_loop3A_415] {strides = array<i32>} : memref<2x4096xi32, #tpu.memory_space<vmem>>, vector<16xi32>,
        %parallel_loop3A_417 = arith.addi %parallel_loop3A_408, %parallel_loop3A_416 : vector<16xi32>
        %parallel_loop3A_418 = arith.constant 1 : i32
        %parallel_loop3A_419 = arith.index_cast %parallel_loop3A_418 : i32 to index
        %parallel_loop3A_420 = arith.index_cast %parallel_loop3A_278 : i32 to index
        %parallel_loop3A_421 = arith.constant 80 : index
        %parallel_loop3A_422 = tpu.vector_load %arg10[%parallel_loop3A_419, %parallel_loop3A_420, %parallel_loop3A_421] {strides = array<i32>} : memref<2x32x128xi32, #tpu.memory_space<vmem>>, vector<16xi32>,
        tpu.vector_store %arg10[%parallel_loop3A_419, %parallel_loop3A_420, %parallel_loop3A_421], %parallel_loop3A_417 {strides = array<i32>} : memref<2x32x128xi32, #tpu.memory_space<vmem>>, vector<16xi32>,
        %parallel_loop3A_423 = arith.constant 4096 : i32
        %parallel_loop3A_424 = arith.muli %add3A_213, %parallel_loop3A_423 : i32
        %parallel_loop3A_425 = arith.addi %mul3A_69, %parallel_loop3A_424 : i32
        %parallel_loop3A_426 = arith.constant 128 : i32
        %parallel_loop3A_427 = arith.muli %parallel_loop3A_264, %parallel_loop3A_426 : i32
        %parallel_loop3A_428 = arith.addi %parallel_loop3A_425, %parallel_loop3A_427 : i32
        %parallel_loop3A_429 = arith.constant 96 : i32
        %parallel_loop3A_430 = arith.addi %parallel_loop3A_428, %parallel_loop3A_429 : i32
        %parallel_loop3A_431 = arith.index_cast %parallel_loop3A_430 : i32 to index
        %parallel_loop3A_432 = tpu.vector_load %arg8[%parallel_loop3A_431] {strides = array<i32>} : memref<65536xi32, #tpu.memory_space<vmem>>, vector<16xi32>,
        %parallel_loop3A_433 = arith.constant 128 : i32
        %parallel_loop3A_434 = arith.muli %parallel_loop3A_264, %parallel_loop3A_433 : i32
        %parallel_loop3A_435 = arith.constant 96 : i32
        %parallel_loop3A_436 = arith.addi %parallel_loop3A_434, %parallel_loop3A_435 : i32
        %parallel_loop3A_437 = arith.constant 1 : i32
        %parallel_loop3A_438 = arith.index_cast %parallel_loop3A_437 : i32 to index
        %parallel_loop3A_439 = arith.index_cast %parallel_loop3A_436 : i32 to index
        %parallel_loop3A_440 = tpu.vector_load %arg9[%parallel_loop3A_438, %parallel_loop3A_439] {strides = array<i32>} : memref<2x4096xi32, #tpu.memory_space<vmem>>, vector<16xi32>,
        %parallel_loop3A_441 = arith.addi %parallel_loop3A_432, %parallel_loop3A_440 : vector<16xi32>
        %parallel_loop3A_442 = arith.constant 1 : i32
        %parallel_loop3A_443 = arith.index_cast %parallel_loop3A_442 : i32 to index
        %parallel_loop3A_444 = arith.index_cast %parallel_loop3A_278 : i32 to index
        %parallel_loop3A_445 = arith.constant 96 : index
        %parallel_loop3A_446 = tpu.vector_load %arg10[%parallel_loop3A_443, %parallel_loop3A_444, %parallel_loop3A_445] {strides = array<i32>} : memref<2x32x128xi32, #tpu.memory_space<vmem>>, vector<16xi32>,
        tpu.vector_store %arg10[%parallel_loop3A_443, %parallel_loop3A_444, %parallel_loop3A_445], %parallel_loop3A_441 {strides = array<i32>} : memref<2x32x128xi32, #tpu.memory_space<vmem>>, vector<16xi32>,
        %parallel_loop3A_447 = arith.constant 4096 : i32
        %parallel_loop3A_448 = arith.muli %add3A_213, %parallel_loop3A_447 : i32
        %parallel_loop3A_449 = arith.addi %mul3A_69, %parallel_loop3A_448 : i32
        %parallel_loop3A_450 = arith.constant 128 : i32
        %parallel_loop3A_451 = arith.muli %parallel_loop3A_264, %parallel_loop3A_450 : i32
        %parallel_loop3A_452 = arith.addi %parallel_loop3A_449, %parallel_loop3A_451 : i32
        %parallel_loop3A_453 = arith.constant 112 : i32
        %parallel_loop3A_454 = arith.addi %parallel_loop3A_452, %parallel_loop3A_453 : i32
        %parallel_loop3A_455 = arith.index_cast %parallel_loop3A_454 : i32 to index
        %parallel_loop3A_456 = tpu.vector_load %arg8[%parallel_loop3A_455] {strides = array<i32>} : memref<65536xi32, #tpu.memory_space<vmem>>, vector<16xi32>,
        %parallel_loop3A_457 = arith.constant 128 : i32
        %parallel_loop3A_458 = arith.muli %parallel_loop3A_264, %parallel_loop3A_457 : i32
        %parallel_loop3A_459 = arith.constant 112 : i32
        %parallel_loop3A_460 = arith.addi %parallel_loop3A_458, %parallel_loop3A_459 : i32
        %parallel_loop3A_461 = arith.constant 1 : i32
        %parallel_loop3A_462 = arith.index_cast %parallel_loop3A_461 : i32 to index
        %parallel_loop3A_463 = arith.index_cast %parallel_loop3A_460 : i32 to index
        %parallel_loop3A_464 = tpu.vector_load %arg9[%parallel_loop3A_462, %parallel_loop3A_463] {strides = array<i32>} : memref<2x4096xi32, #tpu.memory_space<vmem>>, vector<16xi32>,
        %parallel_loop3A_465 = arith.addi %parallel_loop3A_456, %parallel_loop3A_464 : vector<16xi32>
        %parallel_loop3A_466 = arith.constant 1 : i32
        %parallel_loop3A_467 = arith.index_cast %parallel_loop3A_466 : i32 to index
        %parallel_loop3A_468 = arith.index_cast %parallel_loop3A_278 : i32 to index
        %parallel_loop3A_469 = arith.constant 112 : index
        %parallel_loop3A_470 = tpu.vector_load %arg10[%parallel_loop3A_467, %parallel_loop3A_468, %parallel_loop3A_469] {strides = array<i32>} : memref<2x32x128xi32, #tpu.memory_space<vmem>>, vector<16xi32>,
        tpu.vector_store %arg10[%parallel_loop3A_467, %parallel_loop3A_468, %parallel_loop3A_469], %parallel_loop3A_465 {strides = array<i32>} : memref<2x32x128xi32, #tpu.memory_space<vmem>>, vector<16xi32>,
      } {sc.loop_unroll_factor = 2 : i64, sc.parallel_access}
      %mul3A_247 = arith.constant 32 : i32
      %mul3A_248 = arith.muli %add3A_213, %mul3A_247 : i32
      %add3A_249 = arith.addi %add3A_74, %mul3A_248 : i32
      %dma_start3A_250 = arith.constant 1 : i32
      %dma_start3A_251 = arith.constant 0 : i32
      %dma_start3A_252 = arith.constant 0 : i32
      %dma_start3A_253 = tpu.memref_slice %arg10[%dma_start3A_250, %dma_start3A_251, %dma_start3A_252] : memref<2x32x128xi32, #tpu.memory_space<vmem>> -> memref<1x32x128xi32, #tpu.memory_space<vmem>>
      %dma_start3A_254 = tpu.memref_squeeze %dma_start3A_253 : memref<1x32x128xi32, #tpu.memory_space<vmem>> -> memref<32x128xi32, #tpu.memory_space<vmem>>
      %dma_start3A_255 = arith.constant 0 : i32
      %dma_start3A_256 = tpu.memref_slice %arg4[%add3A_249, %dma_start3A_255] : memref<8192x128xi32, #tpu.memory_space<hbm>> -> memref<32x128xi32, #tpu.memory_space<hbm>>
      %dma_start3A_257 = arith.constant 0 : i32
      %dma_start3A_258 = tpu.memref_slice %arg4[%add3A_249, %dma_start3A_257] : memref<8192x128xi32, #tpu.memory_space<hbm>> -> memref<32x128xi32, #tpu.memory_space<hbm>>
      %dma_start3A_259 = arith.constant 0 : i32
      %dma_start3A_260 = arith.constant 0 : i32
      %dma_start3A_261 = tpu.memref_slice %arg10[%dma_start3A_250, %dma_start3A_259, %dma_start3A_260] : memref<2x32x128xi32, #tpu.memory_space<vmem>> -> memref<1x32x128xi32, #tpu.memory_space<vmem>>
      %dma_start3A_262 = tpu.memref_squeeze %dma_start3A_261 : memref<1x32x128xi32, #tpu.memory_space<vmem>> -> memref<32x128xi32, #tpu.memory_space<vmem>>
      tpu.enqueue_dma source(%dma_start3A_262 : memref<32x128xi32, #tpu.memory_space<vmem>>) target(%dma_start3A_258 : memref<32x128xi32, #tpu.memory_space<hbm>>) target_semaphore(%arg14 : memref<!tpu.dma_semaphore, #tpu.memory_space<semaphore_mem>>)
      %scan3A_263 = arith.constant 0 : i32
      scf.yield %scan3A_263 : i32
    }
    %scan3A_127 = arith.constant 4 : i32
    %add3A_128 = arith.constant 192 : i32
    %add3A_129 = arith.addi %add3A_74, %add3A_128 : i32
    %dma_wait3A_130 = arith.constant 0 : i32
    %dma_wait3A_131 = arith.constant 0 : i32
    %dma_wait3A_132 = arith.constant 0 : i32
    %dma_wait3A_133 = tpu.memref_slice %arg10[%dma_wait3A_130, %dma_wait3A_131, %dma_wait3A_132] : memref<2x32x128xi32, #tpu.memory_space<vmem>> -> memref<1x32x128xi32, #tpu.memory_space<vmem>>
    %dma_wait3A_134 = tpu.memref_squeeze %dma_wait3A_133 : memref<1x32x128xi32, #tpu.memory_space<vmem>> -> memref<32x128xi32, #tpu.memory_space<vmem>>
    %dma_wait3A_135 = arith.constant 0 : i32
    %dma_wait3A_136 = tpu.memref_slice %arg4[%add3A_129, %dma_wait3A_135] : memref<8192x128xi32, #tpu.memory_space<hbm>> -> memref<32x128xi32, #tpu.memory_space<hbm>>
    %dma_wait3A_137 = arith.constant 0 : i32
    %dma_wait3A_138 = tpu.memref_slice %arg4[%add3A_129, %dma_wait3A_137] : memref<8192x128xi32, #tpu.memory_space<hbm>> -> memref<32x128xi32, #tpu.memory_space<hbm>>
    %dma_wait3A_139 = arith.constant 0 : i32
    %dma_wait3A_140 = arith.constant 0 : i32
    %dma_wait3A_141 = tpu.memref_slice %arg10[%dma_wait3A_130, %dma_wait3A_139, %dma_wait3A_140] : memref<2x32x128xi32, #tpu.memory_space<vmem>> -> memref<1x32x128xi32, #tpu.memory_space<vmem>>
    %dma_wait3A_142 = tpu.memref_squeeze %dma_wait3A_141 : memref<1x32x128xi32, #tpu.memory_space<vmem>> -> memref<32x128xi32, #tpu.memory_space<vmem>>
    tpu.wait_dma2 semaphore(%arg13 : memref<!tpu.dma_semaphore, #tpu.memory_space<semaphore_mem>>) src(%dma_wait3A_142 : memref<32x128xi32, #tpu.memory_space<vmem>>) dst(%dma_wait3A_138 : memref<32x128xi32, #tpu.memory_space<hbm>>)
    %add3A_143 = arith.constant 224 : i32
    %add3A_144 = arith.addi %add3A_74, %add3A_143 : i32
    %dma_wait3A_145 = arith.constant 1 : i32
    %dma_wait3A_146 = arith.constant 0 : i32
    %dma_wait3A_147 = arith.constant 0 : i32
    %dma_wait3A_148 = tpu.memref_slice %arg10[%dma_wait3A_145, %dma_wait3A_146, %dma_wait3A_147] : memref<2x32x128xi32, #tpu.memory_space<vmem>> -> memref<1x32x128xi32, #tpu.memory_space<vmem>>
    %dma_wait3A_149 = tpu.memref_squeeze %dma_wait3A_148 : memref<1x32x128xi32, #tpu.memory_space<vmem>> -> memref<32x128xi32, #tpu.memory_space<vmem>>
    %dma_wait3A_150 = arith.constant 0 : i32
    %dma_wait3A_151 = tpu.memref_slice %arg4[%add3A_144, %dma_wait3A_150] : memref<8192x128xi32, #tpu.memory_space<hbm>> -> memref<32x128xi32, #tpu.memory_space<hbm>>
    %dma_wait3A_152 = arith.constant 0 : i32
    %dma_wait3A_153 = tpu.memref_slice %arg4[%add3A_144, %dma_wait3A_152] : memref<8192x128xi32, #tpu.memory_space<hbm>> -> memref<32x128xi32, #tpu.memory_space<hbm>>
    %dma_wait3A_154 = arith.constant 0 : i32
    %dma_wait3A_155 = arith.constant 0 : i32
    %dma_wait3A_156 = tpu.memref_slice %arg10[%dma_wait3A_145, %dma_wait3A_154, %dma_wait3A_155] : memref<2x32x128xi32, #tpu.memory_space<vmem>> -> memref<1x32x128xi32, #tpu.memory_space<vmem>>
    %dma_wait3A_157 = tpu.memref_squeeze %dma_wait3A_156 : memref<1x32x128xi32, #tpu.memory_space<vmem>> -> memref<32x128xi32, #tpu.memory_space<vmem>>
    tpu.wait_dma2 semaphore(%arg14 : memref<!tpu.dma_semaphore, #tpu.memory_space<semaphore_mem>>) src(%dma_wait3A_157 : memref<32x128xi32, #tpu.memory_space<vmem>>) dst(%dma_wait3A_153 : memref<32x128xi32, #tpu.memory_space<hbm>>)
    return
  }
}

</mosaic_0001>

<sc_bundles>
// kernel: kernel.3.cloned.1.call-start
scs
__scs_entry_jumppad:
0x0: {  	(pc) =	sbr.rel $0x88, $3  }
0x1: {  	(tag) =	ssettag $0x0;
	lr =	simm.s32 $0x1  }
0x2: {  	[smem:$0x3FA0] =	sst lr;
	_ =	strace $0xD0000000  }
0x3: {  	_ = 	snop  }
0x4: {  	_ = 	snop  }
0x5: {  	_ = 	snop  }
0x6: {  	_ = 	snop  }
0x7: {  	_ = 	snop  }
__scs_overlays_trampoline_lowered:
0x8: {  	[smem:$0x3FAF] =	sst s0  }
0x9: {  	[smem:$0x3FB0] =	sst s1  }
0xa: {  	[smem:$0x3FB1] =	sst s2  }
0xb: {  	[smem:$0x3FB2] =	sst s3  }
0xc: {  	[smem:$0x3FB3] =	sst s4  }
0xd: {  	[smem:$0x3FB4] =	sst s5  }
0xe: {  	[smem:$0x3FB5] =	sst s6  }
0xf: {  	[smem:$0x3FB6] =	sst s7  }
0x10: {  	[smem:$0x3FB7] =	sst s8  }
0x11: {  	[smem:$0x3FB8] =	sst s9;
	s0 =	simm.s32 @!p0 $0x0  }
0x12: {  	s1 =	sld [smem:$0x3F9E];
	s0 =	simm.s32 @p0 $0x1  }
0x13: {  	[smem:$0x3FB9] =	sst s0;
	s0 =	simm.s32 @!p1 $0x0  }
0x14: {  	s2 =	sld [smem:$0x3F9D];
	s0 =	simm.s32 @p1 $0x1  }
0x15: {  	[smem:$0x3FBA] =	sst s0;
	s0 =	simm.s32 @!p2 $0x0  }
0x16: {  	s3 =	sld [smem:$0x3FDB];
	s0 =	simm.s32 @p2 $0x1  }
0x17: {  	s4 =	simm.s32 $0x1BF5;
	[smem:$0x3FBC] =	sst s0  }
0x18: {  	s0 =	sld [smem:$0x3F9F];
	_ =	swait.ge [sflag:s4], $0x0  }
0x19: {  	s7 =	sld [smem:$0x3FA0]  }
0x1a: {  	s8 =	sadd.s32 $0xFFFFE003, lr  }
0x1b: {  	s9 =	sadd.s32 $0xFFFFFEF7, lr;
	s5 =	simm.s32 $0xFFFFFFFF;
	p2 =	slt.u32 s8, $0xFFFFF086  }
0x1c: {  	p1 =	slt.u32 s9, $0xF7A;
	s5 =	simm.s32 @!p2 $0x0  }
0x1d: {  	s5 =	simm.s32 @p1 $0x1;
	p0 =	seq.s32 s7, s2  }
0x1e: {  	s7 =	smul.u32 @!p0 $0xF7A, s2;
	p2 =	seq.s32 @!p0 s5, $0x0  }
0x1f: {  	s9 =	smul.u32 $0xF7A, s1;
	s8 =	simm.s32 @!p0 $0x1BF5;
	p2 =	por !p2, p0  }
0x20: {  	[sflag:s8] =	ssyncset.s32 @!p0 $0xFFFFF086;
	s6 =	sadd.s32 @!p0 s3, s7;
	s7 =	simm.s32 @!p0 $0x108  }
0x21: {  	s3 =	sadd.s32 s3, s9;
	s6 =	sadd.s32 @!p0 $0x88, s6;
	s7 =	simm.s32 @p2 $0x1082  }
0x22: {  	[simem:s7], [sflag:s8] =	dma.local @!p0 [hbm:s6], $0xF7A  }
0x23: {  	s9 =	sor.u32 $0xD0000000, s2;
	s6 =	simm.s32 $0x108;
	_ =	swait.ge @!p0 [sflag:s8], $0x0  }
0x24: {  	s3 =	sadd.s32 $0x88, s3;
	s6 =	simm.s32 @!p1 $0x1082;
	[sflag:s4] =	ssyncset.s32 $0xFFFFF086  }
0x25: {  	[simem:s6], [sflag:s4] =	dma.local [hbm:s3], $0xF7A  }
0x26: {  	[smem:$0x3FA0] =	sst s1;
	(tag) =	ssettag s2;
	_ =	strace s9  }
0x27: {  	s1 =	sld [smem:$0x3FB0]  }
0x28: {  	s2 =	sld [smem:$0x3FB1]  }
0x29: {  	s4 =	sld [smem:$0x3FB3]  }
0x2a: {  	p0 =	seq.s32 s5, $0x0;
	s5 =	sld [smem:$0x3FB4]  }
0x2b: {  	s6 =	sld [smem:$0x3FB5]  }
0x2c: {  	s7 =	sld [smem:$0x3FB6]  }
0x2d: {  	s3 =	simm.s32 $0x108;
	s8 =	sld [smem:$0x3FB7]  }
0x2e: {  	s3 =	simm.s32 @!p0 $0x1082;
	s9 =	sld [smem:$0x3FB8]  }
0x2f: {  	lr =	sadd.s32 s0, s3;
	s0 =	sld [smem:$0x3FAF]  }
0x30: {  	s3 =	sld [smem:$0x3FB2]  }
0x31: {  	[smem:$0x3FBB] =	sst s10  }
0x32: {  	s10 =	sld [smem:$0x3FB9];
	_ =	sdelay $0x3  }
0x33: {  	p0 =	seq.s32 s10, $0x1;
	s10 =	sld [smem:$0x3FBB];
	_ =	sdelay $0x3  }
0x34: {  	[smem:$0x3FBB] =	sst s10  }
0x35: {  	s10 =	sld [smem:$0x3FBA];
	_ =	sdelay $0x3  }
0x36: {  	p1 =	seq.s32 s10, $0x1;
	s10 =	sld [smem:$0x3FBB];
	_ =	sdelay $0x3  }
0x37: {  	[smem:$0x3FBB] =	sst s10  }
0x38: {  	s10 =	sld [smem:$0x3FBC]  }
0x39: {  	_ = 	snop;
	(pc) =	sbr.ind lr, $3  }
0x3a: {  	_ = 	snop  }
0x3b: {  	_ = 	snop  }
0x3c: {  	p2 =	seq.s32 s10, $0x1;
	s10 =	sld [smem:$0x3FBB]  }
0x3d: {  	_ =	shalt  }
0x3e: {  	_ =	shalt  }
0x3f: {  	_ =	shalt  }
0x40: {  	_ =	shalt  }
0x41: {  	_ =	shalt  }
0x42: {  	_ =	shalt  }
0x43: {  	_ =	shalt  }
0x44: {  	_ =	shalt  }
0x45: {  	_ =	shalt  }
0x46: {  	_ =	shalt  }
0x47: {  	_ =	shalt  }
0x48: {  	_ =	shalt  }
0x49: {  	_ =	shalt  }
0x4a: {  	_ =	shalt  }
0x4b: {  	_ =	shalt  }
0x4c: {  	_ =	shalt  }
0x4d: {  	_ =	shalt  }
0x4e: {  	_ =	shalt  }
0x4f: {  	_ =	shalt  }
0x50: {  	_ =	shalt  }
0x51: {  	_ =	shalt  }
0x52: {  	_ =	shalt  }
0x53: {  	_ =	shalt  }
0x54: {  	_ =	shalt  }
0x55: {  	_ =	shalt  }
0x56: {  	_ =	shalt  }
0x57: {  	_ =	shalt  }
0x58: {  	_ =	shalt  }
0x59: {  	_ =	shalt  }
0x5a: {  	_ =	shalt  }
0x5b: {  	_ =	shalt  }
0x5c: {  	_ =	shalt  }
0x5d: {  	_ =	shalt  }
0x5e: {  	_ =	shalt  }
0x5f: {  	_ =	shalt  }
0x60: {  	_ =	shalt  }
0x61: {  	_ =	shalt  }
0x62: {  	_ =	shalt  }
0x63: {  	_ =	shalt  }
0x64: {  	_ =	shalt  }
0x65: {  	_ =	shalt  }
0x66: {  	_ =	shalt  }
0x67: {  	_ =	shalt  }
0x68: {  	_ =	shalt  }
0x69: {  	_ =	shalt  }
0x6a: {  	_ =	shalt  }
0x6b: {  	_ =	shalt  }
0x6c: {  	_ =	shalt  }
0x6d: {  	_ =	shalt  }
0x6e: {  	_ =	shalt  }
0x6f: {  	_ =	shalt  }
0x70: {  	_ =	shalt  }
0x71: {  	_ =	shalt  }
0x72: {  	_ =	shalt  }
0x73: {  	_ =	shalt  }
0x74: {  	_ =	shalt  }
0x75: {  	_ =	shalt  }
0x76: {  	_ =	shalt  }
0x77: {  	_ =	shalt  }
0x78: {  	_ =	shalt  }
0x79: {  	_ =	shalt  }
0x7a: {  	_ =	shalt  }
0x7b: {  	_ =	shalt  }
0x7c: {  	_ =	shalt  }
0x7d: {  	_ =	shalt  }
0x7e: {  	_ =	shalt  }
0x7f: {  	_ =	shalt  }
0x80: {  	_ =	shalt  }
0x81: {  	_ =	shalt  }
0x82: {  	_ =	shalt  }
0x83: {  	_ =	shalt  }
0x84: {  	_ =	shalt  }
0x85: {  	_ =	shalt  }
0x86: {  	_ =	shalt  }
0x87: {  	_ =	shalt  }
.Lfunc_end0:
.L_simem_size_0:
called_computation_lowered:
.L_overlay_start_0:
0x88: {  	s2 =	sld [smem:$0x3FD9]  }
0x89: {  	s3 =	sld [smem:$0x3FFE];
	_ =	sdelay $0x1  }
0x8a: {  	s1 =	srdreg.scid  }
0x8b: {  	s0 =	sand.u32 $0x1, s1  }
0x8c: {  	s14 =	sshll.u32 s0, $0xA;
	s2 =	sadd.s32 s3, s2  }
0x8d: {  	s2 =	sadd.s32 s2, s14  }
0x8e: {  	[smem:$0x3FC7] =	sst s2  }
0x8f: {  	_ = 	snop  }
0x90: {  	s2 =	sld [smem:$0x3FD0];
	_ =	sdelay $0x2  }
0x91: {  	s4 =	simm.s32 $0xA;
	s5 =	simm.s32 $0x10;
	s15 =	sld [smem:$0x3FC9]  }
0x92: {  	[smem:s5], [sflag:s4] =	dma.local [hbm:s2], $0x1  }
0x93: {  	_ =	swait.eq [sflag:s4], $0x1  }
0x94: {  	[sflag:s4] =	ssyncset.done $0x0  }
0x95: {  	s16 =	sld [smem:$0x10];
	[sflag:s4] =	ssyncadd.s32 $0xFFFFFFFF  }
0x96: {  	s17 =	sld [smem:$0x11];
	(tm) =	ssettm $0x1  }
0x97: {  	s18 =	sld [smem:$0x3FFB];
	_ =	sdelay $0x3  }
0x98: {  	_ =	strace s18  }
0x99: {  	s5 =	sld [smem:$0x3FFC];
	_ =	sdelay $0x3  }
0x9a: {  	_ =	strace s5  }
0x9b: {  	s5 =	sld [smem:$0x3FFD];
	_ =	sdelay $0x3  }
0x9c: {  	_ =	strace s5  }
0x9d: {  	_ =	strace $0x8FFFFFFF  }
0x9e: {  	s19 =	sld [smem:$0x3FDB];
	_ =	sdelay $0x1  }
0x9f: {  	s6 =	simm.s32 $_scs_section_size  }
0xa0: {  	s7 =	simm.s32 $_size__tile_overlayer_lowered;
	s8 =	simm.s32 $_tile_overlayer_lowered  }
0xa1: {  	s22 =	simm.s32 $0x1BFF;
	s21 =	sshll.u32 s8, $0x1;
	s5 =	sadd.s32 s6, s19  }
0xa2: {  	s9 =	simm.s32 $0x0;
	s20 =	sshll.u32 s7, $0x1;
	s7 =	sadd.s32 s21, s5  }
0xa3: {  	[timem:s9], [sflag:s22] =	dma.local [hbm:s7], s20  }
0xa4: {  	_ =	swait.ge [sflag:s22], s20  }
0xa5: {  	s6 =	ssub.s32 $0x0, s20;
	[sflag:s22] =	ssyncset.done $0x0  }
0xa6: {  	[sflag:s22] =	ssyncadd.s32 s6;
	_ =	sdelay $0x1  }
0xa7: {  	s23 =	simm.s32 $0x1B8B  }
0xa8: {  	_ =	swait.ge [sflag:s23], $0x1  }
0xa9: {  	[sflag:s23] =	ssyncset.done $0x0  }
0xaa: {  	s25 =	simm.s32 $0x1B8E;
	s24 =	sld [smem:$0x3FFE];
	[sflag:s23] =	ssyncadd.s32 $0xFFFFFFFF  }
0xab: {  	s26 =	simm.s32 $execute0_lowered;
	[smem:$0x3FD2] =	sst s25  }
0xac: {  	s7 =	sshll.u32 s26, $0x1;
	_ =	strace $0x80000046;
	[dreg:$0x1] =	wrdreg $0xFFFFFFFF  }
0xad: {  	s28 =	simm.s32 $_size_execute0_lowered;
	s5 =	sadd.s32 s5, s7;
	[dreg:$0x0] =	wrdreg $0x0  }
0xae: {  	s7 =	sshll.u32 s28, $0x1;
	[dreg:$0x2] =	wrdreg s5  }
0xaf: {  	[dreg:$0x3] =	wrdreg s7  }
0xb0: {  	[dreg:$0x4] =	wrdreg $0xC0  }
0xb1: {  	_ =	task [dreg:s9], $0x5FFFF  }
0xb2: {  	[dreg:$0x1] =	wrdreg $0xFFFFFFFF  }
0xb3: {  	[dreg:$0x0] =	wrdreg $0x60  }
0xb4: {  	[dreg:$0x2] =	wrdreg s15  }
0xb5: {  	[dreg:$0x3] =	wrdreg s16  }
0xb6: {  	[dreg:$0x4] =	wrdreg s17  }
0xb7: {  	[dreg:$0x5] =	wrdreg s24  }
0xb8: {  	[dreg:$0x6] =	wrdreg $0x9  }
0xb9: {  	_ =	task.clear_ibuf [dreg:s9], $0x7FFFF;
	_ =	strace $0x90000046  }
0xba: {  	s29 =	simm.s32 $0x9;
	_ =	strace $0x80000048  }
0xbb: {  	_ =	swait.ge [sflag:s29], $0x1  }
0xbc: {  	[sflag:s29] =	ssyncadd.s32 $0xFFFFFFFF  }
0xbd: {  	_ =	strace $0x90000048  }
0xbe: {  	_ =	sfence  }
0xbf: {  	s30 =	sld [smem:$0x0];
	_ =	sdelay $0x2  }
0xc0: {  	s31 =	sshll.u32 s1, $0xD;
	s1 =	sshrl.u32 s1, $0x2  }
0xc1: {  	s3 =	sand.u32 $0x4000, s31;
	s1 =	sadd.s32 s1, s30  }
0xc2: {  	s0 =	sor.u32 s3, s0;
	s1 =	sshll.u32 s1, $0x11  }
0xc3: {  	s0 =	sor.u32 s1, s0  }
0xc4: {  	s0 =	sadd.s32 $0x8F2B, s0  }
0xc5: {  	[sflag:s0] =	ssyncadd.remote.s32 $0x1  }
0xc6: {  	_ =	sfence.sel $0xFFFF  }
0xc7: {  	[dreg:$0x0] =	wrdreg $0xFFFFFFFF;
	(pc) =	sbr.abs _section_cstart, $3  }
0xc8: {  	[dreg:$0x1] =	wrdreg $0xFFFFFFFF  }
0xc9: {  	_ =	task.clear_ibuf [dreg:s9], $0x2FFFF;
	_ =	strace $0x9FFFFFFF  }
0xca: {  	(tm) =	ssettm $0x7FFFFFFF  }
0xcb: {  	_ =	shalt  }
tec
execute0_lowered:
.L_overlay_start_1:
0x0: {  	(tag) =	ssettag $0x1  }
0x1: {  	s2 =	rddreg [dreg:$0x0]  }
0x2: {  	s15 =	rddreg [dreg:$0x1]  }
0x3: {  	s0 =	rddreg [dreg:$0x2]  }
0x4: {  	s1 =	rddreg [dreg:$0x3];
	s3 =	simm.s32 $0x0  }
0x5: {  	s4 =	srdreg.scid;
	s14 =	stileid.u32;
	s30 =	simm.s32 $0x4  }
0x6: {  	s31 =	simm.s32 $0x1A000;
	[smem:$0x7FF] =	sst s3;
	s5 =	sadd.s32 $0x800, s1  }
0x7: {  	s19 =	sand.u32 $0x1, s4;
	s7 =	sshrl.u32 s14, $0x1;
	s10 =	sand.u32 $0x1, s14  }
0x8: {  	s13 =	sshll.u32 s14, $0x7;
	s21 =	sshll.u32 s14, $0x4;
	_ =	strace $0x80000047  }
0x9: {  	s4 =	ssub.s32 $0x2, s19;
	s6 =	sshll.u32 s19, $0x3;
	s1 =	sshll.u32 s19, $0x4  }
0xa: {  	s9 =	sshll.u32 s10, $0xE;
	s11 =	sshll.u32 s10, $0xF;
	s10 =	sshll.u32 s10, $0xC  }
0xb: {  	s19 =	simm.s32 $0x1;
	s8 =	sshrl.u32 s4, $0x1;
	s6 =	sor.u32 s7, s6  }
0xc: {  	s1 =	sor.u32 s14, s1;
	s23 =	sxor.u32 $0x8000, s11;
	s28 =	sadd.s32 $0x8080, s11  }
0xd: {  	s29 =	sadd.s32 $0x90F0, s11;
	s7 =	sshll.u32 s6, $0xF;
	s4 =	ssub.s32 s4, s8  }
0xe: {  	s6 =	sshll.u32 s6, $0xD;
	s12 =	sshll.u32 s1, $0xF;
	[dreg:$0xa] =	wrdreg s28  }
0xf: {  	s1 =	sshll.u32 s1, $0xC;
	[dreg:$0xb] =	wrdreg s29;
	s20 =	sor.u32 s9, s7  }
0x10: {  	s6 =	sor.u32 s10, s6;
	s12 =	sor.u32 s12, s13;
	s10 =	sand.u32 $0x70, s21  }
0x11: {  	s1 =	sand.u32 $0x18000, s1;
	s26 =	smax.u32 s4, $0x1;
	s21 =	simm.s32 $0x8000  }
0x12: {  	s4 =	simm.s32 $0x0;
	s9 =	sadd.s32 s2, s20;
	s7 =	sor.u32 $0x400, s20  }
0x13: {  	s8 =	sadd.s32 s15, s20;
	s12 =	sand.u32 $0xC0380, s12;
	s22 =	sadd.s32 s5, s10  }
0x14: {  	s14 =	sadd.s32 s0, s6;
	[dreg:$0x9] =	wrdreg s26;
	s20 =	simm.s32 $0x2000  }
0x15: {  	s0 =	simm.s32 $0x1B000;
	[dreg:$0x5] =	wrdreg s9;
	s9 =	sadd.s32 $0x800, s9  }
0x16: {  	s10 =	sxor.u32 $0x80, s12;
	s1 =	sadd.s32 s1, s22;
	s12 =	sadd.s32 $0x8000, s23  }
0x17: {  	s22 =	simm.s32 $0x4000;
	s23 =	simm.s32 $0x2;
	[dreg:$0x6] =	wrdreg s1  }
0x18: {  	s24 =	sshrl.u32 s10, $0x3;
	[dreg:$0x7] =	wrdreg s12;
	s25 =	sor.u32 $0x10000, s10  }
0x19: {  	v0 =	vimm.s32 $0x0;
	v1 =	vimm.s32 $0x1;
	s13 =	sadd.s32 s5, s24;
	[dreg:$0x8] =	wrdreg s25;
	s24 =	simm.s32 $0x6000  }
.LBB2_1:
0x1a: {  	s1 =	rddreg [dreg:$0x5]  }
0x1b: {  	[tilespmem:s3], [sflag:$0x1] =	stream.linear.gather [hbm4b:s1+s3], $0x2000, $0x38;
	[tilespmem:$0x1C000] =	vst v63  }
0x1c: {  	[dreg:$0xc] =	wrdreg s4;
	s1 =	simm.s32 $0x8100  }
0x1d: {  	[tilespmem:s1+$0xFFFFFF00] =	vst v0  }
0x1e: {  	[tilespmem:s1+$0xF0] =	vst v0  }
0x1f: {  	[tilespmem:s1+$0xE0] =	vst v0  }
0x20: {  	[tilespmem:s1+$0xD0] =	vst v0  }
0x21: {  	[tilespmem:s1+$0xC0] =	vst v0  }
0x22: {  	[tilespmem:s1+$0xB0] =	vst v0  }
0x23: {  	[tilespmem:s1+$0xA0] =	vst v0  }
0x24: {  	[tilespmem:s1+$0x90] =	vst v0  }
0x25: {  	[tilespmem:s1+$0x80] =	vst v0  }
0x26: {  	[tilespmem:s1+$0x70] =	vst v0  }
0x27: {  	[tilespmem:s1+$0x60] =	vst v0  }
0x28: {  	[tilespmem:s1+$0x50] =	vst v0  }
0x29: {  	[tilespmem:s1+$0x40] =	vst v0  }
0x2a: {  	[tilespmem:s1+$0x30] =	vst v0  }
0x2b: {  	[tilespmem:s1+$0x20] =	vst v0  }
0x2c: {  	[tilespmem:s1+$0x10] =	vst v0  }
0x2d: {  	[tilespmem:s1+$0x0] =	vst v0  }
0x2e: {  	[tilespmem:s1+$0xFFFFFFF0] =	vst v0  }
0x2f: {  	[tilespmem:s1+$0xFFFFFFE0] =	vst v0  }
0x30: {  	[tilespmem:s1+$0xFFFFFFD0] =	vst v0  }
0x31: {  	[tilespmem:s1+$0xFFFFFFC0] =	vst v0  }
0x32: {  	[tilespmem:s1+$0xFFFFFFB0] =	vst v0  }
0x33: {  	[tilespmem:s1+$0xFFFFFFA0] =	vst v0  }
0x34: {  	[tilespmem:s1+$0xFFFFFF90] =	vst v0  }
0x35: {  	[tilespmem:s1+$0xFFFFFF80] =	vst v0  }
0x36: {  	[tilespmem:s1+$0xFFFFFF70] =	vst v0  }
0x37: {  	[tilespmem:s1+$0xFFFFFF60] =	vst v0  }
0x38: {  	[tilespmem:s1+$0xFFFFFF50] =	vst v0  }
0x39: {  	[tilespmem:s1+$0xFFFFFF40] =	vst v0  }
0x3a: {  	[tilespmem:s1+$0xFFFFFF30] =	vst v0  }
0x3b: {  	s4 =	simm.s32 $0x0;
	[tilespmem:s1+$0xFFFFFF20] =	vst v0  }
.LBB2_2:
0x3c: {  	s4 =	sadd.s32 $0x2, s4;
	[tilespmem:s1+$0xFFFFFF10] =	vst v0;
	s1 =	sadd.s32 $0x200, s1  }
0x3d: {  	[tilespmem:s1+$0xFFFFFF00] =	vst v0;
	p0 =	slt.u32 s4, $0xFE  }
0x3e: {  	[tilespmem:s1+$0xF0] =	vst v0  }
0x3f: {  	[tilespmem:s1+$0xE0] =	vst v0  }
0x40: {  	[tilespmem:s1+$0xD0] =	vst v0  }
0x41: {  	[tilespmem:s1+$0xC0] =	vst v0  }
0x42: {  	[tilespmem:s1+$0xB0] =	vst v0  }
0x43: {  	[tilespmem:s1+$0xA0] =	vst v0  }
0x44: {  	[tilespmem:s1+$0x90] =	vst v0  }
0x45: {  	[tilespmem:s1+$0x80] =	vst v0  }
0x46: {  	[tilespmem:s1+$0x70] =	vst v0  }
0x47: {  	[tilespmem:s1+$0x60] =	vst v0  }
0x48: {  	[tilespmem:s1+$0x50] =	vst v0  }
0x49: {  	[tilespmem:s1+$0x40] =	vst v0  }
0x4a: {  	[tilespmem:s1+$0x30] =	vst v0  }
0x4b: {  	[tilespmem:s1+$0x20] =	vst v0  }
0x4c: {  	[tilespmem:s1+$0x10] =	vst v0  }
0x4d: {  	[tilespmem:s1+$0x0] =	vst v0  }
0x4e: {  	[tilespmem:s1+$0xFFFFFFF0] =	vst v0  }
0x4f: {  	[tilespmem:s1+$0xFFFFFFE0] =	vst v0  }
0x50: {  	[tilespmem:s1+$0xFFFFFFD0] =	vst v0  }
0x51: {  	[tilespmem:s1+$0xFFFFFFC0] =	vst v0  }
0x52: {  	[tilespmem:s1+$0xFFFFFFB0] =	vst v0  }
0x53: {  	[tilespmem:s1+$0xFFFFFFA0] =	vst v0  }
0x54: {  	[tilespmem:s1+$0xFFFFFF90] =	vst v0  }
0x55: {  	[tilespmem:s1+$0xFFFFFF80] =	vst v0  }
0x56: {  	[tilespmem:s1+$0xFFFFFF70] =	vst v0  }
.Ltmp0:
0x57: {  	[tilespmem:s1+$0xFFFFFF60] =	vst v0;
	(pc) =	sbr.rel @p0 .LBB2_2-.Ltmp0, $4  }
0x58: {  	[tilespmem:s1+$0xFFFFFF50] =	vst v0  }
0x59: {  	[tilespmem:s1+$0xFFFFFF40] =	vst v0  }
0x5a: {  	[tilespmem:s1+$0xFFFFFF30] =	vst v0  }
0x5b: {  	[tilespmem:s1+$0xFFFFFF20] =	vst v0  }
0x5c: {  	[tilespmem:s1+$0xFFFFFF10] =	vst v0;
	s25 =	simm.s32 $0x0  }
.LBB2_4:
0x5d: {  	s11 =	sshll.u32 s25, $0xB;
	_ =	swait.ge [sflag:s19], $0x2000  }
0x5e: {  	[sflag:s19] =	ssyncset.done $0x0;
	s26 =	sadd.s32 s7, s11  }
0x5f: {  	p0 =	seq.s32 s25, $0x0;
	[sflag:s19] =	ssyncadd.s32 $0xFFFFE000;
	s1 =	sadd.s32 s2, s26  }
0x60: {  	[tilespmem:s20], [sflag:$0x2] =	stream.linear.gather [hbm4b:s1+s3], $0x2000, $0x38;
	[tilespmem:$0x1C000] =	vst v63  }
0x61: {  	s1 =	simm.s32 @!p0 $0x3  }
0x62: {  	_ =	swait.ge @!p0 [sflag:s1], $0x2000  }
0x63: {  	[sflag:s1] =	ssyncset.done @!p0 $0x0  }
0x64: {  	s16 =	simm.s32 $0x100;
	[sflag:s1] =	ssyncadd.s32 @!p0 $0xFFFFE000  }
0x65: {  	v2 =	vld [tilespmem:s16+$0x80]  }
0x66: {  	v3 =	vld [tilespmem:s16+$0x0];
	_ =	sdelay $0x3  }
0x67: {  	v2 =	vmul.f32 $2.550000000e+02, v2  }
0x68: {  	v3 =	vmul.f32 $2.550000000e+02, v3  }
0x69: {  	v2 =	vtrunc.f32 v2  }
0x6a: {  	v4 =	vld [tilespmem:s16+$0xFFFFFF80];
	v3 =	vtrunc.f32 v3;
	v2 =	vcvt.f32.s32 v2  }
0x6b: {  	v5 =	vld [tilespmem:s16+$0xFFFFFF00];
	v3 =	vcvt.f32.s32 v3  }
0x6c: {  	v6 =	vshll.u32 v2, $0x8  }
0x6d: {  	v6 =	vadd.s32 v3, v6;
	_ =	sdelay $0x1  }
0x6e: {  	s12 =	simm.s32 $0x4100;
	v4 =	vmul.f32 $2.550000000e+02, v4  }
0x6f: {  	v5 =	vmul.f32 $2.550000000e+02, v5;
	[tilespmem:s12+$0x0] =	vst v3  }
0x70: {  	[tilespmem:s12+$0x80] =	vst v2;
	v3 =	vtrunc.f32 v4  }
0x71: {  	v2 =	vtrunc.f32 v5;
	v3 =	vcvt.f32.s32 v3;
	[tilespmem:v6+s21+$0x0] =	vst.idx.add.s32.msk $0xffff, v1  }
0x72: {  	v2 =	vcvt.f32.s32 v2;
	v4 =	vld [tilespmem:s16+$0x90]  }
0x73: {  	v6 =	vshll.u32 v3, $0x8;
	v5 =	vld [tilespmem:s16+$0x10]  }
0x74: {  	v6 =	vadd.s32 v2, v6;
	_ =	sdelay $0x2  }
0x75: {  	[tilespmem:s12+$0xFFFFFF00] =	vst v2;
	v2 =	vmul.f32 $2.550000000e+02, v4  }
0x76: {  	[tilespmem:s12+$0xFFFFFF80] =	vst v3;
	v3 =	vmul.f32 $2.550000000e+02, v5  }
0x77: {  	[tilespmem:v6+s21+$0x0] =	vst.idx.add.s32.msk $0xffff, v1;
	v2 =	vtrunc.f32 v2  }
0x78: {  	v4 =	vld [tilespmem:s16+$0xFFFFFF90];
	v3 =	vtrunc.f32 v3;
	v2 =	vcvt.f32.s32 v2  }
0x79: {  	v5 =	vld [tilespmem:s16+$0xFFFFFF10];
	v3 =	vcvt.f32.s32 v3  }
0x7a: {  	v6 =	vshll.u32 v2, $0x8  }
0x7b: {  	v6 =	vadd.s32 v3, v6;
	_ =	sdelay $0x1  }
0x7c: {  	v4 =	vmul.f32 $2.550000000e+02, v4  }
0x7d: {  	[tilespmem:s12+$0x10] =	vst v3;
	v3 =	vmul.f32 $2.550000000e+02, v5  }
0x7e: {  	[tilespmem:s12+$0x90] =	vst v2;
	v2 =	vtrunc.f32 v4  }
0x7f: {  	v3 =	vtrunc.f32 v3;
	v2 =	vcvt.f32.s32 v2;
	[tilespmem:v6+s21+$0x0] =	vst.idx.add.s32.msk $0xffff, v1  }
0x80: {  	v3 =	vcvt.f32.s32 v3;
	v4 =	vld [tilespmem:s16+$0xA0]  }
0x81: {  	v5 =	vshll.u32 v2, $0x8;
	v6 =	vld [tilespmem:s16+$0x20]  }
0x82: {  	v5 =	vadd.s32 v3, v5;
	_ =	sdelay $0x2  }
0x83: {  	[tilespmem:s12+$0xFFFFFF10] =	vst v3;
	v3 =	vmul.f32 $2.550000000e+02, v4  }
0x84: {  	[tilespmem:s12+$0xFFFFFF90] =	vst v2;
	v2 =	vmul.f32 $2.550000000e+02, v6  }
0x85: {  	[tilespmem:v5+s21+$0x0] =	vst.idx.add.s32.msk $0xffff, v1;
	v3 =	vtrunc.f32 v3  }
0x86: {  	v4 =	vld [tilespmem:s16+$0xFFFFFFA0];
	v2 =	vtrunc.f32 v2;
	v3 =	vcvt.f32.s32 v3  }
0x87: {  	v5 =	vld [tilespmem:s16+$0xFFFFFF20];
	v2 =	vcvt.f32.s32 v2  }
0x88: {  	v6 =	vshll.u32 v3, $0x8  }
0x89: {  	v6 =	vadd.s32 v2, v6  }
0x8a: {  	s18 =	simm.s32 $0x300  }
0x8b: {  	v7 =	vld [tilespmem:s18+$0x80];
	v4 =	vmul.f32 $2.550000000e+02, v4  }
0x8c: {  	[tilespmem:s12+$0x20] =	vst v2;
	v5 =	vmul.f32 $2.550000000e+02, v5;
	v2 =	vld [tilespmem:s18+$0x0]  }
0x8d: {  	[tilespmem:s12+$0xA0] =	vst v3;
	v4 =	vtrunc.f32 v4  }
0x8e: {  	v3 =	vtrunc.f32 v5;
	v4 =	vcvt.f32.s32 v4;
	[tilespmem:v6+s21+$0x0] =	vst.idx.add.s32.msk $0xffff, v1  }
0x8f: {  	v3 =	vcvt.f32.s32 v3;
	v5 =	vld [tilespmem:s16+$0xB0]  }
0x90: {  	v7 =	vmul.f32 $2.550000000e+02, v7;
	v8 =	vshll.u32 v4, $0x8;
	v6 =	vld [tilespmem:s16+$0x30]  }
0x91: {  	v2 =	vmul.f32 $2.550000000e+02, v2;
	v8 =	vadd.s32 v3, v8  }
0x92: {  	v7 =	vtrunc.f32 v7  }
0x93: {  	v9 =	vld [tilespmem:s18+$0xFFFFFF80];
	v7 =	vcvt.f32.s32 v7;
	v2 =	vtrunc.f32 v2  }
0x94: {  	[tilespmem:s12+$0xFFFFFF20] =	vst v3;
	v3 =	vld [tilespmem:s18+$0xFFFFFF00];
	v2 =	vcvt.f32.s32 v2;
	v5 =	vmul.f32 $2.550000000e+02, v5  }
0x95: {  	[tilespmem:s12+$0xFFFFFFA0] =	vst v4;
	v4 =	vmul.f32 $2.550000000e+02, v6;
	v6 =	vshll.u32 v7, $0x8  }
0x96: {  	[tilespmem:v8+s21+$0x0] =	vst.idx.add.s32.msk $0xffff, v1;
	v6 =	vadd.s32 v2, v6;
	v5 =	vtrunc.f32 v5  }
0x97: {  	v8 =	vld [tilespmem:s16+$0xFFFFFFB0];
	v4 =	vtrunc.f32 v4;
	v5 =	vcvt.f32.s32 v5  }
0x98: {  	s17 =	simm.s32 $0x4300;
	v10 =	vld [tilespmem:s16+$0xFFFFFF30];
	v4 =	vcvt.f32.s32 v4  }
0x99: {  	v9 =	vmul.f32 $2.550000000e+02, v9;
	[tilespmem:s17+$0x80] =	vst v7;
	v3 =	vmul.f32 $2.550000000e+02, v3;
	v11 =	vshll.u32 v5, $0x8  }
0x9a: {  	[tilespmem:s17+$0x0] =	vst v2;
	v2 =	vadd.s32 v4, v11  }
0x9b: {  	v7 =	vtrunc.f32 v9;
	v3 =	vtrunc.f32 v3;
	[tilespmem:v6+s21+$0x0] =	vst.idx.add.s32.msk $0xffff, v1  }
0x9c: {  	v6 =	vcvt.f32.s32 v7;
	v7 =	vmul.f32 $2.550000000e+02, v8;
	v8 =	vld [tilespmem:s18+$0x90]  }
0x9d: {  	v3 =	vcvt.f32.s32 v3;
	[tilespmem:s12+$0x30] =	vst v4;
	v4 =	vmul.f32 $2.550000000e+02, v10;
	v9 =	vld [tilespmem:s18+$0x10]  }
0x9e: {  	[tilespmem:s12+$0xB0] =	vst v5;
	v10 =	vshll.u32 v6, $0x8;
	v5 =	vtrunc.f32 v7  }
0x9f: {  	v7 =	vadd.s32 v3, v10;
	[tilespmem:v2+s21+$0x0] =	vst.idx.add.s32.msk $0xffff, v1;
	v2 =	vtrunc.f32 v4;
	v4 =	vcvt.f32.s32 v5  }
0xa0: {  	v2 =	vcvt.f32.s32 v2;
	v5 =	vld [tilespmem:s16+$0xC0]  }
0xa1: {  	v10 =	vld [tilespmem:s16+$0x40];
	v8 =	vmul.f32 $2.550000000e+02, v8;
	v11 =	vshll.u32 v4, $0x8  }
0xa2: {  	[tilespmem:s17+$0xFFFFFF00] =	vst v3;
	v9 =	vmul.f32 $2.550000000e+02, v9;
	v3 =	vadd.s32 v2, v11  }
0xa3: {  	[tilespmem:s17+$0xFFFFFF80] =	vst v6;
	v6 =	vtrunc.f32 v8  }
0xa4: {  	[tilespmem:v7+s21+$0x0] =	vst.idx.add.s32.msk $0xffff, v1;
	v7 =	vtrunc.f32 v9;
	v6 =	vcvt.f32.s32 v6  }
0xa5: {  	[tilespmem:s12+$0xFFFFFF30] =	vst v2;
	v8 =	vld [tilespmem:s18+$0xFFFFFF90];
	v2 =	vcvt.f32.s32 v7;
	v5 =	vmul.f32 $2.550000000e+02, v5  }
0xa6: {  	[tilespmem:s12+$0xFFFFFFB0] =	vst v4;
	v7 =	vld [tilespmem:s18+$0xFFFFFF10];
	v4 =	vmul.f32 $2.550000000e+02, v10;
	v9 =	vshll.u32 v6, $0x8  }
0xa7: {  	[tilespmem:v3+s21+$0x0] =	vst.idx.add.s32.msk $0xffff, v1;
	v3 =	vadd.s32 v2, v9;
	v5 =	vtrunc.f32 v5  }
0xa8: {  	v4 =	vtrunc.f32 v4;
	v5 =	vcvt.f32.s32 v5  }
0xa9: {  	v9 =	vld [tilespmem:s16+$0xFFFFFFC0];
	v4 =	vcvt.f32.s32 v4  }
0xaa: {  	[tilespmem:s17+$0x10] =	vst v2;
	v10 =	vld [tilespmem:s16+$0xFFFFFF40];
	v2 =	vshll.u32 v5, $0x8  }
0xab: {  	[tilespmem:s17+$0x90] =	vst v6;
	v8 =	vmul.f32 $2.550000000e+02, v8;
	v6 =	vmul.f32 $2.550000000e+02, v7;
	v2 =	vadd.s32 v4, v2  }
0xac: {  	[tilespmem:v3+s21+$0x0] =	vst.idx.add.s32.msk $0xffff, v1  }
0xad: {  	[tilespmem:s12+$0x40] =	vst v4;
	v4 =	vtrunc.f32 v6;
	v3 =	vtrunc.f32 v8;
	v8 =	vld [tilespmem:s18+$0xA0]  }
0xae: {  	v4 =	vcvt.f32.s32 v4;
	v3 =	vcvt.f32.s32 v3;
	v6 =	vld [tilespmem:s18+$0x20]  }
0xaf: {  	[tilespmem:s12+$0xC0] =	vst v5;
	v7 =	vmul.f32 $2.550000000e+02, v9;
	v5 =	vmul.f32 $2.550000000e+02, v10  }
0xb0: {  	v9 =	vshll.u32 v3, $0x8;
	[tilespmem:v2+s21+$0x0] =	vst.idx.add.s32.msk $0xffff, v1  }
0xb1: {  	v5 =	vtrunc.f32 v5;
	v2 =	vtrunc.f32 v7;
	v7 =	vadd.s32 v4, v9;
	v9 =	vld [tilespmem:s16+$0xD0]  }
0xb2: {  	v2 =	vcvt.f32.s32 v2;
	v10 =	vld [tilespmem:s16+$0x50];
	v8 =	vmul.f32 $2.550000000e+02, v8  }
0xb3: {  	v5 =	vcvt.f32.s32 v5;
	v6 =	vmul.f32 $2.550000000e+02, v6  }
0xb4: {  	[tilespmem:s17+$0xFFFFFF10] =	vst v4;
	v4 =	vshll.u32 v2, $0x8;
	v8 =	vtrunc.f32 v8  }
0xb5: {  	[tilespmem:s17+$0xFFFFFF90] =	vst v3;
	v3 =	vadd.s32 v5, v4;
	v4 =	vtrunc.f32 v6;
	v6 =	vcvt.f32.s32 v8  }
0xb6: {  	[tilespmem:v7+s21+$0x0] =	vst.idx.add.s32.msk $0xffff, v1;
	v4 =	vcvt.f32.s32 v4;
	v7 =	vmul.f32 $2.550000000e+02, v9  }
0xb7: {  	[tilespmem:s12+$0xFFFFFF40] =	vst v5;
	v8 =	vld [tilespmem:s18+$0xFFFFFFA0];
	v10 =	vmul.f32 $2.550000000e+02, v10;
	v9 =	vshll.u32 v6, $0x8  }
0xb8: {  	s6 =	simm.s32 $0x500;
	[tilespmem:s12+$0xFFFFFFC0] =	vst v2;
	v5 =	vld [tilespmem:s18+$0xFFFFFF20];
	v9 =	vadd.s32 v4, v9;
	v7 =	vtrunc.f32 v7  }
0xb9: {  	[tilespmem:s17+$0x20] =	vst v4;
	v2 =	vtrunc.f32 v10;
	v10 =	vld [tilespmem:s6+$0x0];
	v7 =	vcvt.f32.s32 v7  }
0xba: {  	[tilespmem:v3+s21+$0x0] =	vst.idx.add.s32.msk $0xffff, v1;
	v2 =	vcvt.f32.s32 v2  }
0xbb: {  	[tilespmem:s17+$0xA0] =	vst v6;
	v3 =	vld [tilespmem:s6+$0x80];
	v4 =	vshll.u32 v7, $0x8  }
0xbc: {  	v6 =	vmul.f32 $2.550000000e+02, v8;
	[tilespmem:s12+$0x50] =	vst v2;
	v4 =	vadd.s32 v2, v4;
	v2 =	vld [tilespmem:s16+$0xFFFFFFD0]  }
0xbd: {  	v5 =	vmul.f32 $2.550000000e+02, v5;
	[tilespmem:v9+s21+$0x0] =	vst.idx.add.s32.msk $0xffff, v1  }
0xbe: {  	v6 =	vtrunc.f32 v6;
	v8 =	vld [tilespmem:s18+$0x30]  }
0xbf: {  	[tilespmem:s12+$0xD0] =	vst v7;
	v5 =	vtrunc.f32 v5;
	v7 =	vmul.f32 $2.550000000e+02, v10;
	v9 =	vld [tilespmem:s18+$0xB0]  }
0xc0: {  	v6 =	vcvt.f32.s32 v6;
	v3 =	vmul.f32 $2.550000000e+02, v3  }
0xc1: {  	v5 =	vcvt.f32.s32 v5;
	[tilespmem:v4+s21+$0x0] =	vst.idx.add.s32.msk $0xffff, v1  }
0xc2: {  	v7 =	vtrunc.f32 v7;
	v3 =	vtrunc.f32 v3;
	v4 =	vshll.u32 v6, $0x8;
	v10 =	vld [tilespmem:s16+$0xE0]  }
0xc3: {  	v3 =	vcvt.f32.s32 v3;
	v2 =	vmul.f32 $2.550000000e+02, v2;
	v4 =	vadd.s32 v5, v4;
	v11 =	vld [tilespmem:s16+$0x60]  }
0xc4: {  	v12 =	vld [tilespmem:s6+$0xFFFFFF80];
	v8 =	vmul.f32 $2.550000000e+02, v8;
	v9 =	vmul.f32 $2.550000000e+02, v9  }
0xc5: {  	v7 =	vcvt.f32.s32 v7;
	v2 =	vtrunc.f32 v2  }
0xc6: {  	[tilespmem:s17+$0xFFFFFF20] =	vst v5;
	v5 =	vld [tilespmem:s6+$0xFFFFFF00];
	v13 =	vshll.u32 v3, $0x8;
	v8 =	vtrunc.f32 v8;
	v9 =	vtrunc.f32 v9  }
0xc7: {  	[tilespmem:s17+$0xFFFFFFA0] =	vst v6;
	v6 =	vadd.s32 v7, v13;
	v9 =	vcvt.f32.s32 v9;
	v10 =	vmul.f32 $2.550000000e+02, v10  }
0xc8: {  	[tilespmem:v4+s21+$0x0] =	vst.idx.add.s32.msk $0xffff, v1;
	v4 =	vcvt.f32.s32 v8;
	v8 =	vmul.f32 $2.550000000e+02, v11  }
0xc9: {  	s29 =	simm.s32 $0x4500;
	v11 =	vmul.f32 $2.550000000e+02, v12;
	v51 =	vld [tilespmem:s18+$0xFFFFFFB0];
	v52 =	vshll.u32 v9, $0x8;
	v10 =	vtrunc.f32 v10  }
0xca: {  	[tilespmem:s29+$0x0] =	vst v7;
	v15 =	vld [tilespmem:s18+$0xFFFFFF30];
	v7 =	vadd.s32 v4, v52;
	v8 =	vtrunc.f32 v8;
	v10 =	vcvt.f32.s32 v10  }
0xcb: {  	v14 =	vld [tilespmem:s16+$0xFFFFFF50];
	[tilespmem:s29+$0x80] =	vst v3;
	v5 =	vmul.f32 $2.550000000e+02, v5;
	v3 =	vcvt.f32.s32 v8  }
0xcc: {  	v2 =	vcvt.f32.s32 v2;
	[tilespmem:v6+s21+$0x0] =	vst.idx.add.s32.msk $0xffff, v1;
	v6 =	vshll.u32 v10, $0x8  }
0xcd: {  	v11 =	vtrunc.f32 v11;
	v5 =	vtrunc.f32 v5;
	[tilespmem:s17+$0x30] =	vst v4;
	v53 =	vld [tilespmem:s6+$0x10];
	v4 =	vadd.s32 v3, v6  }
0xce: {  	[tilespmem:s17+$0xB0] =	vst v9;
	v54 =	vld [tilespmem:s6+$0x90];
	v6 =	vcvt.f32.s32 v11;
	v11 =	vmul.f32 $2.550000000e+02, v51  }
0xcf: {  	v5 =	vcvt.f32.s32 v5;
	v9 =	vmul.f32 $2.550000000e+02, v15;
	[tilespmem:v7+s21+$0x0] =	vst.idx.add.s32.msk $0xffff, v1  }
0xd0: {  	v8 =	vmul.f32 $2.550000000e+02, v14;
	[tilespmem:s12+$0x60] =	vst v3;
	v7 =	vshll.u32 v6, $0x8;
	v11 =	vtrunc.f32 v11;
	v55 =	vld [tilespmem:s18+$0x40]  }
0xd1: {  	[tilespmem:s12+$0xE0] =	vst v10;
	v3 =	vadd.s32 v5, v7;
	v7 =	vtrunc.f32 v9;
	v9 =	vcvt.f32.s32 v11;
	v11 =	vld [tilespmem:s18+$0xC0]  }
0xd2: {  	v7 =	vcvt.f32.s32 v7;
	[tilespmem:v4+s21+$0x0] =	vst.idx.add.s32.msk $0xffff, v1  }
0xd3: {  	[tilespmem:s12+$0xFFFFFFD0] =	vst v2;
	v10 =	vmul.f32 $2.550000000e+02, v54;
	v4 =	vtrunc.f32 v8;
	v8 =	vshll.u32 v9, $0x8;
	v56 =	vld [tilespmem:s16+$0xF0]  }
0xd4: {  	[tilespmem:s29+$0xFFFFFF00] =	vst v5;
	v4 =	vcvt.f32.s32 v4;
	v5 =	vadd.s32 v7, v8;
	v8 =	vmul.f32 $2.550000000e+02, v53;
	v57 =	vld [tilespmem:s16+$0x70]  }
0xd5: {  	v2 =	vshll.u32 v2, $0x8;
	[tilespmem:s29+$0xFFFFFF80] =	vst v6;
	v6 =	vtrunc.f32 v10  }
0xd6: {  	v6 =	vcvt.f32.s32 v6;
	v2 =	vadd.s32 v4, v2;
	[tilespmem:v3+s21+$0x0] =	vst.idx.add.s32.msk $0xffff, v1;
	v3 =	vtrunc.f32 v8  }
0xd7: {  	[tilespmem:s17+$0xFFFFFF30] =	vst v7;
	v7 =	vmul.f32 $2.550000000e+02, v55;
	v8 =	vld [tilespmem:s6+$0xFFFFFF90];
	v3 =	vcvt.f32.s32 v3  }
0xd8: {  	[tilespmem:s17+$0xFFFFFFB0] =	vst v9;
	v9 =	vshll.u32 v6, $0x8;
	v11 =	vmul.f32 $2.550000000e+02, v11;
	v10 =	vld [tilespmem:s6+$0xFFFFFF10];
	v12 =	vmul.f32 $2.550000000e+02, v56  }
0xd9: {  	v7 =	vtrunc.f32 v7;
	[tilespmem:v5+s21+$0x0] =	vst.idx.add.s32.msk $0xffff, v1;
	v5 =	vadd.s32 v3, v9;
	v9 =	vmul.f32 $2.550000000e+02, v57  }
0xda: {  	[tilespmem:s12+$0xFFFFFF50] =	vst v4;
	v4 =	vtrunc.f32 v11;
	v58 =	vld [tilespmem:s18+$0xFFFFFFC0];
	v11 =	vtrunc.f32 v12  }
0xdb: {  	[tilespmem:v2+s21+$0x0] =	vst.idx.add.s32.msk $0xffff, v1;
	v2 =	vtrunc.f32 v9;
	v9 =	vcvt.f32.s32 v11  }
0xdc: {  	[tilespmem:s29+$0x10] =	vst v3;
	v3 =	vcvt.f32.s32 v4;
	v11 =	vld [tilespmem:s18+$0xFFFFFF40];
	v2 =	vcvt.f32.s32 v2  }
0xdd: {  	[tilespmem:s29+$0x90] =	vst v6;
	v6 =	vcvt.f32.s32 v7;
	v4 =	vld [tilespmem:s16+$0xFFFFFFE0];
	v8 =	vmul.f32 $2.550000000e+02, v8;
	v7 =	vshll.u32 v9, $0x8  }
0xde: {  	v10 =	vmul.f32 $2.550000000e+02, v10;
	[tilespmem:v5+s21+$0x0] =	vst.idx.add.s32.msk $0xffff, v1;
	v5 =	vshll.u32 v3, $0x8;
	v7 =	vadd.s32 v2, v7  }
0xdf: {  	[tilespmem:s17+$0x40] =	vst v6;
	v5 =	vadd.s32 v6, v5  }
0xe0: {  	[tilespmem:s17+$0xC0] =	vst v3;
	v8 =	vtrunc.f32 v8;
	v10 =	vtrunc.f32 v10;
	v6 =	vld [tilespmem:s16+$0xFFFFFF60]  }
0xe1: {  	[tilespmem:s12+$0x70] =	vst v2;
	v8 =	vcvt.f32.s32 v8;
	v3 =	vmul.f32 $2.550000000e+02, v58;
	v59 =	vld [tilespmem:s6+$0xA0]  }
0xe2: {  	[tilespmem:s12+$0xF0] =	vst v9;
	v10 =	vcvt.f32.s32 v10;
	v60 =	vld [tilespmem:s6+$0x20];
	v2 =	vmul.f32 $2.550000000e+02, v11  }
0xe3: {  	v11 =	vshll.u32 v8, $0x8;
	v3 =	vtrunc.f32 v3;
	v4 =	vmul.f32 $2.550000000e+02, v4;
	[tilespmem:v7+s21+$0x0] =	vst.idx.add.s32.msk $0xffff, v1  }
0xe4: {  	v9 =	vadd.s32 v10, v11;
	v3 =	vcvt.f32.s32 v3;
	v2 =	vtrunc.f32 v2;
	[tilespmem:v5+s21+$0x0] =	vst.idx.add.s32.msk $0xffff, v1  }
0xe5: {  	[tilespmem:s29+$0xFFFFFF10] =	vst v10;
	v4 =	vtrunc.f32 v4;
	v2 =	vcvt.f32.s32 v2;
	v5 =	vld [tilespmem:s18+$0xD0]  }
0xe6: {  	[tilespmem:s29+$0xFFFFFF90] =	vst v8;
	v6 =	vmul.f32 $2.550000000e+02, v6;
	v7 =	vshll.u32 v3, $0x8;
	v8 =	vmul.f32 $2.550000000e+02, v59;
	v10 =	vld [tilespmem:s18+$0x50]  }
0xe7: {  	v4 =	vcvt.f32.s32 v4;
	v11 =	vadd.s32 v2, v7;
	v7 =	vmul.f32 $2.550000000e+02, v60  }
0xe8: {  	v6 =	vtrunc.f32 v6;
	v8 =	vtrunc.f32 v8;
	[tilespmem:s17+$0xFFFFFF40] =	vst v2  }
0xe9: {  	[tilespmem:v9+s21+$0x0] =	vst.idx.add.s32.msk $0xffff, v1;
	v6 =	vcvt.f32.s32 v6;
	v2 =	vtrunc.f32 v7  }
0xea: {  	v61 =	vld [tilespmem:s6+$0xFFFFFFA0];
	v7 =	vcvt.f32.s32 v8;
	v5 =	vmul.f32 $2.550000000e+02, v5  }
0xeb: {  	[tilespmem:s17+$0xFFFFFFC0] =	vst v3;
	v62 =	vshll.u32 v4, $0x8;
	v9 =	vld [tilespmem:s6+$0xFFFFFF20];
	v8 =	vcvt.f32.s32 v2;
	v3 =	vmul.f32 $2.550000000e+02, v10  }
0xec: {  	v2 =	vadd.s32 v6, v62;
	[tilespmem:s12+$0xFFFFFF60] =	vst v6;
	v6 =	vshll.u32 v7, $0x8;
	v10 =	vtrunc.f32 v5  }
0xed: {  	[tilespmem:v11+s21+$0x0] =	vst.idx.add.s32.msk $0xffff, v1;
	v63 =	vtrunc.f32 v3;
	v3 =	vcvt.f32.s32 v10;
	v10 =	vadd.s32 v8, v6  }
0xee: {  	v5 =	vld [tilespmem:s18+$0xFFFFFFD0]  }
0xef: {  	s4 =	simm.s32 $0x4;
	s28 =	simm.s32 $0x4500;
	s1 =	simm.s32 $0x700;
	[tilespmem:s12+$0xFFFFFFE0] =	vst v4;
	v6 =	vld [tilespmem:s18+$0xFFFFFF50];
	v11 =	vmul.f32 $2.550000000e+02, v61;
	v4 =	vcvt.f32.s32 v63  }
.LBB2_5:
0xf0: {  	v12 =	vld [tilespmem:s1+$0x80];
	v9 =	vmul.f32 $2.550000000e+02, v9;
	[tilespmem:s29+$0x20] =	vst v8;
	v8 =	vshll.u32 v3, $0x8  }
0xf1: {  	v13 =	vld [tilespmem:s1+$0x0];
	v11 =	vtrunc.f32 v11;
	[tilespmem:s29+$0xA0] =	vst v7;
	v7 =	vadd.s32 v4, v8  }
0xf2: {  	v8 =	vtrunc.f32 v9;
	v9 =	vcvt.f32.s32 v11;
	[tilespmem:v10+s21+$0x0] =	vst.idx.add.s32.msk $0xffff, v1  }
0xf3: {  	v5 =	vmul.f32 $2.550000000e+02, v5;
	v8 =	vcvt.f32.s32 v8;
	v10 =	vld [tilespmem:s6+$0x30]  }
0xf4: {  	v6 =	vmul.f32 $2.550000000e+02, v6;
	v11 =	vshll.u32 v9, $0x8;
	v14 =	vld [tilespmem:s6+$0xB0];
	[tilespmem:s17+$0x50] =	vst v4  }
0xf5: {  	v5 =	vtrunc.f32 v5;
	v4 =	vld [tilespmem:s1+$0xFFFFFF80];
	v12 =	vmul.f32 $2.550000000e+02, v12;
	v11 =	vadd.s32 v8, v11;
	[tilespmem:s17+$0xD0] =	vst v3  }
0xf6: {  	v5 =	vcvt.f32.s32 v5;
	v3 =	vmul.f32 $2.550000000e+02, v13;
	[tilespmem:v7+s21+$0x0] =	vst.idx.add.s32.msk $0xffff, v1  }
0xf7: {  	v6 =	vtrunc.f32 v6;
	v7 =	vtrunc.f32 v12;
	[tilespmem:s29+$0xFFFFFF20] =	vst v8;
	v8 =	vld [tilespmem:s18+$0xE0]  }
0xf8: {  	v3 =	vtrunc.f32 v3;
	v7 =	vcvt.f32.s32 v7;
	[tilespmem:s29+$0xFFFFFFA0] =	vst v9;
	v9 =	vshll.u32 v5, $0x8;
	v12 =	vld [tilespmem:s18+$0x60]  }
0xf9: {  	s4 =	sadd.s32 $0x2, s4;
	v10 =	vmul.f32 $2.550000000e+02, v10;
	v13 =	vld [tilespmem:s1+$0xFFFFFF00];
	v14 =	vmul.f32 $2.550000000e+02, v14;
	[tilespmem:s17+$0xFFFFFFD0] =	vst v5  }
0xfa: {  	p0 =	slt.u32 s4, $0x1E;
	v3 =	vcvt.f32.s32 v3;
	v4 =	vmul.f32 $2.550000000e+02, v4;
	[tilespmem:v11+s21+$0x0] =	vst.idx.add.s32.msk $0xffff, v1  }
0xfb: {  	v5 =	vshll.u32 v7, $0x8;
	v10 =	vtrunc.f32 v10;
	v11 =	vld [tilespmem:s6+$0xFFFFFFB0];
	v14 =	vtrunc.f32 v14  }
0xfc: {  	v5 =	vadd.s32 v3, v5;
	v15 =	vld [tilespmem:s6+$0xFFFFFF30];
	v14 =	vcvt.f32.s32 v14;
	v8 =	vmul.f32 $2.550000000e+02, v8  }
0xfd: {  	v10 =	vcvt.f32.s32 v10;
	v12 =	vmul.f32 $2.550000000e+02, v12;
	[tilespmem:v2+s21+$0x0] =	vst.idx.add.s32.msk $0xffff, v1  }
0xfe: {  	s29 =	sadd.s32 $0x200, s29;
	v2 =	vmul.f32 $2.550000000e+02, v13;
	v13 =	vshll.u32 v14, $0x8;
	v8 =	vtrunc.f32 v8;
	v16 =	vld [tilespmem:s16+$0xFFFFFFF0]  }
0xff: {  	[tilespmem:s29+$0x0] =	vst v3;
	v3 =	vadd.s32 v10, v13;
	v12 =	vtrunc.f32 v12;
	v8 =	vcvt.f32.s32 v8;
	v13 =	vld [tilespmem:s16+$0xFFFFFF70];
	s16 =	smov.u32 s18;
	s18 =	smov.u32 s6;
	s6 =	smov.u32 s1  }
0x100: {  	v4 =	vtrunc.f32 v4;
	[tilespmem:s29+$0x80] =	vst v7;
	v7 =	vcvt.f32.s32 v12  }
0x101: {  	v2 =	vtrunc.f32 v2;
	v12 =	vcvt.f32.s32 v4;
	[tilespmem:v5+s21+$0x0] =	vst.idx.add.s32.msk $0xffff, v1;
	v4 =	vshll.u32 v8, $0x8  }
0x102: {  	v11 =	vmul.f32 $2.550000000e+02, v11;
	v2 =	vcvt.f32.s32 v2;
	v5 =	vld [tilespmem:s1+$0x10];
	[tilespmem:s28+$0x30] =	vst v10;
	v4 =	vadd.s32 v7, v4  }
0x103: {  	v6 =	vcvt.f32.s32 v6;
	v15 =	vmul.f32 $2.550000000e+02, v15;
	v10 =	vshll.u32 v12, $0x8;
	v17 =	vld [tilespmem:s1+$0x90];
	[tilespmem:s28+$0xB0] =	vst v14  }
0x104: {  	v11 =	vtrunc.f32 v11;
	v10 =	vadd.s32 v2, v10;
	[tilespmem:v3+s21+$0x0] =	vst.idx.add.s32.msk $0xffff, v1;
	v3 =	vmul.f32 $2.550000000e+02, v16  }
0x105: {  	v9 =	vadd.s32 v6, v9;
	v14 =	vtrunc.f32 v15;
	v11 =	vcvt.f32.s32 v11;
	v15 =	vld [tilespmem:s18+$0x40];
	[tilespmem:s17+$0x60] =	vst v7  }
0x106: {  	v7 =	vcvt.f32.s32 v14;
	v14 =	vld [tilespmem:s18+$0xC0];
	[tilespmem:s17+$0xE0] =	vst v8;
	v8 =	vmul.f32 $2.550000000e+02, v13  }
0x107: {  	v13 =	vshll.u32 v11, $0x8;
	v3 =	vtrunc.f32 v3;
	[tilespmem:v4+s21+$0x0] =	vst.idx.add.s32.msk $0xffff, v1  }
0x108: {  	v13 =	vadd.s32 v7, v13;
	v4 =	vcvt.f32.s32 v3;
	[tilespmem:s29+$0xFFFFFF00] =	vst v2;
	v2 =	vmul.f32 $2.550000000e+02, v17;
	v16 =	vld [tilespmem:s16+$0xF0]  }
0x109: {  	v3 =	vmul.f32 $2.550000000e+02, v5;
	v8 =	vtrunc.f32 v8;
	[tilespmem:s29+$0xFFFFFF80] =	vst v12;
	v5 =	vld [tilespmem:s16+$0x70]  }
0x10a: {  	v8 =	vcvt.f32.s32 v8;
	[tilespmem:v10+s21+$0x0] =	vst.idx.add.s32.msk $0xffff, v1;
	v2 =	vtrunc.f32 v2;
	v10 =	vshll.u32 v4, $0x8  }
0x10b: {  	v3 =	vtrunc.f32 v3;
	v12 =	vld [tilespmem:s1+$0xFFFFFF90];
	v2 =	vcvt.f32.s32 v2;
	[tilespmem:s28+$0xFFFFFF30] =	vst v7  }
0x10c: {  	v3 =	vcvt.f32.s32 v3;
	v7 =	vld [tilespmem:s1+$0xFFFFFF10];
	[tilespmem:s28+$0xFFFFFFB0] =	vst v11;
	v11 =	vmul.f32 $2.550000000e+02, v15;
	v15 =	vadd.s32 v8, v10  }
0x10d: {  	v10 =	vshll.u32 v2, $0x8;
	[tilespmem:v13+s21+$0x0] =	vst.idx.add.s32.msk $0xffff, v1;
	v13 =	vmul.f32 $2.550000000e+02, v14;
	v14 =	vmul.f32 $2.550000000e+02, v16  }
0x10e: {  	v10 =	vadd.s32 v3, v10;
	v16 =	vld [tilespmem:s18+$0xFFFFFFC0];
	v11 =	vtrunc.f32 v11;
	[tilespmem:s17+$0xFFFFFF50] =	vst v6;
	v5 =	vmul.f32 $2.550000000e+02, v5  }
0x10f: {  	v6 =	vld [tilespmem:s18+$0xFFFFFF40];
	v13 =	vtrunc.f32 v13;
	v14 =	vtrunc.f32 v14;
	[tilespmem:s12+$0xFFFFFF70] =	vst v8  }
0x110: {  	[tilespmem:v9+s21+$0x0] =	vst.idx.add.s32.msk $0xffff, v1;
	v5 =	vtrunc.f32 v5;
	v8 =	vcvt.f32.s32 v14  }
0x111: {  	[tilespmem:s29+$0x10] =	vst v3;
	v3 =	vcvt.f32.s32 v13;
	v9 =	vld [tilespmem:s16+$0xFFFFFFE0];
	v5 =	vcvt.f32.s32 v5  }
0x112: {  	v12 =	vmul.f32 $2.550000000e+02, v12;
	[tilespmem:s29+$0x90] =	vst v2;
	v2 =	vcvt.f32.s32 v11;
	v11 =	vld [tilespmem:s16+$0xFFFFFF60];
	v13 =	vshll.u32 v8, $0x8  }
0x113: {  	v7 =	vmul.f32 $2.550000000e+02, v7;
	[tilespmem:v10+s21+$0x0] =	vst.idx.add.s32.msk $0xffff, v1;
	v10 =	vshll.u32 v3, $0x8;
	v13 =	vadd.s32 v5, v13  }
0x114: {  	v12 =	vtrunc.f32 v12;
	v14 =	vmul.f32 $2.550000000e+02, v16;
	[tilespmem:s28+$0x40] =	vst v2;
	v2 =	vadd.s32 v2, v10  }
0x115: {  	v7 =	vtrunc.f32 v7;
	v10 =	vcvt.f32.s32 v12;
	[tilespmem:s28+$0xC0] =	vst v3  }
0x116: {  	v6 =	vmul.f32 $2.550000000e+02, v6;
	v3 =	vcvt.f32.s32 v7;
	v7 =	vld [tilespmem:s1+$0xA0];
	[tilespmem:s17+$0x70] =	vst v5  }
0x117: {  	v14 =	vtrunc.f32 v14;
	v5 =	vshll.u32 v10, $0x8;
	v9 =	vmul.f32 $2.550000000e+02, v9;
	v12 =	vld [tilespmem:s1+$0x20];
	[tilespmem:s17+$0xF0] =	vst v8  }
0x118: {  	v6 =	vtrunc.f32 v6;
	v5 =	vadd.s32 v3, v5;
	v8 =	vcvt.f32.s32 v14;
	[tilespmem:v13+s21+$0x0] =	vst.idx.add.s32.msk $0xffff, v1  }
0x119: {  	v6 =	vcvt.f32.s32 v6;
	[tilespmem:v2+s21+$0x0] =	vst.idx.add.s32.msk $0xffff, v1;
	v2 =	vmul.f32 $2.550000000e+02, v11  }
0x11a: {  	v9 =	vtrunc.f32 v9;
	[tilespmem:s29+$0xFFFFFF10] =	vst v3;
	v3 =	vshll.u32 v8, $0x8;
	v11 =	vld [tilespmem:s18+$0xD0]  }
0x11b: {  	v13 =	vcvt.f32.s32 v9;
	[tilespmem:s29+$0xFFFFFF90] =	vst v10;
	v7 =	vmul.f32 $2.550000000e+02, v7;
	v3 =	vadd.s32 v6, v3;
	v10 =	vld [tilespmem:s18+$0x50]  }
0x11c: {  	v2 =	vtrunc.f32 v2;
	v9 =	vmul.f32 $2.550000000e+02, v12;
	[tilespmem:s28+$0xFFFFFF40] =	vst v6  }
0x11d: {  	v2 =	vcvt.f32.s32 v2;
	v6 =	vshll.u32 v13, $0x8;
	[tilespmem:v5+s21+$0x0] =	vst.idx.add.s32.msk $0xffff, v1;
	v5 =	vtrunc.f32 v7  }
0x11e: {  	v12 =	vld [tilespmem:s1+$0xFFFFFFA0];
	v14 =	vtrunc.f32 v9;
	v7 =	vcvt.f32.s32 v5;
	[tilespmem:s28+$0xFFFFFFC0] =	vst v8  }
.Ltmp1:
0x11f: {  	v9 =	vld [tilespmem:s1+$0xFFFFFF20];
	v8 =	vcvt.f32.s32 v14;
	v11 =	vmul.f32 $2.550000000e+02, v11;
	[tilespmem:s17+$0xFFFFFF60] =	vst v2;
	v2 =	vadd.s32 v2, v6;
	(pc) =	sbr.rel @p0 .LBB2_5-.Ltmp1, $4  }
0x120: {  	v5 =	vshll.u32 v7, $0x8;
	[tilespmem:v3+s21+$0x0] =	vst.idx.add.s32.msk $0xffff, v1;
	v3 =	vmul.f32 $2.550000000e+02, v10  }
0x121: {  	v10 =	vadd.s32 v8, v5;
	v5 =	vld [tilespmem:s18+$0xFFFFFFD0];
	v11 =	vtrunc.f32 v11;
	[tilespmem:s17+$0xFFFFFFE0] =	vst v13  }
0x122: {  	v6 =	vld [tilespmem:s18+$0xFFFFFF50];
	v13 =	vtrunc.f32 v3;
	v3 =	vcvt.f32.s32 v11;
	[tilespmem:s12+$0xFFFFFFF0] =	vst v4;
	s12 =	smov.u32 s17;
	s17 =	smov.u32 s28;
	s28 =	smov.u32 s29  }
0x123: {  	s1 =	sadd.s32 $0x200, s1;
	v11 =	vmul.f32 $2.550000000e+02, v12;
	v4 =	vcvt.f32.s32 v13;
	[tilespmem:v15+s21+$0x0] =	vst.idx.add.s32.msk $0xffff, v1  }
0x124: {  	v9 =	vmul.f32 $2.550000000e+02, v9  }
0x125: {  	v11 =	vtrunc.f32 v11  }
0x126: {  	v9 =	vtrunc.f32 v9;
	v11 =	vcvt.f32.s32 v11  }
0x127: {  	[tilespmem:s29+$0x20] =	vst v8;
	v8 =	vcvt.f32.s32 v9  }
0x128: {  	[tilespmem:s29+$0xA0] =	vst v7;
	v7 =	vshll.u32 v11, $0x8  }
0x129: {  	[tilespmem:v10+s21+$0x0] =	vst.idx.add.s32.msk $0xffff, v1;
	v7 =	vadd.s32 v8, v7  }
0x12a: {  	v9 =	vld [tilespmem:s6+$0xB0]  }
0x12b: {  	v10 =	vld [tilespmem:s6+$0x30]  }
0x12c: {  	[tilespmem:s29+$0xFFFFFFA0] =	vst v11  }
0x12d: {  	[tilespmem:s29+$0xFFFFFF20] =	vst v8  }
0x12e: {  	[tilespmem:v7+s21+$0x0] =	vst.idx.add.s32.msk $0xffff, v1  }
0x12f: {  	v7 =	vmul.f32 $2.550000000e+02, v9;
	v8 =	vld [tilespmem:s6+$0xFFFFFFB0]  }
0x130: {  	v9 =	vmul.f32 $2.550000000e+02, v10;
	v10 =	vld [tilespmem:s6+$0xFFFFFF30]  }
0x131: {  	v7 =	vtrunc.f32 v7  }
0x132: {  	v9 =	vtrunc.f32 v9;
	v7 =	vcvt.f32.s32 v7  }
0x133: {  	v9 =	vcvt.f32.s32 v9  }
0x134: {  	v11 =	vshll.u32 v7, $0x8;
	v8 =	vmul.f32 $2.550000000e+02, v8  }
0x135: {  	v11 =	vadd.s32 v9, v11;
	v10 =	vmul.f32 $2.550000000e+02, v10  }
0x136: {  	v8 =	vtrunc.f32 v8  }
0x137: {  	v10 =	vtrunc.f32 v10;
	v8 =	vcvt.f32.s32 v8  }
0x138: {  	[tilespmem:s28+$0x30] =	vst v9;
	v9 =	vcvt.f32.s32 v10  }
0x139: {  	[tilespmem:s28+$0xB0] =	vst v7;
	v7 =	vshll.u32 v8, $0x8  }
0x13a: {  	[tilespmem:v11+s21+$0x0] =	vst.idx.add.s32.msk $0xffff, v1;
	v7 =	vadd.s32 v9, v7  }
0x13b: {  	v10 =	vld [tilespmem:s6+$0xC0]  }
0x13c: {  	v11 =	vld [tilespmem:s6+$0x40]  }
0x13d: {  	[tilespmem:s28+$0xFFFFFF30] =	vst v9  }
0x13e: {  	[tilespmem:s28+$0xFFFFFFB0] =	vst v8  }
0x13f: {  	[tilespmem:v7+s21+$0x0] =	vst.idx.add.s32.msk $0xffff, v1  }
0x140: {  	v7 =	vmul.f32 $2.550000000e+02, v10;
	v8 =	vld [tilespmem:s6+$0xFFFFFFC0]  }
0x141: {  	v9 =	vmul.f32 $2.550000000e+02, v11;
	v10 =	vld [tilespmem:s6+$0xFFFFFF40]  }
0x142: {  	v7 =	vtrunc.f32 v7  }
0x143: {  	v9 =	vtrunc.f32 v9;
	v7 =	vcvt.f32.s32 v7  }
0x144: {  	v9 =	vcvt.f32.s32 v9  }
0x145: {  	v11 =	vshll.u32 v7, $0x8;
	v8 =	vmul.f32 $2.550000000e+02, v8  }
0x146: {  	v11 =	vadd.s32 v9, v11;
	v10 =	vmul.f32 $2.550000000e+02, v10  }
0x147: {  	v8 =	vtrunc.f32 v8  }
0x148: {  	v10 =	vtrunc.f32 v10;
	v8 =	vcvt.f32.s32 v8  }
0x149: {  	[tilespmem:s28+$0x40] =	vst v9;
	v9 =	vcvt.f32.s32 v10  }
0x14a: {  	[tilespmem:s28+$0xC0] =	vst v7;
	v7 =	vshll.u32 v8, $0x8  }
0x14b: {  	[tilespmem:v11+s21+$0x0] =	vst.idx.add.s32.msk $0xffff, v1;
	v7 =	vadd.s32 v9, v7  }
0x14c: {  	v10 =	vld [tilespmem:s6+$0xD0]  }
0x14d: {  	v5 =	vmul.f32 $2.550000000e+02, v5;
	v11 =	vld [tilespmem:s6+$0x50]  }
0x14e: {  	v6 =	vmul.f32 $2.550000000e+02, v6;
	[tilespmem:s28+$0xFFFFFF40] =	vst v9;
	v9 =	vshll.u32 v3, $0x8  }
0x14f: {  	v5 =	vtrunc.f32 v5;
	[tilespmem:s28+$0xFFFFFFC0] =	vst v8;
	v8 =	vadd.s32 v4, v9  }
0x150: {  	v5 =	vcvt.f32.s32 v5;
	v6 =	vtrunc.f32 v6;
	[tilespmem:v7+s21+$0x0] =	vst.idx.add.s32.msk $0xffff, v1  }
0x151: {  	v6 =	vcvt.f32.s32 v6;
	v7 =	vmul.f32 $2.550000000e+02, v10;
	v9 =	vld [tilespmem:s6+$0xFFFFFFD0]  }
0x152: {  	[tilespmem:s17+$0xD0] =	vst v3;
	v10 =	vshll.u32 v5, $0x8;
	v11 =	vmul.f32 $2.550000000e+02, v11;
	v12 =	vld [tilespmem:s6+$0xFFFFFF50]  }
0x153: {  	[tilespmem:s17+$0x50] =	vst v4;
	v4 =	vadd.s32 v6, v10;
	v7 =	vtrunc.f32 v7  }
0x154: {  	[tilespmem:v8+s21+$0x0] =	vst.idx.add.s32.msk $0xffff, v1;
	v3 =	vtrunc.f32 v11;
	v7 =	vcvt.f32.s32 v7  }
0x155: {  	v8 =	vld [tilespmem:s18+$0xE0];
	v3 =	vcvt.f32.s32 v3  }
0x156: {  	[tilespmem:s17+$0xFFFFFFD0] =	vst v5;
	v10 =	vld [tilespmem:s18+$0x60];
	v5 =	vshll.u32 v7, $0x8;
	v9 =	vmul.f32 $2.550000000e+02, v9  }
0x157: {  	[tilespmem:s17+$0xFFFFFF50] =	vst v6;
	v5 =	vadd.s32 v3, v5;
	v6 =	vmul.f32 $2.550000000e+02, v12  }
0x158: {  	[tilespmem:v4+s21+$0x0] =	vst.idx.add.s32.msk $0xffff, v1;
	v4 =	vtrunc.f32 v9  }
0x159: {  	v9 =	vld [tilespmem:s18+$0xFFFFFFE0];
	v6 =	vtrunc.f32 v6;
	v4 =	vcvt.f32.s32 v4  }
0x15a: {  	[tilespmem:s28+$0x50] =	vst v3;
	v3 =	vcvt.f32.s32 v6  }
0x15b: {  	[tilespmem:s28+$0xD0] =	vst v7;
	v10 =	vmul.f32 $2.550000000e+02, v10;
	v6 =	vmul.f32 $2.550000000e+02, v8;
	v8 =	vld [tilespmem:s18+$0xFFFFFF60];
	v7 =	vshll.u32 v4, $0x8  }
0x15c: {  	[tilespmem:v5+s21+$0x0] =	vst.idx.add.s32.msk $0xffff, v1;
	v5 =	vadd.s32 v3, v7  }
0x15d: {  	v10 =	vtrunc.f32 v10;
	v7 =	vld [tilespmem:s6+$0xE0]  }
0x15e: {  	v6 =	vtrunc.f32 v6;
	v11 =	vld [tilespmem:s6+$0x60];
	v9 =	vmul.f32 $2.550000000e+02, v9  }
0x15f: {  	v10 =	vcvt.f32.s32 v10;
	[tilespmem:s28+$0xFFFFFFD0] =	vst v4;
	v6 =	vcvt.f32.s32 v6  }
0x160: {  	[tilespmem:s28+$0xFFFFFF50] =	vst v3;
	v4 =	vmul.f32 $2.550000000e+02, v8;
	v8 =	vtrunc.f32 v9  }
0x161: {  	v3 =	vshll.u32 v6, $0x8;
	v8 =	vcvt.f32.s32 v8;
	[tilespmem:v5+s21+$0x0] =	vst.idx.add.s32.msk $0xffff, v1  }
0x162: {  	v3 =	vadd.s32 v10, v3;
	v4 =	vtrunc.f32 v4;
	v5 =	vmul.f32 $2.550000000e+02, v7;
	v7 =	vld [tilespmem:s6+$0xFFFFFFE0]  }
0x163: {  	v4 =	vcvt.f32.s32 v4;
	v9 =	vmul.f32 $2.550000000e+02, v11;
	v11 =	vld [tilespmem:s6+$0xFFFFFF60]  }
0x164: {  	[tilespmem:v2+s21+$0x0] =	vst.idx.add.s32.msk $0xffff, v1;
	v2 =	vshll.u32 v8, $0x8;
	v5 =	vtrunc.f32 v5  }
0x165: {  	v47 =	vld [tilespmem:s16+$0xFFFFFFF0];
	[tilespmem:s17+$0x60] =	vst v10;
	v2 =	vadd.s32 v4, v2;
	v9 =	vtrunc.f32 v9;
	v5 =	vcvt.f32.s32 v5  }
0x166: {  	[tilespmem:s17+$0xE0] =	vst v6;
	v10 =	vld [tilespmem:s16+$0xFFFFFF70];
	v6 =	vcvt.f32.s32 v9  }
0x167: {  	[tilespmem:v3+s21+$0x0] =	vst.idx.add.s32.msk $0xffff, v1;
	v3 =	vshll.u32 v5, $0x8;
	v7 =	vmul.f32 $2.550000000e+02, v7  }
0x168: {  	[tilespmem:s17+$0xFFFFFF60] =	vst v4;
	v9 =	vld [tilespmem:s18+$0xF0];
	v3 =	vadd.s32 v6, v3;
	v4 =	vmul.f32 $2.550000000e+02, v11  }
0x169: {  	[tilespmem:s17+$0xFFFFFFE0] =	vst v8;
	v11 =	vld [tilespmem:s18+$0x70];
	v7 =	vtrunc.f32 v7  }
0x16a: {  	[tilespmem:v2+s21+$0x0] =	vst.idx.add.s32.msk $0xffff, v1;
	v4 =	vtrunc.f32 v4;
	v2 =	vcvt.f32.s32 v7  }
0x16b: {  	[tilespmem:s28+$0x60] =	vst v6;
	v6 =	vld [tilespmem:s18+$0xFFFFFF70];
	v4 =	vcvt.f32.s32 v4  }
0x16c: {  	[tilespmem:s28+$0xE0] =	vst v5;
	v7 =	vld [tilespmem:s18+$0xFFFFFFF0];
	v5 =	vshll.u32 v2, $0x8  }
0x16d: {  	v8 =	vmul.f32 $2.550000000e+02, v47;
	v9 =	vmul.f32 $2.550000000e+02, v9;
	[tilespmem:v3+s21+$0x0] =	vst.idx.add.s32.msk $0xffff, v1;
	v3 =	vadd.s32 v4, v5  }
0x16e: {  	v5 =	vmul.f32 $2.550000000e+02, v10;
	v10 =	vmul.f32 $2.550000000e+02, v11;
	v11 =	vld [tilespmem:s6+$0xF0]  }
0x16f: {  	v8 =	vtrunc.f32 v8;
	v9 =	vtrunc.f32 v9;
	v48 =	vld [tilespmem:s6+$0x70]  }
0x170: {  	[tilespmem:s28+$0xFFFFFF60] =	vst v4;
	v9 =	vcvt.f32.s32 v9;
	v10 =	vtrunc.f32 v10  }
0x171: {  	[tilespmem:s28+$0xFFFFFFE0] =	vst v2;
	v4 =	vtrunc.f32 v5;
	v5 =	vcvt.f32.s32 v10  }
0x172: {  	v2 =	vcvt.f32.s32 v8;
	v8 =	vshll.u32 v9, $0x8;
	v7 =	vmul.f32 $2.550000000e+02, v7;
	[tilespmem:v3+s21+$0x0] =	vst.idx.add.s32.msk $0xffff, v1  }
0x173: {  	v4 =	vcvt.f32.s32 v4;
	v3 =	vadd.s32 v5, v8;
	v8 =	vmul.f32 $2.550000000e+02, v11;
	v10 =	vld [tilespmem:s6+$0xFFFFFFF0]  }
0x174: {  	v6 =	vmul.f32 $2.550000000e+02, v6;
	v11 =	vshll.u32 v2, $0x8;
	v12 =	vmul.f32 $2.550000000e+02, v48;
	v13 =	vld [tilespmem:s6+$0xFFFFFF70]  }
0x175: {  	[tilespmem:s12+$0xFFFFFF70] =	vst v4;
	v11 =	vadd.s32 v4, v11;
	v4 =	vtrunc.f32 v7;
	v7 =	vtrunc.f32 v8  }
0x176: {  	[tilespmem:s17+$0x70] =	vst v5;
	v5 =	vtrunc.f32 v12;
	v7 =	vcvt.f32.s32 v7  }
0x177: {  	[tilespmem:s17+$0xF0] =	vst v9;
	v4 =	vcvt.f32.s32 v4;
	v5 =	vcvt.f32.s32 v5  }
0x178: {  	[tilespmem:v3+s21+$0x0] =	vst.idx.add.s32.msk $0xffff, v1;
	v3 =	vtrunc.f32 v6;
	v6 =	vshll.u32 v7, $0x8;
	v8 =	vmul.f32 $2.550000000e+02, v10  }
0x179: {  	[tilespmem:s12+$0xFFFFFFF0] =	vst v2;
	v2 =	vcvt.f32.s32 v3;
	v3 =	vadd.s32 v5, v6;
	v6 =	vmul.f32 $2.550000000e+02, v13  }
0x17a: {  	v9 =	vshll.u32 v4, $0x8;
	[tilespmem:s17+$0xFFFFFFF0] =	vst v4;
	v8 =	vtrunc.f32 v8  }
0x17b: {  	v9 =	vadd.s32 v2, v9;
	[tilespmem:s17+$0xFFFFFF70] =	vst v2;
	v6 =	vtrunc.f32 v6;
	v2 =	vcvt.f32.s32 v8  }
0x17c: {  	[tilespmem:s28+$0x70] =	vst v5;
	v5 =	vcvt.f32.s32 v6  }
0x17d: {  	[tilespmem:s28+$0xF0] =	vst v7;
	v6 =	vshll.u32 v2, $0x8  }
0x17e: {  	[tilespmem:v3+s21+$0x0] =	vst.idx.add.s32.msk $0xffff, v1;
	v3 =	vadd.s32 v5, v6  }
0x17f: {  	[tilespmem:v11+s21+$0x0] =	vst.idx.add.s32.msk $0xffff, v1  }
0x180: {  	[tilespmem:s28+$0xFFFFFF70] =	vst v5  }
0x181: {  	[tilespmem:s28+$0xFFFFFFF0] =	vst v2  }
0x182: {  	[tilespmem:v9+s21+$0x0] =	vst.idx.add.s32.msk $0xffff, v1  }
0x183: {  	s1 =	sadd.s32 s11, s8;
	[tilespmem:v3+s21+$0x0] =	vst.idx.add.s32.msk $0xffff, v1  }
0x184: {  	[hbm4b:s1+s3] =	stream.linear.scatter [tilespmem:s22], [sflag:$0x3], $0x2000, $0x38;
	[tilespmem:$0x1C000] =	vst v63  }
0x185: {  	p0 =	seq.s32 s25, $0x7;
	_ =	swait.ge [sflag:s23], $0x2000  }
0x186: {  	p1 =	seq.s32 @!p0 s25, $0x0;
	[sflag:s23] =	ssyncset.done $0x0  }
0x187: {  	s4 =	simm.s32 @!p0 $0x0;
	s1 =	sadd.s32 @!p0 s11, s9;
	[sflag:s23] =	ssyncadd.s32 $0xFFFFE000  }
0x188: {  	[tilespmem:s4], [sflag:$0x1] =	stream.linear.gather @!p0 [hbm4b:s1+s4], $0x2000, $0x38;
	[tilespmem:$0x1C000] =	vst v63  }
0x189: {  	p0 =	por p0, !p1  }
0x18a: {  	_ =	swait.ge @p0 [sflag:s30], $0x2000  }
0x18b: {  	[sflag:s30] =	ssyncset.done @p0 $0x0  }
0x18c: {  	s12 =	simm.s32 $0x21F0;
	[sflag:s30] =	ssyncadd.s32 @p0 $0xFFFFE000  }
0x18d: {  	v2 =	vld [tilespmem:s12+$0xFFFFFF90]  }
0x18e: {  	v3 =	vld [tilespmem:s12+$0xFFFFFF10];
	_ =	sdelay $0x3  }
0x18f: {  	v2 =	vmul.f32 $2.550000000e+02, v2  }
0x190: {  	v3 =	vmul.f32 $2.550000000e+02, v3  }
0x191: {  	v2 =	vtrunc.f32 v2  }
0x192: {  	v4 =	vld [tilespmem:s12+$0xFFFFFE90];
	v3 =	vtrunc.f32 v3;
	v2 =	vcvt.f32.s32 v2  }
0x193: {  	v5 =	vld [tilespmem:s12+$0xFFFFFE10];
	v3 =	vcvt.f32.s32 v3  }
0x194: {  	v6 =	vshll.u32 v2, $0x8  }
0x195: {  	v6 =	vadd.s32 v3, v6;
	_ =	sdelay $0x1  }
0x196: {  	s11 =	simm.s32 $0x61F0;
	v4 =	vmul.f32 $2.550000000e+02, v4  }
0x197: {  	v5 =	vmul.f32 $2.550000000e+02, v5;
	[tilespmem:s11+$0xFFFFFF10] =	vst v3  }
0x198: {  	[tilespmem:s11+$0xFFFFFF90] =	vst v2;
	v3 =	vtrunc.f32 v4  }
0x199: {  	v2 =	vtrunc.f32 v5;
	v3 =	vcvt.f32.s32 v3;
	[tilespmem:v6+s21+$0x0] =	vst.idx.add.s32.msk $0xffff, v1  }
0x19a: {  	v2 =	vcvt.f32.s32 v2;
	v4 =	vld [tilespmem:s12+$0xFFFFFFA0]  }
0x19b: {  	v6 =	vshll.u32 v3, $0x8;
	v5 =	vld [tilespmem:s12+$0xFFFFFF20]  }
0x19c: {  	v6 =	vadd.s32 v2, v6;
	_ =	sdelay $0x2  }
0x19d: {  	[tilespmem:s11+$0xFFFFFE10] =	vst v2;
	v2 =	vmul.f32 $2.550000000e+02, v4  }
0x19e: {  	[tilespmem:s11+$0xFFFFFE90] =	vst v3;
	v3 =	vmul.f32 $2.550000000e+02, v5  }
0x19f: {  	[tilespmem:v6+s21+$0x0] =	vst.idx.add.s32.msk $0xffff, v1;
	v2 =	vtrunc.f32 v2  }
0x1a0: {  	v4 =	vld [tilespmem:s12+$0xFFFFFEA0];
	v3 =	vtrunc.f32 v3;
	v2 =	vcvt.f32.s32 v2  }
0x1a1: {  	v5 =	vld [tilespmem:s12+$0xFFFFFE20];
	v3 =	vcvt.f32.s32 v3  }
0x1a2: {  	v6 =	vshll.u32 v2, $0x8  }
0x1a3: {  	v6 =	vadd.s32 v3, v6;
	_ =	sdelay $0x1  }
0x1a4: {  	v4 =	vmul.f32 $2.550000000e+02, v4  }
0x1a5: {  	[tilespmem:s11+$0xFFFFFF20] =	vst v3;
	v3 =	vmul.f32 $2.550000000e+02, v5  }
0x1a6: {  	[tilespmem:s11+$0xFFFFFFA0] =	vst v2;
	v2 =	vtrunc.f32 v4  }
0x1a7: {  	v3 =	vtrunc.f32 v3;
	v2 =	vcvt.f32.s32 v2;
	[tilespmem:v6+s21+$0x0] =	vst.idx.add.s32.msk $0xffff, v1  }
0x1a8: {  	v3 =	vcvt.f32.s32 v3;
	v4 =	vld [tilespmem:s12+$0xFFFFFFB0]  }
0x1a9: {  	v5 =	vshll.u32 v2, $0x8;
	v6 =	vld [tilespmem:s12+$0xFFFFFF30]  }
0x1aa: {  	v5 =	vadd.s32 v3, v5;
	_ =	sdelay $0x2  }
0x1ab: {  	[tilespmem:s11+$0xFFFFFE20] =	vst v3;
	v3 =	vmul.f32 $2.550000000e+02, v4  }
0x1ac: {  	[tilespmem:s11+$0xFFFFFEA0] =	vst v2;
	v2 =	vmul.f32 $2.550000000e+02, v6  }
0x1ad: {  	[tilespmem:v5+s21+$0x0] =	vst.idx.add.s32.msk $0xffff, v1;
	v3 =	vtrunc.f32 v3  }
0x1ae: {  	v4 =	vld [tilespmem:s12+$0xFFFFFEB0];
	v2 =	vtrunc.f32 v2;
	v3 =	vcvt.f32.s32 v3  }
0x1af: {  	v5 =	vld [tilespmem:s12+$0xFFFFFE30];
	v2 =	vcvt.f32.s32 v2  }
0x1b0: {  	v6 =	vshll.u32 v3, $0x8  }
0x1b1: {  	v6 =	vadd.s32 v2, v6  }
0x1b2: {  	s17 =	simm.s32 $0x23F0  }
0x1b3: {  	v7 =	vld [tilespmem:s17+$0xFFFFFF90];
	v4 =	vmul.f32 $2.550000000e+02, v4  }
0x1b4: {  	[tilespmem:s11+$0xFFFFFF30] =	vst v2;
	v5 =	vmul.f32 $2.550000000e+02, v5;
	v2 =	vld [tilespmem:s17+$0xFFFFFF10]  }
0x1b5: {  	[tilespmem:s11+$0xFFFFFFB0] =	vst v3;
	v4 =	vtrunc.f32 v4  }
0x1b6: {  	v3 =	vtrunc.f32 v5;
	v4 =	vcvt.f32.s32 v4;
	[tilespmem:v6+s21+$0x0] =	vst.idx.add.s32.msk $0xffff, v1  }
0x1b7: {  	v3 =	vcvt.f32.s32 v3;
	v5 =	vld [tilespmem:s12+$0xFFFFFFC0]  }
0x1b8: {  	v7 =	vmul.f32 $2.550000000e+02, v7;
	v8 =	vshll.u32 v4, $0x8;
	v6 =	vld [tilespmem:s12+$0xFFFFFF40]  }
0x1b9: {  	v2 =	vmul.f32 $2.550000000e+02, v2;
	v8 =	vadd.s32 v3, v8  }
0x1ba: {  	v7 =	vtrunc.f32 v7  }
0x1bb: {  	v9 =	vld [tilespmem:s17+$0xFFFFFE90];
	v7 =	vcvt.f32.s32 v7;
	v2 =	vtrunc.f32 v2  }
0x1bc: {  	[tilespmem:s11+$0xFFFFFE30] =	vst v3;
	v3 =	vld [tilespmem:s17+$0xFFFFFE10];
	v2 =	vcvt.f32.s32 v2;
	v5 =	vmul.f32 $2.550000000e+02, v5  }
0x1bd: {  	[tilespmem:s11+$0xFFFFFEB0] =	vst v4;
	v4 =	vmul.f32 $2.550000000e+02, v6;
	v6 =	vshll.u32 v7, $0x8  }
0x1be: {  	[tilespmem:v8+s21+$0x0] =	vst.idx.add.s32.msk $0xffff, v1;
	v6 =	vadd.s32 v2, v6;
	v5 =	vtrunc.f32 v5  }
0x1bf: {  	v8 =	vld [tilespmem:s12+$0xFFFFFEC0];
	v4 =	vtrunc.f32 v4;
	v5 =	vcvt.f32.s32 v5  }
0x1c0: {  	s16 =	simm.s32 $0x63F0;
	v10 =	vld [tilespmem:s12+$0xFFFFFE40];
	v4 =	vcvt.f32.s32 v4  }
0x1c1: {  	v9 =	vmul.f32 $2.550000000e+02, v9;
	[tilespmem:s16+$0xFFFFFF90] =	vst v7;
	v3 =	vmul.f32 $2.550000000e+02, v3;
	v11 =	vshll.u32 v5, $0x8  }
0x1c2: {  	[tilespmem:s16+$0xFFFFFF10] =	vst v2;
	v2 =	vadd.s32 v4, v11  }
0x1c3: {  	v7 =	vtrunc.f32 v9;
	v3 =	vtrunc.f32 v3;
	[tilespmem:v6+s21+$0x0] =	vst.idx.add.s32.msk $0xffff, v1  }
0x1c4: {  	v6 =	vcvt.f32.s32 v7;
	v7 =	vmul.f32 $2.550000000e+02, v8;
	v8 =	vld [tilespmem:s17+$0xFFFFFFA0]  }
0x1c5: {  	v3 =	vcvt.f32.s32 v3;
	[tilespmem:s11+$0xFFFFFF40] =	vst v4;
	v4 =	vmul.f32 $2.550000000e+02, v10;
	v9 =	vld [tilespmem:s17+$0xFFFFFF20]  }
0x1c6: {  	[tilespmem:s11+$0xFFFFFFC0] =	vst v5;
	v10 =	vshll.u32 v6, $0x8;
	v5 =	vtrunc.f32 v7  }
0x1c7: {  	v7 =	vadd.s32 v3, v10;
	[tilespmem:v2+s21+$0x0] =	vst.idx.add.s32.msk $0xffff, v1;
	v2 =	vtrunc.f32 v4;
	v4 =	vcvt.f32.s32 v5  }
0x1c8: {  	v2 =	vcvt.f32.s32 v2;
	v5 =	vld [tilespmem:s12+$0xFFFFFFD0]  }
0x1c9: {  	v10 =	vld [tilespmem:s12+$0xFFFFFF50];
	v8 =	vmul.f32 $2.550000000e+02, v8;
	v11 =	vshll.u32 v4, $0x8  }
0x1ca: {  	[tilespmem:s16+$0xFFFFFE10] =	vst v3;
	v9 =	vmul.f32 $2.550000000e+02, v9;
	v3 =	vadd.s32 v2, v11  }
0x1cb: {  	[tilespmem:s16+$0xFFFFFE90] =	vst v6;
	v6 =	vtrunc.f32 v8  }
0x1cc: {  	[tilespmem:v7+s21+$0x0] =	vst.idx.add.s32.msk $0xffff, v1;
	v7 =	vtrunc.f32 v9;
	v6 =	vcvt.f32.s32 v6  }
0x1cd: {  	[tilespmem:s11+$0xFFFFFE40] =	vst v2;
	v8 =	vld [tilespmem:s17+$0xFFFFFEA0];
	v2 =	vcvt.f32.s32 v7;
	v5 =	vmul.f32 $2.550000000e+02, v5  }
0x1ce: {  	[tilespmem:s11+$0xFFFFFEC0] =	vst v4;
	v7 =	vld [tilespmem:s17+$0xFFFFFE20];
	v4 =	vmul.f32 $2.550000000e+02, v10;
	v9 =	vshll.u32 v6, $0x8  }
0x1cf: {  	[tilespmem:v3+s21+$0x0] =	vst.idx.add.s32.msk $0xffff, v1;
	v3 =	vadd.s32 v2, v9;
	v5 =	vtrunc.f32 v5  }
0x1d0: {  	v4 =	vtrunc.f32 v4;
	v5 =	vcvt.f32.s32 v5  }
0x1d1: {  	v9 =	vld [tilespmem:s12+$0xFFFFFED0];
	v4 =	vcvt.f32.s32 v4  }
0x1d2: {  	[tilespmem:s16+$0xFFFFFF20] =	vst v2;
	v10 =	vld [tilespmem:s12+$0xFFFFFE50];
	v2 =	vshll.u32 v5, $0x8  }
0x1d3: {  	[tilespmem:s16+$0xFFFFFFA0] =	vst v6;
	v8 =	vmul.f32 $2.550000000e+02, v8;
	v6 =	vmul.f32 $2.550000000e+02, v7;
	v2 =	vadd.s32 v4, v2  }
0x1d4: {  	[tilespmem:v3+s21+$0x0] =	vst.idx.add.s32.msk $0xffff, v1  }
0x1d5: {  	[tilespmem:s11+$0xFFFFFF50] =	vst v4;
	v4 =	vtrunc.f32 v6;
	v3 =	vtrunc.f32 v8;
	v8 =	vld [tilespmem:s17+$0xFFFFFFB0]  }
0x1d6: {  	v4 =	vcvt.f32.s32 v4;
	v3 =	vcvt.f32.s32 v3;
	v6 =	vld [tilespmem:s17+$0xFFFFFF30]  }
0x1d7: {  	[tilespmem:s11+$0xFFFFFFD0] =	vst v5;
	v7 =	vmul.f32 $2.550000000e+02, v9;
	v5 =	vmul.f32 $2.550000000e+02, v10  }
0x1d8: {  	v9 =	vshll.u32 v3, $0x8;
	[tilespmem:v2+s21+$0x0] =	vst.idx.add.s32.msk $0xffff, v1  }
0x1d9: {  	v5 =	vtrunc.f32 v5;
	v2 =	vtrunc.f32 v7;
	v7 =	vadd.s32 v4, v9;
	v9 =	vld [tilespmem:s12+$0xFFFFFFE0]  }
0x1da: {  	v2 =	vcvt.f32.s32 v2;
	v10 =	vld [tilespmem:s12+$0xFFFFFF60];
	v8 =	vmul.f32 $2.550000000e+02, v8  }
0x1db: {  	v5 =	vcvt.f32.s32 v5;
	v6 =	vmul.f32 $2.550000000e+02, v6  }
0x1dc: {  	[tilespmem:s16+$0xFFFFFE20] =	vst v4;
	v4 =	vshll.u32 v2, $0x8;
	v8 =	vtrunc.f32 v8  }
0x1dd: {  	[tilespmem:s16+$0xFFFFFEA0] =	vst v3;
	v3 =	vadd.s32 v5, v4;
	v4 =	vtrunc.f32 v6;
	v6 =	vcvt.f32.s32 v8  }
0x1de: {  	[tilespmem:v7+s21+$0x0] =	vst.idx.add.s32.msk $0xffff, v1;
	v4 =	vcvt.f32.s32 v4;
	v7 =	vmul.f32 $2.550000000e+02, v9  }
0x1df: {  	[tilespmem:s11+$0xFFFFFE50] =	vst v5;
	v8 =	vld [tilespmem:s17+$0xFFFFFEB0];
	v10 =	vmul.f32 $2.550000000e+02, v10;
	v9 =	vshll.u32 v6, $0x8  }
0x1e0: {  	s6 =	simm.s32 $0x25F0;
	[tilespmem:s11+$0xFFFFFED0] =	vst v2;
	v5 =	vld [tilespmem:s17+$0xFFFFFE30];
	v9 =	vadd.s32 v4, v9;
	v7 =	vtrunc.f32 v7  }
0x1e1: {  	[tilespmem:s16+$0xFFFFFF30] =	vst v4;
	v2 =	vtrunc.f32 v10;
	v10 =	vld [tilespmem:s6+$0xFFFFFF10];
	v7 =	vcvt.f32.s32 v7  }
0x1e2: {  	[tilespmem:v3+s21+$0x0] =	vst.idx.add.s32.msk $0xffff, v1;
	v2 =	vcvt.f32.s32 v2  }
0x1e3: {  	[tilespmem:s16+$0xFFFFFFB0] =	vst v6;
	v3 =	vld [tilespmem:s6+$0xFFFFFF90];
	v4 =	vshll.u32 v7, $0x8  }
0x1e4: {  	v6 =	vmul.f32 $2.550000000e+02, v8;
	[tilespmem:s11+$0xFFFFFF60] =	vst v2;
	v4 =	vadd.s32 v2, v4;
	v2 =	vld [tilespmem:s12+$0xFFFFFEE0]  }
0x1e5: {  	v5 =	vmul.f32 $2.550000000e+02, v5;
	[tilespmem:v9+s21+$0x0] =	vst.idx.add.s32.msk $0xffff, v1  }
0x1e6: {  	v6 =	vtrunc.f32 v6;
	v8 =	vld [tilespmem:s17+$0xFFFFFF40]  }
0x1e7: {  	[tilespmem:s11+$0xFFFFFFE0] =	vst v7;
	v5 =	vtrunc.f32 v5;
	v7 =	vmul.f32 $2.550000000e+02, v10;
	v9 =	vld [tilespmem:s17+$0xFFFFFFC0]  }
0x1e8: {  	v6 =	vcvt.f32.s32 v6;
	v3 =	vmul.f32 $2.550000000e+02, v3  }
0x1e9: {  	v5 =	vcvt.f32.s32 v5;
	[tilespmem:v4+s21+$0x0] =	vst.idx.add.s32.msk $0xffff, v1  }
0x1ea: {  	v7 =	vtrunc.f32 v7;
	v3 =	vtrunc.f32 v3;
	v4 =	vshll.u32 v6, $0x8;
	v10 =	vld [tilespmem:s12+$0xFFFFFFF0]  }
0x1eb: {  	v3 =	vcvt.f32.s32 v3;
	v2 =	vmul.f32 $2.550000000e+02, v2;
	v4 =	vadd.s32 v5, v4;
	v11 =	vld [tilespmem:s12+$0xFFFFFF70]  }
0x1ec: {  	v49 =	vld [tilespmem:s6+$0xFFFFFE90];
	v8 =	vmul.f32 $2.550000000e+02, v8;
	v9 =	vmul.f32 $2.550000000e+02, v9  }
0x1ed: {  	v7 =	vcvt.f32.s32 v7;
	v2 =	vtrunc.f32 v2  }
0x1ee: {  	[tilespmem:s16+$0xFFFFFE30] =	vst v5;
	v5 =	vld [tilespmem:s6+$0xFFFFFE10];
	v50 =	vshll.u32 v3, $0x8;
	v8 =	vtrunc.f32 v8;
	v9 =	vtrunc.f32 v9  }
0x1ef: {  	[tilespmem:s16+$0xFFFFFEB0] =	vst v6;
	v6 =	vadd.s32 v7, v50;
	v9 =	vcvt.f32.s32 v9;
	v10 =	vmul.f32 $2.550000000e+02, v10  }
0x1f0: {  	[tilespmem:v4+s21+$0x0] =	vst.idx.add.s32.msk $0xffff, v1;
	v4 =	vcvt.f32.s32 v8;
	v8 =	vmul.f32 $2.550000000e+02, v11  }
0x1f1: {  	s28 =	simm.s32 $0x65F0;
	v11 =	vmul.f32 $2.550000000e+02, v49;
	v51 =	vld [tilespmem:s17+$0xFFFFFEC0];
	v52 =	vshll.u32 v9, $0x8;
	v10 =	vtrunc.f32 v10  }
0x1f2: {  	[tilespmem:s28+$0xFFFFFF10] =	vst v7;
	v15 =	vld [tilespmem:s17+$0xFFFFFE40];
	v7 =	vadd.s32 v4, v52;
	v8 =	vtrunc.f32 v8;
	v10 =	vcvt.f32.s32 v10  }
0x1f3: {  	v14 =	vld [tilespmem:s12+$0xFFFFFE60];
	[tilespmem:s28+$0xFFFFFF90] =	vst v3;
	v5 =	vmul.f32 $2.550000000e+02, v5;
	v3 =	vcvt.f32.s32 v8  }
0x1f4: {  	v2 =	vcvt.f32.s32 v2;
	[tilespmem:v6+s21+$0x0] =	vst.idx.add.s32.msk $0xffff, v1;
	v6 =	vshll.u32 v10, $0x8  }
0x1f5: {  	v11 =	vtrunc.f32 v11;
	v5 =	vtrunc.f32 v5;
	[tilespmem:s16+$0xFFFFFF40] =	vst v4;
	v53 =	vld [tilespmem:s6+$0xFFFFFF20];
	v4 =	vadd.s32 v3, v6  }
0x1f6: {  	[tilespmem:s16+$0xFFFFFFC0] =	vst v9;
	v54 =	vld [tilespmem:s6+$0xFFFFFFA0];
	v6 =	vcvt.f32.s32 v11;
	v11 =	vmul.f32 $2.550000000e+02, v51  }
0x1f7: {  	v5 =	vcvt.f32.s32 v5;
	v9 =	vmul.f32 $2.550000000e+02, v15;
	[tilespmem:v7+s21+$0x0] =	vst.idx.add.s32.msk $0xffff, v1  }
0x1f8: {  	v8 =	vmul.f32 $2.550000000e+02, v14;
	[tilespmem:s11+$0xFFFFFF70] =	vst v3;
	v7 =	vshll.u32 v6, $0x8;
	v11 =	vtrunc.f32 v11;
	v55 =	vld [tilespmem:s17+$0xFFFFFF50]  }
0x1f9: {  	[tilespmem:s11+$0xFFFFFFF0] =	vst v10;
	v3 =	vadd.s32 v5, v7;
	v7 =	vtrunc.f32 v9;
	v9 =	vcvt.f32.s32 v11;
	v11 =	vld [tilespmem:s17+$0xFFFFFFD0]  }
0x1fa: {  	v7 =	vcvt.f32.s32 v7;
	[tilespmem:v4+s21+$0x0] =	vst.idx.add.s32.msk $0xffff, v1  }
0x1fb: {  	[tilespmem:s11+$0xFFFFFEE0] =	vst v2;
	v10 =	vmul.f32 $2.550000000e+02, v54;
	v4 =	vtrunc.f32 v8;
	v8 =	vshll.u32 v9, $0x8;
	v56 =	vld [tilespmem:s12+$0x0]  }
0x1fc: {  	[tilespmem:s28+$0xFFFFFE10] =	vst v5;
	v4 =	vcvt.f32.s32 v4;
	v5 =	vadd.s32 v7, v8;
	v8 =	vmul.f32 $2.550000000e+02, v53;
	v57 =	vld [tilespmem:s12+$0xFFFFFF80]  }
0x1fd: {  	v2 =	vshll.u32 v2, $0x8;
	[tilespmem:s28+$0xFFFFFE90] =	vst v6;
	v6 =	vtrunc.f32 v10  }
0x1fe: {  	v6 =	vcvt.f32.s32 v6;
	v2 =	vadd.s32 v4, v2;
	[tilespmem:v3+s21+$0x0] =	vst.idx.add.s32.msk $0xffff, v1;
	v3 =	vtrunc.f32 v8  }
0x1ff: {  	[tilespmem:s16+$0xFFFFFE40] =	vst v7;
	v7 =	vmul.f32 $2.550000000e+02, v55;
	v8 =	vld [tilespmem:s6+$0xFFFFFEA0];
	v3 =	vcvt.f32.s32 v3  }
0x200: {  	[tilespmem:s16+$0xFFFFFEC0] =	vst v9;
	v9 =	vshll.u32 v6, $0x8;
	v11 =	vmul.f32 $2.550000000e+02, v11;
	v10 =	vld [tilespmem:s6+$0xFFFFFE20];
	v12 =	vmul.f32 $2.550000000e+02, v56  }
0x201: {  	v7 =	vtrunc.f32 v7;
	[tilespmem:v5+s21+$0x0] =	vst.idx.add.s32.msk $0xffff, v1;
	v5 =	vadd.s32 v3, v9;
	v9 =	vmul.f32 $2.550000000e+02, v57  }
0x202: {  	[tilespmem:s11+$0xFFFFFE60] =	vst v4;
	v4 =	vtrunc.f32 v11;
	v58 =	vld [tilespmem:s17+$0xFFFFFED0];
	v11 =	vtrunc.f32 v12  }
0x203: {  	[tilespmem:v2+s21+$0x0] =	vst.idx.add.s32.msk $0xffff, v1;
	v2 =	vtrunc.f32 v9;
	v9 =	vcvt.f32.s32 v11  }
0x204: {  	[tilespmem:s28+$0xFFFFFF20] =	vst v3;
	v3 =	vcvt.f32.s32 v4;
	v11 =	vld [tilespmem:s17+$0xFFFFFE50];
	v2 =	vcvt.f32.s32 v2  }
0x205: {  	[tilespmem:s28+$0xFFFFFFA0] =	vst v6;
	v6 =	vcvt.f32.s32 v7;
	v4 =	vld [tilespmem:s12+$0xFFFFFEF0];
	v8 =	vmul.f32 $2.550000000e+02, v8;
	v7 =	vshll.u32 v9, $0x8  }
0x206: {  	v10 =	vmul.f32 $2.550000000e+02, v10;
	[tilespmem:v5+s21+$0x0] =	vst.idx.add.s32.msk $0xffff, v1;
	v5 =	vshll.u32 v3, $0x8;
	v7 =	vadd.s32 v2, v7  }
0x207: {  	[tilespmem:s16+$0xFFFFFF50] =	vst v6;
	v5 =	vadd.s32 v6, v5  }
0x208: {  	[tilespmem:s16+$0xFFFFFFD0] =	vst v3;
	v8 =	vtrunc.f32 v8;
	v10 =	vtrunc.f32 v10;
	v6 =	vld [tilespmem:s12+$0xFFFFFE70]  }
0x209: {  	[tilespmem:s11+$0xFFFFFF80] =	vst v2;
	v8 =	vcvt.f32.s32 v8;
	v3 =	vmul.f32 $2.550000000e+02, v58;
	v59 =	vld [tilespmem:s6+$0xFFFFFFB0]  }
0x20a: {  	[tilespmem:s11+$0x0] =	vst v9;
	v10 =	vcvt.f32.s32 v10;
	v60 =	vld [tilespmem:s6+$0xFFFFFF30];
	v2 =	vmul.f32 $2.550000000e+02, v11  }
0x20b: {  	v11 =	vshll.u32 v8, $0x8;
	v3 =	vtrunc.f32 v3;
	v4 =	vmul.f32 $2.550000000e+02, v4;
	[tilespmem:v7+s21+$0x0] =	vst.idx.add.s32.msk $0xffff, v1  }
0x20c: {  	v9 =	vadd.s32 v10, v11;
	v3 =	vcvt.f32.s32 v3;
	v2 =	vtrunc.f32 v2;
	[tilespmem:v5+s21+$0x0] =	vst.idx.add.s32.msk $0xffff, v1  }
0x20d: {  	[tilespmem:s28+$0xFFFFFE20] =	vst v10;
	v4 =	vtrunc.f32 v4;
	v2 =	vcvt.f32.s32 v2;
	v5 =	vld [tilespmem:s17+$0xFFFFFFE0]  }
0x20e: {  	[tilespmem:s28+$0xFFFFFEA0] =	vst v8;
	v6 =	vmul.f32 $2.550000000e+02, v6;
	v7 =	vshll.u32 v3, $0x8;
	v8 =	vmul.f32 $2.550000000e+02, v59;
	v10 =	vld [tilespmem:s17+$0xFFFFFF60]  }
0x20f: {  	v4 =	vcvt.f32.s32 v4;
	v11 =	vadd.s32 v2, v7;
	v7 =	vmul.f32 $2.550000000e+02, v60  }
0x210: {  	v6 =	vtrunc.f32 v6;
	v8 =	vtrunc.f32 v8;
	[tilespmem:s16+$0xFFFFFE50] =	vst v2  }
0x211: {  	[tilespmem:v9+s21+$0x0] =	vst.idx.add.s32.msk $0xffff, v1;
	v6 =	vcvt.f32.s32 v6;
	v2 =	vtrunc.f32 v7  }
0x212: {  	v61 =	vld [tilespmem:s6+$0xFFFFFEB0];
	v7 =	vcvt.f32.s32 v8;
	v5 =	vmul.f32 $2.550000000e+02, v5  }
0x213: {  	[tilespmem:s16+$0xFFFFFED0] =	vst v3;
	v62 =	vshll.u32 v4, $0x8;
	v9 =	vld [tilespmem:s6+$0xFFFFFE30];
	v8 =	vcvt.f32.s32 v2;
	v3 =	vmul.f32 $2.550000000e+02, v10  }
0x214: {  	v2 =	vadd.s32 v6, v62;
	[tilespmem:s11+$0xFFFFFE70] =	vst v6;
	v6 =	vshll.u32 v7, $0x8;
	v10 =	vtrunc.f32 v5  }
0x215: {  	[tilespmem:v11+s21+$0x0] =	vst.idx.add.s32.msk $0xffff, v1;
	v63 =	vtrunc.f32 v3;
	v3 =	vcvt.f32.s32 v10;
	v10 =	vadd.s32 v8, v6  }
0x216: {  	v5 =	vld [tilespmem:s17+$0xFFFFFEE0]  }
0x217: {  	s18 =	simm.s32 $0x65F0;
	s4 =	simm.s32 $0x4;
	s1 =	simm.s32 $0x27F0;
	[tilespmem:s11+$0xFFFFFEF0] =	vst v4;
	v6 =	vld [tilespmem:s17+$0xFFFFFE60];
	v11 =	vmul.f32 $2.550000000e+02, v61;
	v4 =	vcvt.f32.s32 v63  }
.LBB2_7:
0x218: {  	v12 =	vld [tilespmem:s1+$0xFFFFFF90];
	v9 =	vmul.f32 $2.550000000e+02, v9;
	[tilespmem:s28+$0xFFFFFF30] =	vst v8;
	v8 =	vshll.u32 v3, $0x8  }
0x219: {  	v13 =	vld [tilespmem:s1+$0xFFFFFF10];
	v11 =	vtrunc.f32 v11;
	[tilespmem:s28+$0xFFFFFFB0] =	vst v7;
	v7 =	vadd.s32 v4, v8  }
0x21a: {  	v8 =	vtrunc.f32 v9;
	v9 =	vcvt.f32.s32 v11;
	[tilespmem:v10+s21+$0x0] =	vst.idx.add.s32.msk $0xffff, v1  }
0x21b: {  	v5 =	vmul.f32 $2.550000000e+02, v5;
	v8 =	vcvt.f32.s32 v8;
	v10 =	vld [tilespmem:s6+$0xFFFFFF40]  }
0x21c: {  	v6 =	vmul.f32 $2.550000000e+02, v6;
	v11 =	vshll.u32 v9, $0x8;
	v14 =	vld [tilespmem:s6+$0xFFFFFFC0];
	[tilespmem:s16+$0xFFFFFF60] =	vst v4  }
0x21d: {  	v5 =	vtrunc.f32 v5;
	v4 =	vld [tilespmem:s1+$0xFFFFFE90];
	v12 =	vmul.f32 $2.550000000e+02, v12;
	v11 =	vadd.s32 v8, v11;
	[tilespmem:s16+$0xFFFFFFE0] =	vst v3  }
0x21e: {  	v5 =	vcvt.f32.s32 v5;
	v3 =	vmul.f32 $2.550000000e+02, v13;
	[tilespmem:v7+s21+$0x0] =	vst.idx.add.s32.msk $0xffff, v1  }
0x21f: {  	v6 =	vtrunc.f32 v6;
	v7 =	vtrunc.f32 v12;
	[tilespmem:s28+$0xFFFFFE30] =	vst v8;
	v8 =	vld [tilespmem:s17+$0xFFFFFFF0]  }
0x220: {  	v3 =	vtrunc.f32 v3;
	v7 =	vcvt.f32.s32 v7;
	[tilespmem:s28+$0xFFFFFEB0] =	vst v9;
	v9 =	vshll.u32 v5, $0x8;
	v12 =	vld [tilespmem:s17+$0xFFFFFF70]  }
0x221: {  	s4 =	sadd.s32 $0x2, s4;
	v10 =	vmul.f32 $2.550000000e+02, v10;
	v13 =	vld [tilespmem:s1+$0xFFFFFE10];
	v14 =	vmul.f32 $2.550000000e+02, v14;
	[tilespmem:s16+$0xFFFFFEE0] =	vst v5  }
0x222: {  	p0 =	slt.u32 s4, $0x1E;
	v3 =	vcvt.f32.s32 v3;
	v4 =	vmul.f32 $2.550000000e+02, v4;
	[tilespmem:v11+s21+$0x0] =	vst.idx.add.s32.msk $0xffff, v1  }
0x223: {  	v5 =	vshll.u32 v7, $0x8;
	v10 =	vtrunc.f32 v10;
	v11 =	vld [tilespmem:s6+$0xFFFFFEC0];
	v14 =	vtrunc.f32 v14  }
0x224: {  	v5 =	vadd.s32 v3, v5;
	v15 =	vld [tilespmem:s6+$0xFFFFFE40];
	v14 =	vcvt.f32.s32 v14;
	v8 =	vmul.f32 $2.550000000e+02, v8  }
0x225: {  	v10 =	vcvt.f32.s32 v10;
	v12 =	vmul.f32 $2.550000000e+02, v12;
	[tilespmem:v2+s21+$0x0] =	vst.idx.add.s32.msk $0xffff, v1  }
0x226: {  	s28 =	sadd.s32 $0x200, s28;
	v2 =	vmul.f32 $2.550000000e+02, v13;
	v13 =	vshll.u32 v14, $0x8;
	v8 =	vtrunc.f32 v8;
	v16 =	vld [tilespmem:s12+$0xFFFFFF00]  }
0x227: {  	[tilespmem:s28+$0xFFFFFF10] =	vst v3;
	v3 =	vadd.s32 v10, v13;
	v12 =	vtrunc.f32 v12;
	v8 =	vcvt.f32.s32 v8;
	v13 =	vld [tilespmem:s12+$0xFFFFFE80];
	s12 =	smov.u32 s17;
	s17 =	smov.u32 s6;
	s6 =	smov.u32 s1  }
0x228: {  	v4 =	vtrunc.f32 v4;
	[tilespmem:s28+$0xFFFFFF90] =	vst v7;
	v7 =	vcvt.f32.s32 v12  }
0x229: {  	v2 =	vtrunc.f32 v2;
	v12 =	vcvt.f32.s32 v4;
	[tilespmem:v5+s21+$0x0] =	vst.idx.add.s32.msk $0xffff, v1;
	v4 =	vshll.u32 v8, $0x8  }
0x22a: {  	v11 =	vmul.f32 $2.550000000e+02, v11;
	v2 =	vcvt.f32.s32 v2;
	v5 =	vld [tilespmem:s1+$0xFFFFFF20];
	[tilespmem:s18+$0xFFFFFF40] =	vst v10;
	v4 =	vadd.s32 v7, v4  }
0x22b: {  	v6 =	vcvt.f32.s32 v6;
	v15 =	vmul.f32 $2.550000000e+02, v15;
	v10 =	vshll.u32 v12, $0x8;
	v17 =	vld [tilespmem:s1+$0xFFFFFFA0];
	[tilespmem:s18+$0xFFFFFFC0] =	vst v14  }
0x22c: {  	v11 =	vtrunc.f32 v11;
	v10 =	vadd.s32 v2, v10;
	[tilespmem:v3+s21+$0x0] =	vst.idx.add.s32.msk $0xffff, v1;
	v3 =	vmul.f32 $2.550000000e+02, v16  }
0x22d: {  	v9 =	vadd.s32 v6, v9;
	v14 =	vtrunc.f32 v15;
	v11 =	vcvt.f32.s32 v11;
	v15 =	vld [tilespmem:s17+$0xFFFFFF50];
	[tilespmem:s16+$0xFFFFFF70] =	vst v7  }
0x22e: {  	v7 =	vcvt.f32.s32 v14;
	v14 =	vld [tilespmem:s17+$0xFFFFFFD0];
	[tilespmem:s16+$0xFFFFFFF0] =	vst v8;
	v8 =	vmul.f32 $2.550000000e+02, v13  }
0x22f: {  	v13 =	vshll.u32 v11, $0x8;
	v3 =	vtrunc.f32 v3;
	[tilespmem:v4+s21+$0x0] =	vst.idx.add.s32.msk $0xffff, v1  }
0x230: {  	v13 =	vadd.s32 v7, v13;
	v4 =	vcvt.f32.s32 v3;
	[tilespmem:s28+$0xFFFFFE10] =	vst v2;
	v2 =	vmul.f32 $2.550000000e+02, v17;
	v16 =	vld [tilespmem:s12+$0x0]  }
0x231: {  	v3 =	vmul.f32 $2.550000000e+02, v5;
	v8 =	vtrunc.f32 v8;
	[tilespmem:s28+$0xFFFFFE90] =	vst v12;
	v5 =	vld [tilespmem:s12+$0xFFFFFF80]  }
0x232: {  	v8 =	vcvt.f32.s32 v8;
	[tilespmem:v10+s21+$0x0] =	vst.idx.add.s32.msk $0xffff, v1;
	v2 =	vtrunc.f32 v2;
	v10 =	vshll.u32 v4, $0x8  }
0x233: {  	v3 =	vtrunc.f32 v3;
	v12 =	vld [tilespmem:s1+$0xFFFFFEA0];
	v2 =	vcvt.f32.s32 v2;
	[tilespmem:s18+$0xFFFFFE40] =	vst v7  }
0x234: {  	v3 =	vcvt.f32.s32 v3;
	v7 =	vld [tilespmem:s1+$0xFFFFFE20];
	[tilespmem:s18+$0xFFFFFEC0] =	vst v11;
	v11 =	vmul.f32 $2.550000000e+02, v15;
	v15 =	vadd.s32 v8, v10  }
0x235: {  	v10 =	vshll.u32 v2, $0x8;
	[tilespmem:v13+s21+$0x0] =	vst.idx.add.s32.msk $0xffff, v1;
	v13 =	vmul.f32 $2.550000000e+02, v14;
	v14 =	vmul.f32 $2.550000000e+02, v16  }
0x236: {  	v10 =	vadd.s32 v3, v10;
	v16 =	vld [tilespmem:s17+$0xFFFFFED0];
	v11 =	vtrunc.f32 v11;
	[tilespmem:s16+$0xFFFFFE60] =	vst v6;
	v5 =	vmul.f32 $2.550000000e+02, v5  }
0x237: {  	v6 =	vld [tilespmem:s17+$0xFFFFFE50];
	v13 =	vtrunc.f32 v13;
	v14 =	vtrunc.f32 v14;
	[tilespmem:s11+$0xFFFFFE80] =	vst v8  }
0x238: {  	[tilespmem:v9+s21+$0x0] =	vst.idx.add.s32.msk $0xffff, v1;
	v5 =	vtrunc.f32 v5;
	v8 =	vcvt.f32.s32 v14  }
0x239: {  	[tilespmem:s28+$0xFFFFFF20] =	vst v3;
	v3 =	vcvt.f32.s32 v13;
	v9 =	vld [tilespmem:s12+$0xFFFFFEF0];
	v5 =	vcvt.f32.s32 v5  }
0x23a: {  	v12 =	vmul.f32 $2.550000000e+02, v12;
	[tilespmem:s28+$0xFFFFFFA0] =	vst v2;
	v2 =	vcvt.f32.s32 v11;
	v11 =	vld [tilespmem:s12+$0xFFFFFE70];
	v13 =	vshll.u32 v8, $0x8  }
0x23b: {  	v7 =	vmul.f32 $2.550000000e+02, v7;
	[tilespmem:v10+s21+$0x0] =	vst.idx.add.s32.msk $0xffff, v1;
	v10 =	vshll.u32 v3, $0x8;
	v13 =	vadd.s32 v5, v13  }
0x23c: {  	v12 =	vtrunc.f32 v12;
	v14 =	vmul.f32 $2.550000000e+02, v16;
	[tilespmem:s18+$0xFFFFFF50] =	vst v2;
	v2 =	vadd.s32 v2, v10  }
0x23d: {  	v7 =	vtrunc.f32 v7;
	v10 =	vcvt.f32.s32 v12;
	[tilespmem:s18+$0xFFFFFFD0] =	vst v3  }
0x23e: {  	v6 =	vmul.f32 $2.550000000e+02, v6;
	v3 =	vcvt.f32.s32 v7;
	v7 =	vld [tilespmem:s1+$0xFFFFFFB0];
	[tilespmem:s16+$0xFFFFFF80] =	vst v5  }
0x23f: {  	v14 =	vtrunc.f32 v14;
	v5 =	vshll.u32 v10, $0x8;
	v9 =	vmul.f32 $2.550000000e+02, v9;
	v12 =	vld [tilespmem:s1+$0xFFFFFF30];
	[tilespmem:s16+$0x0] =	vst v8  }
0x240: {  	v6 =	vtrunc.f32 v6;
	v5 =	vadd.s32 v3, v5;
	v8 =	vcvt.f32.s32 v14;
	[tilespmem:v13+s21+$0x0] =	vst.idx.add.s32.msk $0xffff, v1  }
0x241: {  	v6 =	vcvt.f32.s32 v6;
	[tilespmem:v2+s21+$0x0] =	vst.idx.add.s32.msk $0xffff, v1;
	v2 =	vmul.f32 $2.550000000e+02, v11  }
0x242: {  	v9 =	vtrunc.f32 v9;
	[tilespmem:s28+$0xFFFFFE20] =	vst v3;
	v3 =	vshll.u32 v8, $0x8;
	v11 =	vld [tilespmem:s17+$0xFFFFFFE0]  }
0x243: {  	v13 =	vcvt.f32.s32 v9;
	[tilespmem:s28+$0xFFFFFEA0] =	vst v10;
	v7 =	vmul.f32 $2.550000000e+02, v7;
	v3 =	vadd.s32 v6, v3;
	v10 =	vld [tilespmem:s17+$0xFFFFFF60]  }
0x244: {  	v2 =	vtrunc.f32 v2;
	v9 =	vmul.f32 $2.550000000e+02, v12;
	[tilespmem:s18+$0xFFFFFE50] =	vst v6  }
0x245: {  	v2 =	vcvt.f32.s32 v2;
	v6 =	vshll.u32 v13, $0x8;
	[tilespmem:v5+s21+$0x0] =	vst.idx.add.s32.msk $0xffff, v1;
	v5 =	vtrunc.f32 v7  }
0x246: {  	v12 =	vld [tilespmem:s1+$0xFFFFFEB0];
	v14 =	vtrunc.f32 v9;
	v7 =	vcvt.f32.s32 v5;
	[tilespmem:s18+$0xFFFFFED0] =	vst v8  }
.Ltmp2:
0x247: {  	v9 =	vld [tilespmem:s1+$0xFFFFFE30];
	v8 =	vcvt.f32.s32 v14;
	v11 =	vmul.f32 $2.550000000e+02, v11;
	[tilespmem:s16+$0xFFFFFE70] =	vst v2;
	v2 =	vadd.s32 v2, v6;
	(pc) =	sbr.rel @p0 .LBB2_7-.Ltmp2, $4  }
0x248: {  	v5 =	vshll.u32 v7, $0x8;
	[tilespmem:v3+s21+$0x0] =	vst.idx.add.s32.msk $0xffff, v1;
	v3 =	vmul.f32 $2.550000000e+02, v10  }
0x249: {  	v10 =	vadd.s32 v8, v5;
	v5 =	vld [tilespmem:s17+$0xFFFFFEE0];
	v11 =	vtrunc.f32 v11;
	[tilespmem:s16+$0xFFFFFEF0] =	vst v13  }
0x24a: {  	v6 =	vld [tilespmem:s17+$0xFFFFFE60];
	v13 =	vtrunc.f32 v3;
	v3 =	vcvt.f32.s32 v11;
	[tilespmem:s11+$0xFFFFFF00] =	vst v4;
	s11 =	smov.u32 s16;
	s16 =	smov.u32 s18;
	s18 =	smov.u32 s28  }
0x24b: {  	s1 =	sadd.s32 $0x200, s1;
	v11 =	vmul.f32 $2.550000000e+02, v12;
	v4 =	vcvt.f32.s32 v13;
	[tilespmem:v15+s21+$0x0] =	vst.idx.add.s32.msk $0xffff, v1  }
0x24c: {  	v9 =	vmul.f32 $2.550000000e+02, v9  }
0x24d: {  	v11 =	vtrunc.f32 v11  }
0x24e: {  	v9 =	vtrunc.f32 v9;
	v11 =	vcvt.f32.s32 v11  }
0x24f: {  	[tilespmem:s28+$0xFFFFFF30] =	vst v8;
	v43 =	vcvt.f32.s32 v9  }
0x250: {  	[tilespmem:s28+$0xFFFFFFB0] =	vst v7;
	v44 =	vshll.u32 v11, $0x8  }
0x251: {  	[tilespmem:v10+s21+$0x0] =	vst.idx.add.s32.msk $0xffff, v1;
	v7 =	vadd.s32 v43, v44  }
0x252: {  	v45 =	vld [tilespmem:s6+$0xFFFFFFC0]  }
0x253: {  	v10 =	vld [tilespmem:s6+$0xFFFFFF40]  }
0x254: {  	[tilespmem:s28+$0xFFFFFEB0] =	vst v11  }
0x255: {  	[tilespmem:s28+$0xFFFFFE30] =	vst v43  }
0x256: {  	[tilespmem:v7+s21+$0x0] =	vst.idx.add.s32.msk $0xffff, v1  }
0x257: {  	v46 =	vmul.f32 $2.550000000e+02, v45;
	v8 =	vld [tilespmem:s6+$0xFFFFFEC0]  }
0x258: {  	v47 =	vmul.f32 $2.550000000e+02, v10;
	v48 =	vld [tilespmem:s6+$0xFFFFFE40]  }
0x259: {  	v7 =	vtrunc.f32 v46  }
0x25a: {  	v9 =	vtrunc.f32 v47;
	v7 =	vcvt.f32.s32 v7  }
0x25b: {  	v9 =	vcvt.f32.s32 v9  }
0x25c: {  	v49 =	vshll.u32 v7, $0x8;
	v8 =	vmul.f32 $2.550000000e+02, v8  }
0x25d: {  	v11 =	vadd.s32 v9, v49;
	v10 =	vmul.f32 $2.550000000e+02, v48  }
0x25e: {  	v8 =	vtrunc.f32 v8  }
0x25f: {  	v10 =	vtrunc.f32 v10;
	v8 =	vcvt.f32.s32 v8  }
0x260: {  	[tilespmem:s18+$0xFFFFFF40] =	vst v9;
	v50 =	vcvt.f32.s32 v10  }
0x261: {  	[tilespmem:s18+$0xFFFFFFC0] =	vst v7;
	v51 =	vshll.u32 v8, $0x8  }
0x262: {  	[tilespmem:v11+s21+$0x0] =	vst.idx.add.s32.msk $0xffff, v1;
	v7 =	vadd.s32 v50, v51  }
0x263: {  	v52 =	vld [tilespmem:s6+$0xFFFFFFD0]  }
0x264: {  	v11 =	vld [tilespmem:s6+$0xFFFFFF50]  }
0x265: {  	[tilespmem:s18+$0xFFFFFE40] =	vst v50  }
0x266: {  	[tilespmem:s18+$0xFFFFFEC0] =	vst v8  }
0x267: {  	[tilespmem:v7+s21+$0x0] =	vst.idx.add.s32.msk $0xffff, v1  }
0x268: {  	v53 =	vmul.f32 $2.550000000e+02, v52;
	v8 =	vld [tilespmem:s6+$0xFFFFFED0]  }
0x269: {  	v54 =	vmul.f32 $2.550000000e+02, v11;
	v55 =	vld [tilespmem:s6+$0xFFFFFE50]  }
0x26a: {  	v7 =	vtrunc.f32 v53  }
0x26b: {  	v9 =	vtrunc.f32 v54;
	v7 =	vcvt.f32.s32 v7  }
0x26c: {  	v9 =	vcvt.f32.s32 v9  }
0x26d: {  	v56 =	vshll.u32 v7, $0x8;
	v8 =	vmul.f32 $2.550000000e+02, v8  }
0x26e: {  	v11 =	vadd.s32 v9, v56;
	v10 =	vmul.f32 $2.550000000e+02, v55  }
0x26f: {  	v8 =	vtrunc.f32 v8  }
0x270: {  	v10 =	vtrunc.f32 v10;
	v8 =	vcvt.f32.s32 v8  }
0x271: {  	[tilespmem:s18+$0xFFFFFF50] =	vst v9;
	v57 =	vcvt.f32.s32 v10  }
0x272: {  	[tilespmem:s18+$0xFFFFFFD0] =	vst v7;
	v58 =	vshll.u32 v8, $0x8  }
0x273: {  	v5 =	vmul.f32 $2.550000000e+02, v5;
	[tilespmem:v11+s21+$0x0] =	vst.idx.add.s32.msk $0xffff, v1;
	v7 =	vadd.s32 v57, v58  }
0x274: {  	v6 =	vmul.f32 $2.550000000e+02, v6;
	v59 =	vld [tilespmem:s6+$0xFFFFFFE0]  }
0x275: {  	v60 =	vshll.u32 v3, $0x8;
	v5 =	vtrunc.f32 v5;
	v11 =	vld [tilespmem:s6+$0xFFFFFF60]  }
0x276: {  	v61 =	vadd.s32 v4, v60;
	v5 =	vcvt.f32.s32 v5;
	v6 =	vtrunc.f32 v6;
	[tilespmem:s18+$0xFFFFFE50] =	vst v57  }
0x277: {  	v6 =	vcvt.f32.s32 v6;
	[tilespmem:s18+$0xFFFFFED0] =	vst v8  }
0x278: {  	v16 =	vshll.u32 v5, $0x8;
	[tilespmem:v7+s21+$0x0] =	vst.idx.add.s32.msk $0xffff, v1  }
0x279: {  	[tilespmem:s16+$0xFFFFFFE0] =	vst v3;
	v17 =	vadd.s32 v6, v16;
	v62 =	vmul.f32 $2.550000000e+02, v59;
	v63 =	vld [tilespmem:s6+$0xFFFFFEE0]  }
0x27a: {  	[tilespmem:s16+$0xFFFFFF60] =	vst v4;
	v11 =	vmul.f32 $2.550000000e+02, v11;
	v12 =	vld [tilespmem:s6+$0xFFFFFE60]  }
0x27b: {  	[tilespmem:v61+s21+$0x0] =	vst.idx.add.s32.msk $0xffff, v1;
	v7 =	vtrunc.f32 v62  }
0x27c: {  	[tilespmem:s16+$0xFFFFFEE0] =	vst v5;
	v3 =	vtrunc.f32 v11;
	v7 =	vcvt.f32.s32 v7  }
0x27d: {  	v19 =	vld [tilespmem:s17+$0xFFFFFF70];
	[tilespmem:s16+$0xFFFFFE60] =	vst v6;
	v3 =	vcvt.f32.s32 v3  }
0x27e: {  	[tilespmem:v17+s21+$0x0] =	vst.idx.add.s32.msk $0xffff, v1;
	v18 =	vshll.u32 v7, $0x8;
	v9 =	vmul.f32 $2.550000000e+02, v63  }
0x27f: {  	v8 =	vld [tilespmem:s17+$0xFFFFFFF0];
	v5 =	vadd.s32 v3, v18;
	v20 =	vmul.f32 $2.550000000e+02, v12  }
0x280: {  	v24 =	vld [tilespmem:s17+$0xFFFFFE70];
	v21 =	vtrunc.f32 v9  }
0x281: {  	v22 =	vld [tilespmem:s17+$0xFFFFFEF0];
	v6 =	vtrunc.f32 v20;
	v4 =	vcvt.f32.s32 v21  }
0x282: {  	[tilespmem:s18+$0xFFFFFF60] =	vst v3;
	v3 =	vcvt.f32.s32 v6  }
0x283: {  	[tilespmem:s18+$0xFFFFFFE0] =	vst v7;
	v25 =	vshll.u32 v4, $0x8  }
0x284: {  	v23 =	vmul.f32 $2.550000000e+02, v8;
	[tilespmem:v5+s21+$0x0] =	vst.idx.add.s32.msk $0xffff, v1;
	v26 =	vadd.s32 v3, v25  }
0x285: {  	v29 =	vmul.f32 $2.550000000e+02, v24;
	v10 =	vmul.f32 $2.550000000e+02, v19;
	v27 =	vld [tilespmem:s6+$0xFFFFFFF0]  }
0x286: {  	v9 =	vmul.f32 $2.550000000e+02, v22;
	v6 =	vtrunc.f32 v23;
	v28 =	vld [tilespmem:s6+$0xFFFFFF70]  }
0x287: {  	v10 =	vtrunc.f32 v10;
	v6 =	vcvt.f32.s32 v6;
	[tilespmem:s18+$0xFFFFFEE0] =	vst v4  }
0x288: {  	v10 =	vcvt.f32.s32 v10;
	v30 =	vtrunc.f32 v9;
	[tilespmem:s18+$0xFFFFFE60] =	vst v3  }
0x289: {  	v8 =	vcvt.f32.s32 v30;
	v3 =	vshll.u32 v6, $0x8;
	[tilespmem:v26+s21+$0x0] =	vst.idx.add.s32.msk $0xffff, v1  }
0x28a: {  	v4 =	vtrunc.f32 v29;
	v3 =	vadd.s32 v10, v3;
	v31 =	vmul.f32 $2.550000000e+02, v27;
	v32 =	vld [tilespmem:s6+$0xFFFFFEF0]  }
0x28b: {  	v4 =	vcvt.f32.s32 v4;
	v33 =	vmul.f32 $2.550000000e+02, v28;
	v34 =	vld [tilespmem:s6+$0xFFFFFE70]  }
0x28c: {  	[tilespmem:v2+s21+$0x0] =	vst.idx.add.s32.msk $0xffff, v1;
	v2 =	vshll.u32 v8, $0x8;
	v5 =	vtrunc.f32 v31  }
0x28d: {  	v35 =	vld [tilespmem:s12+$0xFFFFFF00];
	[tilespmem:s16+$0xFFFFFF70] =	vst v10;
	v2 =	vadd.s32 v4, v2;
	v9 =	vtrunc.f32 v33;
	v5 =	vcvt.f32.s32 v5  }
0x28e: {  	v36 =	vld [tilespmem:s12+$0xFFFFFE80];
	[tilespmem:s16+$0xFFFFFFF0] =	vst v6;
	v37 =	vcvt.f32.s32 v9  }
0x28f: {  	[tilespmem:v3+s21+$0x0] =	vst.idx.add.s32.msk $0xffff, v1;
	v3 =	vshll.u32 v5, $0x8;
	v7 =	vmul.f32 $2.550000000e+02, v32  }
0x290: {  	[tilespmem:s16+$0xFFFFFEF0] =	vst v8;
	v38 =	vld [tilespmem:s17+$0x0];
	v3 =	vadd.s32 v37, v3;
	v39 =	vmul.f32 $2.550000000e+02, v34  }
0x291: {  	[tilespmem:s16+$0xFFFFFE70] =	vst v4;
	v40 =	vld [tilespmem:s17+$0xFFFFFF80];
	v7 =	vtrunc.f32 v7  }
0x292: {  	[tilespmem:v2+s21+$0x0] =	vst.idx.add.s32.msk $0xffff, v1;
	v4 =	vtrunc.f32 v39;
	v2 =	vcvt.f32.s32 v7  }
0x293: {  	v41 =	vld [tilespmem:s17+$0xFFFFFF00];
	[tilespmem:s18+$0xFFFFFF70] =	vst v37;
	v4 =	vcvt.f32.s32 v4  }
0x294: {  	v42 =	vld [tilespmem:s17+$0xFFFFFE80];
	[tilespmem:s18+$0xFFFFFFF0] =	vst v5;
	v43 =	vshll.u32 v2, $0x8  }
0x295: {  	v45 =	vmul.f32 $2.550000000e+02, v36;
	v9 =	vmul.f32 $2.550000000e+02, v38;
	[tilespmem:v3+s21+$0x0] =	vst.idx.add.s32.msk $0xffff, v1;
	v3 =	vadd.s32 v4, v43  }
0x296: {  	v44 =	vmul.f32 $2.550000000e+02, v35;
	v46 =	vmul.f32 $2.550000000e+02, v40;
	v47 =	vld [tilespmem:s6+$0x0]  }
0x297: {  	v49 =	vtrunc.f32 v45;
	v9 =	vtrunc.f32 v9;
	v48 =	vld [tilespmem:s6+$0xFFFFFF80]  }
0x298: {  	v10 =	vtrunc.f32 v46;
	v9 =	vcvt.f32.s32 v9;
	[tilespmem:s18+$0xFFFFFE70] =	vst v4  }
0x299: {  	v8 =	vtrunc.f32 v44;
	v50 =	vcvt.f32.s32 v10;
	[tilespmem:s18+$0xFFFFFEF0] =	vst v2  }
0x29a: {  	v6 =	vmul.f32 $2.550000000e+02, v42;
	v7 =	vmul.f32 $2.550000000e+02, v41;
	v51 =	vshll.u32 v9, $0x8;
	[tilespmem:v3+s21+$0x0] =	vst.idx.add.s32.msk $0xffff, v1  }
0x29b: {  	v2 =	vcvt.f32.s32 v8;
	v52 =	vmul.f32 $2.550000000e+02, v47;
	v3 =	vadd.s32 v50, v51;
	v53 =	vld [tilespmem:s6+$0xFFFFFF00]  }
0x29c: {  	v55 =	vtrunc.f32 v7;
	v12 =	vmul.f32 $2.550000000e+02, v48;
	v13 =	vld [tilespmem:s6+$0xFFFFFE80]  }
0x29d: {  	v4 =	vcvt.f32.s32 v49;
	[tilespmem:s16+$0xFFFFFF80] =	vst v50;
	v56 =	vtrunc.f32 v52  }
0x29e: {  	[tilespmem:s16+$0x0] =	vst v9;
	v54 =	vshll.u32 v2, $0x8;
	v57 =	vtrunc.f32 v12;
	v7 =	vcvt.f32.s32 v56  }
0x29f: {  	v11 =	vadd.s32 v4, v54;
	[tilespmem:s11+$0xFFFFFE80] =	vst v4;
	v4 =	vcvt.f32.s32 v55;
	v5 =	vcvt.f32.s32 v57  }
0x2a0: {  	v58 =	vshll.u32 v7, $0x8;
	[tilespmem:v3+s21+$0x0] =	vst.idx.add.s32.msk $0xffff, v1;
	v3 =	vtrunc.f32 v6;
	v59 =	vmul.f32 $2.550000000e+02, v53  }
0x2a1: {  	[tilespmem:s11+$0xFFFFFF00] =	vst v2;
	v2 =	vcvt.f32.s32 v3;
	v3 =	vadd.s32 v5, v58;
	v60 =	vmul.f32 $2.550000000e+02, v13  }
0x2a2: {  	v61 =	vshll.u32 v4, $0x8;
	[tilespmem:s16+$0xFFFFFF00] =	vst v4;
	v8 =	vtrunc.f32 v59  }
0x2a3: {  	v9 =	vadd.s32 v2, v61;
	[tilespmem:s16+$0xFFFFFE80] =	vst v2;
	v6 =	vtrunc.f32 v60;
	v2 =	vcvt.f32.s32 v8  }
0x2a4: {  	[tilespmem:s18+$0xFFFFFF80] =	vst v5;
	v62 =	vcvt.f32.s32 v6  }
0x2a5: {  	[tilespmem:s18+$0x0] =	vst v7;
	v63 =	vshll.u32 v2, $0x8  }
0x2a6: {  	s25 =	sadd.s32 $0x1, s25;
	[tilespmem:v3+s21+$0x0] =	vst.idx.add.s32.msk $0xffff, v1;
	v3 =	vadd.s32 v62, v63  }
0x2a7: {  	p0 =	sne.s32 s25, $0x8;
	[tilespmem:v11+s21+$0x0] =	vst.idx.add.s32.msk $0xffff, v1  }
.Ltmp3:
0x2a8: {  	[tilespmem:s18+$0xFFFFFE80] =	vst v62;
	(pc) =	sbr.rel @p0 .LBB2_4-.Ltmp3, $4  }
0x2a9: {  	[tilespmem:s18+$0xFFFFFF00] =	vst v2  }
0x2aa: {  	[tilespmem:v9+s21+$0x0] =	vst.idx.add.s32.msk $0xffff, v1  }
0x2ab: {  	s1 =	sadd.s32 s15, s26;
	[tilespmem:v3+s21+$0x0] =	vst.idx.add.s32.msk $0xffff, v1  }
0x2ac: {  	[hbm4b:s1+s3] =	stream.linear.scatter [tilespmem:s24], [sflag:$0x4], $0x2000, $0x38;
	[tilespmem:$0x1C000] =	vst v63  }
0x2ad: {  	s1 =	rddreg [dreg:$0x6]  }
0x2ae: {  	s2 =	rddreg [dreg:$0x7]  }
0x2af: {  	s4 =	simm.s32 $0x80;
	s6 =	simm.s32 $0x400;
	s28 =	simm.s32 $0x5  }
0x2b0: {  	[hbm4b:s1+s4] =	stream.strided.scatter [tilespmem:s2], [sflag:$0x5], $0x8000, s6, s4, $0x38;
	[tilespmem:$0x1C000] =	vst v63  }
0x2b1: {  	_ =	swait.ge [sflag:s28], $0x8000  }
0x2b2: {  	[sflag:s28] =	ssyncset.done $0x0  }
0x2b3: {  	s29 =	simm.s32 $0x3;
	[sflag:s28] =	ssyncadd.s32 $0xFFFF8000  }
0x2b4: {  	_ =	swait.ge [sflag:s29], $0x2000  }
0x2b5: {  	[sflag:s29] =	ssyncset.done $0x0  }
0x2b6: {  	[sflag:s29] =	ssyncadd.s32 $0xFFFFE000  }
0x2b7: {  	_ =	swait.ge [sflag:s30], $0x2000  }
0x2b8: {  	s12 =	sadd.s32 $0x0, s13;
	[sflag:s30] =	ssyncset.done $0x0  }
0x2b9: {  	s11 =	simm.s32 $0x18100;
	s6 =	simm.s32 $0x0;
	[sflag:s30] =	ssyncadd.s32 $0xFFFFE000  }
0x2ba: {  	s1 =	simm.s32 $0x18000;
	s4 =	simm.s32 $0x80;
	[bflag:$0x0] =	sbarrier.arrive $0xFFFF  }
.LBB2_10:
0x2bb: {  	[tilespmem:s1], [sflag:$0x1] =	stream.linear.gather [hbm4b:s12+s6], $0x80, $0x38;
	[tilespmem:$0x1C000] =	vst v63  }
0x2bc: {  	s12 =	smov.u32 s4;
	s1 =	smov.u32 s11;
	p0 =	sne.s32 s4, $0xF80  }
.Ltmp4:
0x2bd: {  	s4 =	sadd.s32 $0x80, s4;
	(pc) =	sbr.rel @p0 .LBB2_10-.Ltmp4, $2  }
0x2be: {  	_ =	sdelay $0x2  }
0x2bf: {  	s11 =	sadd.s32 $0x100, s11;
	s12 =	sadd.s32 s12, s13  }
0x2c0: {  	[tilespmem:s1], [sflag:$0x1] =	stream.linear.gather [hbm4b:s12+s6], $0x80, $0x38;
	[tilespmem:$0x1C000] =	vst v63  }
0x2c1: {  	s11 =	rddreg [dreg:$0xb]  }
0x2c2: {  	s12 =	rddreg [dreg:$0xa]  }
.LBB2_12:
0x2c3: {  	s16 =	sshllo.u32 s6, $0x1  }
0x2c4: {  	s1 =	sshll.u32 s16, $0xF  }
0x2c5: {  	s1 =	sadd.s32 s10, s1  }
0x2c6: {  	_ =	swait.ge [sflag:s19], $0x1000;
	s4 =	simm.s32 $0x18080;
	s1 =	sshrl.u32 s1, $0x3  }
0x2c7: {  	s17 =	simm.s32 $0x80;
	[sflag:s19] =	ssyncset.done $0x0;
	s1 =	sadd.s32 s5, s1  }
0x2c8: {  	s18 =	simm.s32 $0x18180;
	[sflag:s19] =	ssyncadd.s32 $0xFFFFF000;
	s25 =	sadd.s32 $0x0, s1  }
.LBB2_13:
0x2c9: {  	[tilespmem:s4], [sflag:$0x2] =	stream.linear.gather [hbm4b:s25+s3], $0x80, $0x38;
	[tilespmem:$0x1C000] =	vst v63  }
0x2ca: {  	s25 =	smov.u32 s17;
	s4 =	smov.u32 s18;
	p0 =	sne.s32 s17, $0xF80  }
.Ltmp5:
0x2cb: {  	s17 =	sadd.s32 $0x80, s17;
	(pc) =	sbr.rel @p0 .LBB2_13-.Ltmp5, $2  }
0x2cc: {  	_ =	sdelay $0x2  }
0x2cd: {  	s18 =	sadd.s32 $0x100, s18;
	s25 =	sadd.s32 s25, s1  }
0x2ce: {  	[tilespmem:s4], [sflag:$0x2] =	stream.linear.gather [hbm4b:s25+s3], $0x80, $0x38;
	[tilespmem:$0x1C000] =	vst v63  }
0x2cf: {  	p0 =	seq.s32 s6, $0x0  }
0x2d0: {  	s1 =	simm.s32 @!p0 $0x3  }
0x2d1: {  	_ =	swait.ge @!p0 [sflag:s1], $0x1000  }
0x2d2: {  	[sflag:s1] =	ssyncset.done @!p0 $0x0  }
0x2d3: {  	[sflag:s1] =	ssyncadd.s32 @!p0 $0xFFFFF000  }
0x2d4: {  	s28 =	simm.s32 $0x18100;
	v2 =	vld [tilespmem:s12+$0x0]  }
0x2d5: {  	v3 =	vld [tilespmem:s28+$0x0];
	_ =	sdelay $0x1  }
0x2d6: {  	s25 =	simm.s32 $0x0;
	s26 =	simm.s32 $0x0  }
0x2d7: {  	s4 =	sand.u32 $0x10, s26;
	s1 =	sand.u32 $0x7, s25;
	v4 =	vld [tilespmem:s12+$0xFFFFFF80]  }
0x2d8: {  	s1 =	sor.u32 s4, s1;
	v5 =	vld [tilespmem:s28+$0xFFFFFF00]  }
0x2d9: {  	s1 =	sshll.u32 s1, $0x7;
	v2 =	vadd.s32 v2, v3  }
0x2da: {  	[tilespmem:s1+$0x1A400] =	vst v2  }
0x2db: {  	v2 =	vld [tilespmem:s12+$0x10]  }
0x2dc: {  	v3 =	vld [tilespmem:s28+$0x10]  }
0x2dd: {  	v4 =	vadd.s32 v4, v5  }
0x2de: {  	[tilespmem:s1+$0x1A000] =	vst v4  }
0x2df: {  	v4 =	vld [tilespmem:s12+$0xFFFFFF90]  }
0x2e0: {  	v5 =	vld [tilespmem:s28+$0xFFFFFF10]  }
0x2e1: {  	v2 =	vadd.s32 v2, v3  }
0x2e2: {  	[tilespmem:s1+$0x1A410] =	vst v2  }
0x2e3: {  	v2 =	vld [tilespmem:s12+$0x20]  }
0x2e4: {  	v3 =	vld [tilespmem:s28+$0x20]  }
0x2e5: {  	v4 =	vadd.s32 v4, v5  }
0x2e6: {  	[tilespmem:s1+$0x1A010] =	vst v4  }
0x2e7: {  	v4 =	vld [tilespmem:s12+$0xFFFFFFA0]  }
0x2e8: {  	v5 =	vld [tilespmem:s28+$0xFFFFFF20]  }
0x2e9: {  	v2 =	vadd.s32 v2, v3  }
0x2ea: {  	[tilespmem:s1+$0x1A420] =	vst v2  }
0x2eb: {  	v2 =	vld [tilespmem:s12+$0x30]  }
0x2ec: {  	v3 =	vld [tilespmem:s28+$0x30]  }
0x2ed: {  	v4 =	vadd.s32 v4, v5  }
0x2ee: {  	[tilespmem:s1+$0x1A020] =	vst v4  }
0x2ef: {  	v4 =	vld [tilespmem:s12+$0xFFFFFFB0]  }
0x2f0: {  	s4 =	sadd.s32 $0x100, s12;
	v5 =	vld [tilespmem:s28+$0xFFFFFF30]  }
0x2f1: {  	s18 =	simm.s32 $0x18300;
	v2 =	vadd.s32 v2, v3;
	v3 =	vld [tilespmem:s4+$0x0]  }
0x2f2: {  	[tilespmem:s1+$0x1A430] =	vst v2;
	v2 =	vld [tilespmem:s18+$0x0]  }
0x2f3: {  	v6 =	vld [tilespmem:s12+$0x40]  }
0x2f4: {  	s26 =	simm.s32 $0x1;
	s25 =	simm.s32 $0x2;
	v7 =	vld [tilespmem:s28+$0x40]  }
0x2f5: {  	s29 =	sand.u32 $0x7, s26;
	s17 =	sand.u32 $0x10, s25;
	v4 =	vadd.s32 v4, v5;
	v5 =	vld [tilespmem:s4+$0xFFFFFF80]  }
0x2f6: {  	s17 =	sor.u32 s17, s29;
	[tilespmem:s1+$0x1A030] =	vst v4;
	v4 =	vld [tilespmem:s18+$0xFFFFFF00]  }
0x2f7: {  	s17 =	sshll.u32 s17, $0x7;
	v2 =	vadd.s32 v3, v2;
	v3 =	vld [tilespmem:s12+$0xFFFFFFC0]  }
0x2f8: {  	[tilespmem:s17+$0x1A400] =	vst v2;
	v2 =	vld [tilespmem:s28+$0xFFFFFF40]  }
0x2f9: {  	v6 =	vadd.s32 v6, v7;
	v8 =	vld [tilespmem:s4+$0x10]  }
0x2fa: {  	v7 =	vld [tilespmem:s18+$0x10];
	[tilespmem:s1+$0x1A440] =	vst v6  }
0x2fb: {  	v4 =	vadd.s32 v5, v4;
	v5 =	vld [tilespmem:s12+$0x50]  }
0x2fc: {  	[tilespmem:s17+$0x1A000] =	vst v4;
	v4 =	vld [tilespmem:s28+$0x50]  }
0x2fd: {  	v6 =	vld [tilespmem:s4+$0xFFFFFF90];
	v2 =	vadd.s32 v3, v2  }
0x2fe: {  	v3 =	vld [tilespmem:s18+$0xFFFFFF10];
	[tilespmem:s1+$0x1A040] =	vst v2  }
0x2ff: {  	v2 =	vadd.s32 v8, v7;
	v7 =	vld [tilespmem:s12+$0xFFFFFFD0]  }
0x300: {  	[tilespmem:s17+$0x1A410] =	vst v2;
	v2 =	vld [tilespmem:s28+$0xFFFFFF50]  }
0x301: {  	v4 =	vadd.s32 v5, v4;
	v8 =	vld [tilespmem:s4+$0x20]  }
0x302: {  	v5 =	vld [tilespmem:s18+$0x20];
	[tilespmem:s1+$0x1A450] =	vst v4  }
0x303: {  	v4 =	vld [tilespmem:s12+$0x60];
	v3 =	vadd.s32 v6, v3  }
0x304: {  	[tilespmem:s17+$0x1A010] =	vst v3;
	v3 =	vld [tilespmem:s28+$0x60]  }
0x305: {  	v6 =	vld [tilespmem:s4+$0xFFFFFFA0];
	v2 =	vadd.s32 v7, v2  }
0x306: {  	v7 =	vld [tilespmem:s18+$0xFFFFFF20];
	[tilespmem:s1+$0x1A050] =	vst v2  }
0x307: {  	v2 =	vadd.s32 v8, v5;
	v5 =	vld [tilespmem:s12+$0xFFFFFFE0]  }
0x308: {  	[tilespmem:s17+$0x1A420] =	vst v2;
	v2 =	vld [tilespmem:s28+$0xFFFFFF60]  }
0x309: {  	v8 =	vld [tilespmem:s4+$0x30];
	v3 =	vadd.s32 v4, v3  }
0x30a: {  	v9 =	vld [tilespmem:s18+$0x30];
	[tilespmem:s1+$0x1A460] =	vst v3  }
0x30b: {  	v4 =	vadd.s32 v6, v7;
	v3 =	vld [tilespmem:s12+$0x70]  }
0x30c: {  	[tilespmem:s17+$0x1A020] =	vst v4;
	v4 =	vld [tilespmem:s28+$0x70]  }
0x30d: {  	v6 =	vld [tilespmem:s4+$0xFFFFFFB0];
	v2 =	vadd.s32 v5, v2  }
0x30e: {  	v7 =	vld [tilespmem:s18+$0xFFFFFF30];
	[tilespmem:s1+$0x1A060] =	vst v2  }
0x30f: {  	v2 =	vld [tilespmem:s12+$0xFFFFFFF0]  }
0x310: {  	s29 =	sadd.s32 $0x100, s4;
	v8 =	vadd.s32 v8, v9;
	v5 =	vld [tilespmem:s28+$0xFFFFFF70];
	s28 =	simm.s32 $0x18300  }
.LBB2_15:
0x311: {  	v9 =	vld [tilespmem:s29+$0x0];
	[tilespmem:s17+$0x1A430] =	vst v8;
	s18 =	sadd.s32 $0x200, s18;
	v3 =	vadd.s32 v3, v4  }
0x312: {  	v4 =	vld [tilespmem:s18+$0x0];
	[tilespmem:s1+$0x1A470] =	vst v3  }
0x313: {  	v3 =	vadd.s32 v6, v7;
	v6 =	vld [tilespmem:s4+$0x40]  }
0x314: {  	s25 =	sadd.s32 $0x2, s25;
	s26 =	sadd.s32 $0x1, s26;
	[tilespmem:s17+$0x1A030] =	vst v3;
	v3 =	vld [tilespmem:s28+$0x40]  }
0x315: {  	s2 =	sand.u32 $0x10, s25;
	s15 =	sand.u32 $0x7, s26;
	p1 =	slt.u32 s25, $0x1E;
	v7 =	vld [tilespmem:s29+$0xFFFFFF80];
	v2 =	vadd.s32 v2, v5  }
0x316: {  	s2 =	sor.u32 s2, s15;
	v5 =	vld [tilespmem:s18+$0xFFFFFF00];
	[tilespmem:s1+$0x1A070] =	vst v2;
	s1 =	smov.u32 s17  }
0x317: {  	s17 =	sshll.u32 s2, $0x7;
	v2 =	vadd.s32 v9, v4;
	v4 =	vld [tilespmem:s4+$0xFFFFFFC0]  }
0x318: {  	[tilespmem:s17+$0x1A400] =	vst v2;
	v2 =	vld [tilespmem:s28+$0xFFFFFF40]  }
0x319: {  	v8 =	vld [tilespmem:s29+$0x10];
	v3 =	vadd.s32 v6, v3  }
0x31a: {  	v6 =	vld [tilespmem:s18+$0x10];
	[tilespmem:s1+$0x1A440] =	vst v3  }
0x31b: {  	v3 =	vadd.s32 v7, v5;
	v5 =	vld [tilespmem:s4+$0x50]  }
0x31c: {  	[tilespmem:s17+$0x1A000] =	vst v3;
	v3 =	vld [tilespmem:s28+$0x50]  }
0x31d: {  	v7 =	vld [tilespmem:s29+$0xFFFFFF90];
	v2 =	vadd.s32 v4, v2  }
0x31e: {  	v4 =	vld [tilespmem:s18+$0xFFFFFF10];
	[tilespmem:s1+$0x1A040] =	vst v2  }
0x31f: {  	v2 =	vadd.s32 v8, v6;
	v6 =	vld [tilespmem:s4+$0xFFFFFFD0]  }
0x320: {  	[tilespmem:s17+$0x1A410] =	vst v2;
	v2 =	vld [tilespmem:s28+$0xFFFFFF50]  }
0x321: {  	v8 =	vld [tilespmem:s29+$0x20];
	v3 =	vadd.s32 v5, v3  }
0x322: {  	v5 =	vld [tilespmem:s18+$0x20];
	[tilespmem:s1+$0x1A450] =	vst v3  }
0x323: {  	v3 =	vadd.s32 v7, v4;
	v4 =	vld [tilespmem:s4+$0x60]  }
0x324: {  	[tilespmem:s17+$0x1A010] =	vst v3;
	v3 =	vld [tilespmem:s28+$0x60]  }
0x325: {  	v7 =	vld [tilespmem:s29+$0xFFFFFFA0];
	v2 =	vadd.s32 v6, v2  }
0x326: {  	v6 =	vld [tilespmem:s18+$0xFFFFFF20];
	[tilespmem:s1+$0x1A050] =	vst v2  }
0x327: {  	v2 =	vadd.s32 v8, v5;
	v5 =	vld [tilespmem:s4+$0xFFFFFFE0]  }
0x328: {  	[tilespmem:s17+$0x1A420] =	vst v2;
	v2 =	vld [tilespmem:s28+$0xFFFFFF60]  }
0x329: {  	v8 =	vld [tilespmem:s29+$0x30];
	v3 =	vadd.s32 v4, v3  }
0x32a: {  	v9 =	vld [tilespmem:s18+$0x30];
	[tilespmem:s1+$0x1A460] =	vst v3  }
0x32b: {  	v4 =	vadd.s32 v7, v6;
	v3 =	vld [tilespmem:s4+$0x70]  }
.Ltmp6:
0x32c: {  	[tilespmem:s17+$0x1A020] =	vst v4;
	v4 =	vld [tilespmem:s28+$0x70];
	(pc) =	sbr.rel @p1 .LBB2_15-.Ltmp6, $4  }
0x32d: {  	v6 =	vld [tilespmem:s29+$0xFFFFFFB0];
	v2 =	vadd.s32 v5, v2  }
0x32e: {  	v7 =	vld [tilespmem:s18+$0xFFFFFF30];
	[tilespmem:s1+$0x1A060] =	vst v2  }
0x32f: {  	v2 =	vld [tilespmem:s4+$0xFFFFFFF0];
	s4 =	smov.u32 s29  }
0x330: {  	v8 =	vadd.s32 v8, v9;
	s29 =	sadd.s32 $0x100, s29;
	v5 =	vld [tilespmem:s28+$0xFFFFFF70];
	s28 =	smov.u32 s18  }
0x331: {  	_ = 	snop  }
0x332: {  	[tilespmem:s17+$0x1A430] =	vst v8  }
0x333: {  	v54 =	vld [tilespmem:s4+$0x40];
	v6 =	vadd.s32 v6, v7  }
0x334: {  	v55 =	vld [tilespmem:s28+$0x40];
	[tilespmem:s17+$0x1A030] =	vst v6  }
0x335: {  	v56 =	vld [tilespmem:s4+$0xFFFFFFC0]  }
0x336: {  	v9 =	vld [tilespmem:s28+$0xFFFFFF40];
	_ =	sdelay $0x2  }
0x337: {  	v6 =	vadd.s32 v54, v55  }
0x338: {  	[tilespmem:s17+$0x1A440] =	vst v6  }
0x339: {  	v6 =	vld [tilespmem:s4+$0x50];
	v57 =	vadd.s32 v56, v9  }
0x33a: {  	v58 =	vld [tilespmem:s28+$0x50];
	[tilespmem:s17+$0x1A040] =	vst v57  }
0x33b: {  	v7 =	vld [tilespmem:s4+$0xFFFFFFD0]  }
0x33c: {  	v59 =	vld [tilespmem:s28+$0xFFFFFF50];
	_ =	sdelay $0x2  }
0x33d: {  	v6 =	vadd.s32 v6, v58  }
0x33e: {  	[tilespmem:s17+$0x1A450] =	vst v6  }
0x33f: {  	v6 =	vld [tilespmem:s4+$0x60];
	v7 =	vadd.s32 v7, v59  }
0x340: {  	v60 =	vld [tilespmem:s28+$0x60];
	[tilespmem:s17+$0x1A050] =	vst v7  }
0x341: {  	v7 =	vld [tilespmem:s4+$0xFFFFFFE0]  }
0x342: {  	v61 =	vld [tilespmem:s28+$0xFFFFFF60];
	_ =	sdelay $0x2  }
0x343: {  	v6 =	vadd.s32 v6, v60  }
0x344: {  	[tilespmem:s17+$0x1A460] =	vst v6  }
0x345: {  	v6 =	vld [tilespmem:s4+$0x70];
	v7 =	vadd.s32 v7, v61  }
0x346: {  	v62 =	vld [tilespmem:s28+$0x70];
	[tilespmem:s17+$0x1A060] =	vst v7  }
0x347: {  	v7 =	vld [tilespmem:s4+$0xFFFFFFF0]  }
0x348: {  	v63 =	vld [tilespmem:s28+$0xFFFFFF70];
	_ =	sdelay $0x1  }
0x349: {  	v3 =	vadd.s32 v3, v4  }
0x34a: {  	[tilespmem:s1+$0x1A470] =	vst v3;
	v2 =	vadd.s32 v2, v5  }
0x34b: {  	[tilespmem:s1+$0x1A070] =	vst v2;
	v2 =	vadd.s32 v6, v62  }
0x34c: {  	s29 =	sshll.u32 s6, $0xA;
	p1 =	seq.s32 s6, $0x3;
	[tilespmem:s17+$0x1A470] =	vst v2;
	v2 =	vadd.s32 v7, v63  }
.Ltmp7:
0x34d: {  	s1 =	sadd.s32 s29, s14;
	[tilespmem:s17+$0x1A070] =	vst v2;
	(pc) =	sbr.rel @p1 .LBB2_20-.Ltmp7, $4  }
0x34e: {  	[hbm4b:s1+s3] =	stream.linear.scatter [tilespmem:s31], [sflag:$0x3], $0x1000, $0x38;
	[tilespmem:$0x1C000] =	vst v63  }
0x34f: {  	_ =	swait.ge [sflag:s23], $0x1000  }
0x350: {  	[sflag:s23] =	ssyncset.done $0x0  }
0x351: {  	[sflag:s23] =	ssyncadd.s32 $0xFFFFF000  }
0x352: {  	s1 =	sshll.u32 s6, $0x10;
	s2 =	rddreg [dreg:$0x8]  }
0x353: {  	s1 =	sadd.s32 s1, s2  }
0x354: {  	s1 =	sshrl.u32 s1, $0x3  }
0x355: {  	s4 =	simm.s32 $0x18000;
	s1 =	sadd.s32 s5, s1  }
0x356: {  	s17 =	simm.s32 $0x80;
	s18 =	simm.s32 $0x18100;
	s25 =	sadd.s32 $0x0, s1  }
.LBB2_18:
0x357: {  	[tilespmem:s4], [sflag:$0x1] =	stream.linear.gather [hbm4b:s25+s3], $0x80, $0x38;
	[tilespmem:$0x1C000] =	vst v63  }
0x358: {  	s2 =	smov.u32 s17;
	s4 =	smov.u32 s18;
	p1 =	sne.s32 s17, $0xF80  }
.Ltmp8:
0x359: {  	s17 =	sadd.s32 $0x80, s17;
	(pc) =	sbr.rel @p1 .LBB2_18-.Ltmp8, $2  }
0x35a: {  	_ =	sdelay $0x2  }
0x35b: {  	s18 =	sadd.s32 $0x100, s18;
	s25 =	sadd.s32 s2, s1  }
.Ltmp9:
0x35c: {  	(pc) =	sbr.rel @p0 .LBB2_21-.Ltmp9, $2  }
0x35d: {  	_ =	sdelay $0x2  }
0x35e: {  	[tilespmem:s4], [sflag:$0x1] =	stream.linear.gather [hbm4b:s25+s3], $0x80, $0x38;
	[tilespmem:$0x1C000] =	vst v63  }
.LBB2_20:
0x35f: {  	_ =	swait.ge [sflag:s30], $0x1000  }
0x360: {  	[sflag:s30] =	ssyncset.done $0x0  }
0x361: {  	[sflag:s30] =	ssyncadd.s32 $0xFFFFF000  }
.LBB2_21:
0x362: {  	s28 =	simm.s32 $0x18180;
	v2 =	vld [tilespmem:s11+$0xFFFFFF90]  }
0x363: {  	v3 =	vld [tilespmem:s28+$0x0];
	_ =	sdelay $0x1  }
0x364: {  	s1 =	simm.s32 $0x0;
	s2 =	simm.s32 $0x0  }
0x365: {  	v4 =	vld [tilespmem:s11+$0xFFFFFF10];
	s2 =	sand.u32 $0x10, s2;
	s1 =	sand.u32 $0x7, s1  }
0x366: {  	v5 =	vld [tilespmem:s28+$0xFFFFFF00];
	s1 =	sor.u32 s2, s1  }
0x367: {  	s1 =	sshll.u32 s1, $0x7;
	v2 =	vadd.s32 v2, v3  }
0x368: {  	[tilespmem:s1+$0x1B400] =	vst v2  }
0x369: {  	v2 =	vld [tilespmem:s11+$0xFFFFFFA0]  }
0x36a: {  	v3 =	vld [tilespmem:s28+$0x10]  }
0x36b: {  	v4 =	vadd.s32 v4, v5  }
0x36c: {  	[tilespmem:s1+$0x1B000] =	vst v4  }
0x36d: {  	v4 =	vld [tilespmem:s11+$0xFFFFFF20]  }
0x36e: {  	v5 =	vld [tilespmem:s28+$0xFFFFFF10]  }
0x36f: {  	v2 =	vadd.s32 v2, v3  }
0x370: {  	[tilespmem:s1+$0x1B410] =	vst v2  }
0x371: {  	v2 =	vld [tilespmem:s11+$0xFFFFFFB0]  }
0x372: {  	v3 =	vld [tilespmem:s28+$0x20]  }
0x373: {  	v4 =	vadd.s32 v4, v5  }
0x374: {  	[tilespmem:s1+$0x1B010] =	vst v4  }
0x375: {  	v4 =	vld [tilespmem:s11+$0xFFFFFF30]  }
0x376: {  	v5 =	vld [tilespmem:s28+$0xFFFFFF20]  }
0x377: {  	v2 =	vadd.s32 v2, v3  }
0x378: {  	[tilespmem:s1+$0x1B420] =	vst v2  }
0x379: {  	v2 =	vld [tilespmem:s11+$0xFFFFFFC0]  }
0x37a: {  	v3 =	vld [tilespmem:s28+$0x30]  }
0x37b: {  	v4 =	vadd.s32 v4, v5  }
0x37c: {  	[tilespmem:s1+$0x1B020] =	vst v4  }
0x37d: {  	v4 =	vld [tilespmem:s11+$0xFFFFFF40]  }
0x37e: {  	s4 =	sadd.s32 $0x100, s11;
	v5 =	vld [tilespmem:s28+$0xFFFFFF30]  }
0x37f: {  	s18 =	simm.s32 $0x18380;
	v2 =	vadd.s32 v2, v3;
	v3 =	vld [tilespmem:s4+$0xFFFFFF90]  }
0x380: {  	[tilespmem:s1+$0x1B430] =	vst v2;
	v2 =	vld [tilespmem:s18+$0x0]  }
0x381: {  	v6 =	vld [tilespmem:s11+$0xFFFFFFD0]  }
0x382: {  	s25 =	simm.s32 $0x2;
	s26 =	simm.s32 $0x1;
	v7 =	vld [tilespmem:s28+$0x40]  }
0x383: {  	s17 =	sand.u32 $0x10, s25;
	s15 =	sand.u32 $0x7, s26;
	v4 =	vadd.s32 v4, v5;
	v5 =	vld [tilespmem:s4+$0xFFFFFF10]  }
0x384: {  	s2 =	sor.u32 s17, s15;
	[tilespmem:s1+$0x1B030] =	vst v4;
	v4 =	vld [tilespmem:s18+$0xFFFFFF00]  }
0x385: {  	s17 =	sshll.u32 s2, $0x7;
	v2 =	vadd.s32 v3, v2;
	v3 =	vld [tilespmem:s11+$0xFFFFFF50]  }
0x386: {  	[tilespmem:s17+$0x1B400] =	vst v2;
	v2 =	vld [tilespmem:s28+$0xFFFFFF40]  }
0x387: {  	v6 =	vadd.s32 v6, v7;
	v8 =	vld [tilespmem:s4+$0xFFFFFFA0]  }
0x388: {  	v7 =	vld [tilespmem:s18+$0x10];
	[tilespmem:s1+$0x1B440] =	vst v6  }
0x389: {  	v4 =	vadd.s32 v5, v4;
	v5 =	vld [tilespmem:s11+$0xFFFFFFE0]  }
0x38a: {  	[tilespmem:s17+$0x1B000] =	vst v4;
	v4 =	vld [tilespmem:s28+$0x50]  }
0x38b: {  	v6 =	vld [tilespmem:s4+$0xFFFFFF20];
	v2 =	vadd.s32 v3, v2  }
0x38c: {  	v3 =	vld [tilespmem:s18+$0xFFFFFF10];
	[tilespmem:s1+$0x1B040] =	vst v2  }
0x38d: {  	v2 =	vadd.s32 v8, v7;
	v7 =	vld [tilespmem:s11+$0xFFFFFF60]  }
0x38e: {  	[tilespmem:s17+$0x1B410] =	vst v2;
	v2 =	vld [tilespmem:s28+$0xFFFFFF50]  }
0x38f: {  	v4 =	vadd.s32 v5, v4;
	v8 =	vld [tilespmem:s4+$0xFFFFFFB0]  }
0x390: {  	v5 =	vld [tilespmem:s18+$0x20];
	[tilespmem:s1+$0x1B450] =	vst v4  }
0x391: {  	v4 =	vld [tilespmem:s11+$0xFFFFFFF0];
	v3 =	vadd.s32 v6, v3  }
0x392: {  	[tilespmem:s17+$0x1B010] =	vst v3;
	v3 =	vld [tilespmem:s28+$0x60]  }
0x393: {  	v6 =	vld [tilespmem:s4+$0xFFFFFF30];
	v2 =	vadd.s32 v7, v2  }
0x394: {  	v7 =	vld [tilespmem:s18+$0xFFFFFF20];
	[tilespmem:s1+$0x1B050] =	vst v2  }
0x395: {  	v2 =	vadd.s32 v8, v5;
	v5 =	vld [tilespmem:s11+$0xFFFFFF70]  }
0x396: {  	[tilespmem:s17+$0x1B420] =	vst v2;
	v2 =	vld [tilespmem:s28+$0xFFFFFF60]  }
0x397: {  	v8 =	vld [tilespmem:s4+$0xFFFFFFC0];
	v3 =	vadd.s32 v4, v3  }
0x398: {  	v9 =	vld [tilespmem:s18+$0x30];
	[tilespmem:s1+$0x1B460] =	vst v3  }
0x399: {  	v4 =	vadd.s32 v6, v7;
	v3 =	vld [tilespmem:s11+$0x0]  }
0x39a: {  	[tilespmem:s17+$0x1B020] =	vst v4;
	v4 =	vld [tilespmem:s28+$0x70]  }
0x39b: {  	v6 =	vld [tilespmem:s4+$0xFFFFFF40];
	v2 =	vadd.s32 v5, v2  }
0x39c: {  	v7 =	vld [tilespmem:s18+$0xFFFFFF30];
	[tilespmem:s1+$0x1B060] =	vst v2  }
0x39d: {  	v2 =	vld [tilespmem:s11+$0xFFFFFF80]  }
0x39e: {  	s29 =	sadd.s32 $0x100, s4;
	v8 =	vadd.s32 v8, v9;
	v5 =	vld [tilespmem:s28+$0xFFFFFF70];
	s28 =	simm.s32 $0x18380  }
.LBB2_22:
0x39f: {  	v9 =	vld [tilespmem:s29+$0xFFFFFF90];
	[tilespmem:s17+$0x1B430] =	vst v8;
	s18 =	sadd.s32 $0x200, s18;
	v3 =	vadd.s32 v3, v4  }
0x3a0: {  	v4 =	vld [tilespmem:s18+$0x0];
	[tilespmem:s1+$0x1B470] =	vst v3  }
0x3a1: {  	v3 =	vadd.s32 v6, v7;
	v6 =	vld [tilespmem:s4+$0xFFFFFFD0]  }
0x3a2: {  	s25 =	sadd.s32 $0x2, s25;
	s26 =	sadd.s32 $0x1, s26;
	[tilespmem:s17+$0x1B030] =	vst v3;
	v3 =	vld [tilespmem:s28+$0x40]  }
0x3a3: {  	s2 =	sand.u32 $0x10, s25;
	s15 =	sand.u32 $0x7, s26;
	p0 =	slt.u32 s25, $0x1E;
	v7 =	vld [tilespmem:s29+$0xFFFFFF10];
	v2 =	vadd.s32 v2, v5  }
0x3a4: {  	s2 =	sor.u32 s2, s15;
	v5 =	vld [tilespmem:s18+$0xFFFFFF00];
	[tilespmem:s1+$0x1B070] =	vst v2;
	s1 =	smov.u32 s17  }
0x3a5: {  	s17 =	sshll.u32 s2, $0x7;
	v2 =	vadd.s32 v9, v4;
	v4 =	vld [tilespmem:s4+$0xFFFFFF50]  }
0x3a6: {  	[tilespmem:s17+$0x1B400] =	vst v2;
	v2 =	vld [tilespmem:s28+$0xFFFFFF40]  }
0x3a7: {  	v8 =	vld [tilespmem:s29+$0xFFFFFFA0];
	v3 =	vadd.s32 v6, v3  }
0x3a8: {  	v6 =	vld [tilespmem:s18+$0x10];
	[tilespmem:s1+$0x1B440] =	vst v3  }
0x3a9: {  	v3 =	vadd.s32 v7, v5;
	v5 =	vld [tilespmem:s4+$0xFFFFFFE0]  }
0x3aa: {  	[tilespmem:s17+$0x1B000] =	vst v3;
	v3 =	vld [tilespmem:s28+$0x50]  }
0x3ab: {  	v7 =	vld [tilespmem:s29+$0xFFFFFF20];
	v2 =	vadd.s32 v4, v2  }
0x3ac: {  	v4 =	vld [tilespmem:s18+$0xFFFFFF10];
	[tilespmem:s1+$0x1B040] =	vst v2  }
0x3ad: {  	v2 =	vadd.s32 v8, v6;
	v6 =	vld [tilespmem:s4+$0xFFFFFF60]  }
0x3ae: {  	[tilespmem:s17+$0x1B410] =	vst v2;
	v2 =	vld [tilespmem:s28+$0xFFFFFF50]  }
0x3af: {  	v8 =	vld [tilespmem:s29+$0xFFFFFFB0];
	v3 =	vadd.s32 v5, v3  }
0x3b0: {  	v5 =	vld [tilespmem:s18+$0x20];
	[tilespmem:s1+$0x1B450] =	vst v3  }
0x3b1: {  	v3 =	vadd.s32 v7, v4;
	v4 =	vld [tilespmem:s4+$0xFFFFFFF0]  }
0x3b2: {  	[tilespmem:s17+$0x1B010] =	vst v3;
	v3 =	vld [tilespmem:s28+$0x60]  }
0x3b3: {  	v7 =	vld [tilespmem:s29+$0xFFFFFF30];
	v2 =	vadd.s32 v6, v2  }
0x3b4: {  	v6 =	vld [tilespmem:s18+$0xFFFFFF20];
	[tilespmem:s1+$0x1B050] =	vst v2  }
0x3b5: {  	v2 =	vadd.s32 v8, v5;
	v5 =	vld [tilespmem:s4+$0xFFFFFF70]  }
0x3b6: {  	[tilespmem:s17+$0x1B420] =	vst v2;
	v2 =	vld [tilespmem:s28+$0xFFFFFF60]  }
0x3b7: {  	v8 =	vld [tilespmem:s29+$0xFFFFFFC0];
	v3 =	vadd.s32 v4, v3  }
0x3b8: {  	v9 =	vld [tilespmem:s18+$0x30];
	[tilespmem:s1+$0x1B460] =	vst v3  }
0x3b9: {  	v4 =	vadd.s32 v7, v6;
	v3 =	vld [tilespmem:s4+$0x0]  }
.Ltmp10:
0x3ba: {  	[tilespmem:s17+$0x1B020] =	vst v4;
	v4 =	vld [tilespmem:s28+$0x70];
	(pc) =	sbr.rel @p0 .LBB2_22-.Ltmp10, $4  }
0x3bb: {  	v6 =	vld [tilespmem:s29+$0xFFFFFF40];
	v2 =	vadd.s32 v5, v2  }
0x3bc: {  	v7 =	vld [tilespmem:s18+$0xFFFFFF30];
	[tilespmem:s1+$0x1B060] =	vst v2  }
0x3bd: {  	v2 =	vld [tilespmem:s4+$0xFFFFFF80];
	s4 =	smov.u32 s29  }
0x3be: {  	v8 =	vadd.s32 v8, v9;
	s29 =	sadd.s32 $0x100, s29;
	v5 =	vld [tilespmem:s28+$0xFFFFFF70];
	s28 =	smov.u32 s18  }
0x3bf: {  	_ = 	snop  }
0x3c0: {  	[tilespmem:s17+$0x1B430] =	vst v8  }
0x3c1: {  	v54 =	vld [tilespmem:s4+$0xFFFFFFD0];
	v6 =	vadd.s32 v6, v7  }
0x3c2: {  	v55 =	vld [tilespmem:s28+$0x40];
	[tilespmem:s17+$0x1B030] =	vst v6  }
0x3c3: {  	v56 =	vld [tilespmem:s4+$0xFFFFFF50]  }
0x3c4: {  	v9 =	vld [tilespmem:s28+$0xFFFFFF40];
	_ =	sdelay $0x2  }
0x3c5: {  	v6 =	vadd.s32 v54, v55  }
0x3c6: {  	[tilespmem:s17+$0x1B440] =	vst v6  }
0x3c7: {  	v6 =	vld [tilespmem:s4+$0xFFFFFFE0];
	v57 =	vadd.s32 v56, v9  }
0x3c8: {  	v58 =	vld [tilespmem:s28+$0x50];
	[tilespmem:s17+$0x1B040] =	vst v57  }
0x3c9: {  	v7 =	vld [tilespmem:s4+$0xFFFFFF60]  }
0x3ca: {  	v59 =	vld [tilespmem:s28+$0xFFFFFF50];
	_ =	sdelay $0x2  }
0x3cb: {  	v6 =	vadd.s32 v6, v58  }
0x3cc: {  	[tilespmem:s17+$0x1B450] =	vst v6  }
0x3cd: {  	v6 =	vld [tilespmem:s4+$0xFFFFFFF0];
	v7 =	vadd.s32 v7, v59  }
0x3ce: {  	v60 =	vld [tilespmem:s28+$0x60];
	[tilespmem:s17+$0x1B050] =	vst v7  }
0x3cf: {  	v7 =	vld [tilespmem:s4+$0xFFFFFF70]  }
0x3d0: {  	v61 =	vld [tilespmem:s28+$0xFFFFFF60];
	_ =	sdelay $0x2  }
0x3d1: {  	v6 =	vadd.s32 v6, v60  }
0x3d2: {  	[tilespmem:s17+$0x1B460] =	vst v6  }
0x3d3: {  	v6 =	vld [tilespmem:s4+$0x0];
	v7 =	vadd.s32 v7, v61  }
0x3d4: {  	v62 =	vld [tilespmem:s28+$0x70];
	[tilespmem:s17+$0x1B060] =	vst v7  }
0x3d5: {  	v7 =	vld [tilespmem:s4+$0xFFFFFF80]  }
0x3d6: {  	v63 =	vld [tilespmem:s28+$0xFFFFFF70]  }
0x3d7: {  	s6 =	sadd.s32 $0x1, s6  }
0x3d8: {  	v3 =	vadd.s32 v3, v4;
	p0 =	sne.s32 s6, $0x4  }
.Ltmp11:
0x3d9: {  	[tilespmem:s1+$0x1B470] =	vst v3;
	v2 =	vadd.s32 v2, v5;
	(pc) =	sbr.rel @p0 .LBB2_12-.Ltmp11, $4  }
0x3da: {  	[tilespmem:s1+$0x1B070] =	vst v2;
	v2 =	vadd.s32 v6, v62  }
0x3db: {  	s29 =	sshll.u32 s16, $0x9;
	[tilespmem:s17+$0x1B470] =	vst v2;
	v2 =	vadd.s32 v7, v63  }
0x3dc: {  	s12 =	sadd.s32 $0x2000, s12;
	s11 =	sadd.s32 $0x2000, s11;
	s1 =	sadd.s32 s29, s14;
	[tilespmem:s17+$0x1B070] =	vst v2  }
0x3dd: {  	[hbm4b:s1+s3] =	stream.linear.scatter [tilespmem:s0], [sflag:$0x4], $0x1000, $0x38;
	[tilespmem:$0x1C000] =	vst v63  }
0x3de: {  	s1 =	simm.s32 $0x3  }
0x3df: {  	_ =	swait.ge [sflag:s1], $0x1000  }
0x3e0: {  	[sflag:s1] =	ssyncset.done $0x0  }
0x3e1: {  	[sflag:s1] =	ssyncadd.s32 $0xFFFFF000  }
0x3e2: {  	_ =	swait.ge [sflag:s30], $0x1000  }
0x3e3: {  	s4 =	rddreg [dreg:$0xc]  }
0x3e4: {  	s29 =	rddreg [dreg:$0x9];
	s4 =	sadd.s32 $0x1, s4  }
0x3e5: {  	p0 =	sne.s32 s4, s29  }
.Ltmp12:
0x3e6: {  	_ = 	snop;
	(pc) =	sbr.rel @p0 .LBB2_1-.Ltmp12, $4  }
0x3e7: {  	[sflag:s30] =	ssyncset.done $0x0  }
0x3e8: {  	[sflag:s30] =	ssyncadd.s32 $0xFFFFF000  }
0x3e9: {  	s2 =	rddreg [dreg:$0x0]  }
0x3ea: {  	s15 =	rddreg [dreg:$0x1]  }
0x3eb: {  	_ =	sfence.sel $0x180000  }
0x3ec: {  	[bflag:$0x0] =	sbarrier.arrive $0xFFFF  }
0x3ed: {  	_ =	strace $0x90000047  }
0x3ee: {  	s0 =	stileid.u32;
	[bflag:$0x2] =	sbarrier.arrive $0xFFFF  }
0x3ef: {  	p0 =	sne.s32 s0, $0x0;
	s0 =	rddreg [dreg:$0x4]  }
0x3f0: {  	s0 =	sadd.s32 @!p0 $0x100000, s0  }
0x3f1: {  	[sflag:s0] =	ssyncadd.tile.s32 @!p0 $0x1;
	_ =	shalt  }
.Lfunc_end2:
_tile_overlayer_lowered:
.L_overlay_start_2:
0x3f2: {  	(tag) =	ssettag $0x2  }
0x3f3: {  	s0 =	rddreg [dreg:$0x0];
	s2 =	stileid.u32  }
0x3f4: {  	s1 =	rddreg [dreg:$0x1];
	p0 =	sne.s32 s2, $0x0  }
0x3f5: {  	s3 =	rddreg [dreg:$0x2];
	[bflag:$0x3] =	sbarrier.arrive $0xFFFF;
	s2 =	simm.s32 @!p0 $0x1C05  }
0x3f6: {  	[timem:s3], [sflag:s2] =	dma.local @!p0 [hbm:s0], s1  }
0x3f7: {  	s0 =	simm.s32 @!p0 $0x5  }
0x3f8: {  	_ =	swait.ge @!p0 [sflag:s0], s1  }
0x3f9: {  	s1 =	ssub.s32 @!p0 $0x0, s1;
	[sflag:s0] =	ssyncset.done @!p0 $0x0  }
0x3fa: {  	[sflag:s0] =	ssyncadd.s32 @!p0 s1  }
0x3fb: {  	[bflag:$0x3] =	sbarrier.arrive $0xFFFF  }
0x3fc: {  	_ =	shalt  }

</sc_bundles>
